<compile_context>
chip_gen: v7x
topology: tpu7x:2x2x1
jax: 0.10.2.dev20260603
libtpu: 0.0.44.dev20260713+nightly
codegen_flags: <defaults>
</compile_context>

<pallas_src>
import functools

import jax
import jax.numpy as jnp
from jax import lax
from jax.experimental import pallas as pl
from jax.experimental.pallas import tpu as pltpu
from jax.experimental.pallas import tpu_sc as plsc

_BETA = 0.25
_B = 8192
_D = 1024
_K = 1024
_BLK = 256
_KT = 256
_NH = 1
_BH = _B // _NH



def _dist_argmin(r, cb_ref, nsq_ref, d_s):
    rsq = jnp.sum(r * r, axis=1, keepdims=True)
    for kb in range(_K // _KT):
        sl = slice(kb * _KT, (kb + 1) * _KT)
        xc = lax.dot_general(
            r,
            cb_ref[sl, :],
            (((1,), (1,)), ((), ())),
            preferred_element_type=jnp.float32,
            precision=lax.Precision.DEFAULT,
        )
        d_s[:, sl] = (rsq - 2.0 * xc) + nsq_ref[0, sl]
    d = d_s[...]
    m = jnp.min(d, axis=1)
    jix = lax.broadcasted_iota(jnp.int32, (_BLK, _K), 1)
    idx = jnp.min(
        jnp.where(d == m[:, None], jix, jnp.int32(_K)), axis=1
    ).astype(jnp.int32)
    return idx, m


def _emit_idx(idx_ref, loss_ref, idx, m):
    idx_ref[...] = jnp.stack([idx] * 8, axis=0)
    loss_ref[...] = jnp.full((1, 1, 128), jnp.sum(m), jnp.float32)


def _lvl0_body(x_ref, cb_ref, nsq_ref, idx_ref, loss_ref, d_s):
    idx, m = _dist_argmin(x_ref[...], cb_ref, nsq_ref, d_s)
    _emit_idx(idx_ref, loss_ref, idx, m)


def _lvl1_body(x_ref, xq_ref, cb_ref, nsq_ref, r_ref, oa_ref, idx_ref,
               loss_ref, d_s):
    r = x_ref[...]
    xq = xq_ref[...]
    xqst = r + (xq - r)
    oa_ref[...] = xqst
    rn = r - xqst
    r_ref[...] = rn
    idx, m = _dist_argmin(rn, cb_ref, nsq_ref, d_s)
    _emit_idx(idx_ref, loss_ref, idx, m)


def _lvl2_body(r_in_ref, xq_ref, oa_in_ref, cb_ref, nsq_ref, r_ref, oa_ref,
               idx_ref, loss_ref, d_s):
    r = r_in_ref[...]
    xq = xq_ref[...]
    xqst = r + (xq - r)
    oa_ref[...] = oa_in_ref[...] + xqst
    rn = r - xqst
    r_ref[...] = rn
    idx, m = _dist_argmin(rn, cb_ref, nsq_ref, d_s)
    _emit_idx(idx_ref, loss_ref, idx, m)


def _final_body(r_ref, xq_ref, oa_ref, out_ref):
    r = r_ref[...]
    xq = xq_ref[...]
    out_ref[...] = oa_ref[...] + (r + (xq - r))


def _make_tc(nrows):
    nstep = nrows // _BLK
    row_spec = pl.BlockSpec((_BLK, _D), lambda i: (i, 0))
    cb_spec = pl.BlockSpec((_K, _D), lambda i: (0, 0))
    nsq_spec = pl.BlockSpec((1, _K), lambda i: (0, 0))
    idx_spec = pl.BlockSpec((8, _BLK), lambda i: (0, i))
    loss_spec = pl.BlockSpec((1, 1, 128), lambda i: (i, 0, 0))
    idx_shape = jax.ShapeDtypeStruct((8, nrows), jnp.int32)
    loss_shape = jax.ShapeDtypeStruct((nstep, 1, 128), jnp.float32)
    row_shape = jax.ShapeDtypeStruct((nrows, _D), jnp.float32)
    params = pltpu.CompilerParams(dimension_semantics=("parallel",))
    scratch = [pltpu.VMEM((_BLK, _K), jnp.float32)]

    lvl0 = pl.pallas_call(
        _lvl0_body,
        grid=(nstep,),
        in_specs=[row_spec, cb_spec, nsq_spec],
        out_specs=[idx_spec, loss_spec],
        out_shape=[idx_shape, loss_shape],
        scratch_shapes=scratch,
        compiler_params=params,
    )
    lvl1 = pl.pallas_call(
        _lvl1_body,
        grid=(nstep,),
        in_specs=[row_spec, row_spec, cb_spec, nsq_spec],
        out_specs=[row_spec, row_spec, idx_spec, loss_spec],
        out_shape=[row_shape, row_shape, idx_shape, loss_shape],
        scratch_shapes=scratch,
        compiler_params=params,
    )
    lvl2 = pl.pallas_call(
        _lvl2_body,
        grid=(nstep,),
        in_specs=[row_spec, row_spec, row_spec, cb_spec, nsq_spec],
        out_specs=[row_spec, row_spec, idx_spec, loss_spec],
        out_shape=[row_shape, row_shape, idx_shape, loss_shape],
        scratch_shapes=scratch,
        compiler_params=params,
    )
    final = pl.pallas_call(
        _final_body,
        grid=(nstep,),
        in_specs=[row_spec, row_spec, row_spec],
        out_specs=row_spec,
        out_shape=row_shape,
        compiler_params=params,
    )
    return lvl0, lvl1, lvl2, final


_lvl0, _lvl1, _lvl2, _final = _make_tc(_BH)


_NW = 32
_BPW = _BH // _NW
_GCH = 32


_NCH = _BPW // _GCH


def _sc_gather_body(
    table_hbm, idx_hbm, out_hbm, idx_v, buf0, buf1, sg0, sg1, sw0, sw1
):
    wid = lax.axis_index("s") * 2 + lax.axis_index("c")
    base = wid * _BPW
    pltpu.sync_copy(idx_hbm.at[pl.ds(base, _BPW)], idx_v)
    bufs = (buf0, buf1)
    sgs = (sg0, sg1)
    sws = (sw0, sw1)
    hg = [None] * _NCH
    hw = [None] * _NCH
    hg[0] = pltpu.async_copy(
        table_hbm.at[idx_v.at[pl.ds(0, _GCH)]], bufs[0], sgs[0]
    )
    for c in range(_NCH):
        hg[c].wait()
        if c + 1 < _NCH:
            if c >= 1:
                hw[c - 1].wait()
            hg[c + 1] = pltpu.async_copy(
                table_hbm.at[idx_v.at[pl.ds((c + 1) * _GCH, _GCH)]],
                bufs[(c + 1) % 2],
                sgs[(c + 1) % 2],
            )
        hw[c] = pltpu.async_copy(
            bufs[c % 2], out_hbm.at[pl.ds(base + c * _GCH, _GCH)], sws[c % 2]
        )
    if _NCH >= 2:
        hw[_NCH - 2].wait()
    hw[_NCH - 1].wait()


_sc_gather = functools.partial(
    pl.kernel,
    mesh=plsc.VectorSubcoreMesh(core_axis_name="c", subcore_axis_name="s"),
    out_type=jax.ShapeDtypeStruct((_BH, _D), jnp.float32),
    scratch_types=[
        pltpu.VMEM((_BPW,), jnp.int32),
        pltpu.VMEM((_GCH, _D), jnp.float32),
        pltpu.VMEM((_GCH, _D), jnp.float32),
        pltpu.SemaphoreType.DMA,
        pltpu.SemaphoreType.DMA,
        pltpu.SemaphoreType.DMA,
        pltpu.SemaphoreType.DMA,
    ],
)(_sc_gather_body)



def kernel(x, cb0, cb1, cb2):
    nsqs = [
        jnp.sum(cb**2, axis=1)[None, :] for cb in (cb0, cb1, cb2)
    ]

    xs = [x[h * _BH : (h + 1) * _BH] for h in range(_NH)]
    idx0p, loss0, xq0 = [None] * _NH, [None] * _NH, [None] * _NH
    r1, oa0, idx1p, loss1, xq1 = ([None] * _NH for _ in range(5))
    r2, oa1, idx2p, loss2, xq2 = ([None] * _NH for _ in range(5))
    outh = [None] * _NH

    for h in range(_NH):
        idx0p[h], loss0[h] = _lvl0(xs[h], cb0, nsqs[0])
    for h in range(_NH):
        xq0[h] = _sc_gather(cb0, idx0p[h][0])
    for h in range(_NH):
        r1[h], oa0[h], idx1p[h], loss1[h] = _lvl1(xs[h], xq0[h], cb1, nsqs[1])
    for h in range(_NH):
        xq1[h] = _sc_gather(cb1, idx1p[h][0])
    for h in range(_NH):
        r2[h], oa1[h], idx2p[h], loss2[h] = _lvl2(
            r1[h], xq1[h], oa0[h], cb2, nsqs[2]
        )
    for h in range(_NH):
        xq2[h] = _sc_gather(cb2, idx2p[h][0])
    for h in range(_NH):
        outh[h] = _final(r2[h], xq2[h], oa1[h])

    out = jnp.concatenate(outh, axis=0)
    loss_sum = sum(
        jnp.sum(l[h][:, 0, 0])
        for l in (loss0, loss1, loss2)
        for h in range(_NH)
    )
    rq_loss = loss_sum * ((1.0 + _BETA) / (3.0 * _B * _D))
    indices = jnp.stack(
        [
            jnp.concatenate([idx0p[h][0] for h in range(_NH)]),
            jnp.concatenate([idx1p[h][0] for h in range(_NH)]),
            jnp.concatenate([idx2p[h][0] for h in range(_NH)]),
        ],
        axis=1,
    )
    return out, rq_loss, indices

# --- scband reference (transcript-rebuilt; emitter-appended) ---
"""Pipeline reference for scband-rkmeans-54846732370494 (READ-ONLY COPY).

The authoritative reference and input builder live on the scoring server;
editing this copy changes nothing except your own understanding.
"""

import jax, jax.numpy as jnp
import numpy as np

BETA = 0.25


def setup_inputs(seed: int = 0) -> dict:
    key = jax.random.key(seed)
    k1, k2, k3, k4 = jax.random.split(key, 4)
    x = jax.random.normal(k1, (8192, 1024), dtype=jnp.float32)
    # learned codebooks for each residual hierarchy, sized per num_emb_list=[1024,1024,1024], e_dim=in_dim=1024
    cb0 = jax.random.normal(k2, (1024, 1024), dtype=jnp.float32)
    cb1 = jax.random.normal(k3, (1024, 1024), dtype=jnp.float32) * 0.5
    cb2 = jax.random.normal(k4, (1024, 1024), dtype=jnp.float32) * 0.25
    return {"x": x, "cb0": cb0, "cb1": cb1, "cb2": cb2}


def _vq_layer(residual, cb, beta):
    # squared L2 distances: ||r||^2 - 2 r.E^T + ||E||^2
    d = (jnp.sum(residual ** 2, axis=1, keepdims=True)
         - 2.0 * residual @ cb.T
         + jnp.sum(cb ** 2, axis=1)[None, :])
    idx = jnp.argmin(d, axis=1)
    x_q = jnp.take(cb, idx, axis=0)
    # codebook + commitment loss (VQ-style, beta weighting)
    loss = (jnp.mean((jax.lax.stop_gradient(x_q) - residual) ** 2)
            + beta * jnp.mean((x_q - jax.lax.stop_gradient(residual)) ** 2))
    # straight-through estimator
    x_q_st = residual + jax.lax.stop_gradient(x_q - residual)
    return x_q_st, idx, loss


def reference(x, cb0, cb1, cb2):
    residual = x
    out = jnp.zeros_like(x)
    losses = []
    indices = []
    for cb in (cb0, cb1, cb2):
        x_q, idx, l = _vq_layer(residual, cb, BETA)
        out = out + x_q
        residual = residual - x_q
        losses.append(l)
        indices.append(idx)
    rq_loss = jnp.mean(jnp.stack(losses))
    indices = jnp.stack(indices, axis=1)  # (B, num_levels)
    return out, rq_loss, indices

if __name__ == "__main__":
    import jax
    _d = setup_inputs()
    print(jax.jit(kernel)(*tuple(_d.values())))

</pallas_src>

<mosaic_0001>
#map = affine_map<(d0, d1) -> (0, 0)>
#map1 = affine_map<(d0, d1) -> (0)>
module attributes {stable_mosaic.version = 14 : i64} {
  func.func @_sc_gather_body(%arg0: i32, %arg1: i32, %arg2: memref<1024x1024xf32, #tpu.memory_space<hbm>>, %arg3: memref<8192xi32, #tpu.memory_space<hbm>>, %arg4: memref<8192x1024xf32, #tpu.memory_space<hbm>>, %arg5: memref<256xi32, #tpu.memory_space<vmem>>, %arg6: memref<32x1024xf32, #tpu.memory_space<vmem>>, %arg7: memref<32x1024xf32, #tpu.memory_space<vmem>>, %arg8: memref<!tpu.dma_semaphore, #tpu.memory_space<semaphore_mem>>, %arg9: memref<!tpu.dma_semaphore, #tpu.memory_space<semaphore_mem>>, %arg10: memref<!tpu.dma_semaphore, #tpu.memory_space<semaphore_mem>>, %arg11: memref<!tpu.dma_semaphore, #tpu.memory_space<semaphore_mem>>) attributes {dimension_semantics = [#tpu.dimension_semantics<core_parallel>, #tpu.dimension_semantics<subcore_parallel>], iteration_bounds = array<i64: 2, 16>, scalar_prefetch = 0 : i64, scratch_operands = 7 : i64, tpu.core_type = #tpu.core_type<sc_vector_subcore>, window_params = [{transform_indices = #map}, {transform_indices = #map1}, {transform_indices = #map}]} {
    %mul3A = arith.constant 2 : i32
    %mul3A_0 = arith.muli %arg1, %mul3A : i32
    %add3A = arith.addi %mul3A_0, %arg0 : i32
    %mul3A_1 = arith.constant 256 : i32
    %mul3A_2 = arith.muli %add3A, %mul3A_1 : i32
    "tpu.region"() ({
      %run_scoped3A = tpu.sem_alloc : memref<!tpu.dma_semaphore, #tpu.memory_space<semaphore_mem>>
      %dma_start3A_161 = tpu.memref_slice %arg3[%mul3A_2] : memref<8192xi32, #tpu.memory_space<hbm>> -> memref<256xi32, #tpu.memory_space<hbm>>
      %dma_start3A_162 = tpu.memref_slice %arg3[%mul3A_2] : memref<8192xi32, #tpu.memory_space<hbm>> -> memref<256xi32, #tpu.memory_space<hbm>>
      tpu.enqueue_dma source(%dma_start3A_162 : memref<256xi32, #tpu.memory_space<hbm>>) target(%arg5 : memref<256xi32, #tpu.memory_space<vmem>>) target_semaphore(%run_scoped3A : memref<!tpu.dma_semaphore, #tpu.memory_space<semaphore_mem>>)
      %dma_wait3A_163 = tpu.memref_slice %arg3[%mul3A_2] : memref<8192xi32, #tpu.memory_space<hbm>> -> memref<256xi32, #tpu.memory_space<hbm>>
      %dma_wait3A_164 = tpu.memref_slice %arg3[%mul3A_2] : memref<8192xi32, #tpu.memory_space<hbm>> -> memref<256xi32, #tpu.memory_space<hbm>>
      tpu.wait_dma2 semaphore(%run_scoped3A : memref<!tpu.dma_semaphore, #tpu.memory_space<semaphore_mem>>) src(%dma_wait3A_164 : memref<256xi32, #tpu.memory_space<hbm>>) dst(%arg5 : memref<256xi32, #tpu.memory_space<vmem>>)
      tpu.yield
    }) : () -> ()
    %dma_start3A = arith.constant 0 : i32
    %dma_start3A_3 = tpu.memref_slice %arg5[%dma_start3A] : memref<256xi32, #tpu.memory_space<vmem>> -> memref<32xi32, #tpu.memory_space<vmem>>
    %dma_start3A_4 = arith.constant 0 : i32
    %dma_start3A_5 = arith.constant 0 : i32
    %dma_start3A_6 = tpu.memref_slice %arg2[%dma_start3A_4, %dma_start3A_5] : memref<1024x1024xf32, #tpu.memory_space<hbm>> -> memref<1024x1024xf32, #tpu.memory_space<hbm>>
    tpu.enqueue_indirect_dma source(%dma_start3A_6 : memref<1024x1024xf32, #tpu.memory_space<hbm>>) target(%arg6 : memref<32x1024xf32, #tpu.memory_space<vmem>>) offsets(%dma_start3A_3 : memref<32xi32, #tpu.memory_space<vmem>>) semaphore(%arg8 : memref<!tpu.dma_semaphore, #tpu.memory_space<semaphore_mem>>)
    %dma_wait3A = arith.constant 0 : i32
    %dma_wait3A_7 = tpu.memref_slice %arg5[%dma_wait3A] : memref<256xi32, #tpu.memory_space<vmem>> -> memref<32xi32, #tpu.memory_space<vmem>>
    %dma_wait3A_8 = arith.constant 0 : i32
    %dma_wait3A_9 = arith.constant 0 : i32
    %dma_wait3A_10 = tpu.memref_slice %arg2[%dma_wait3A_8, %dma_wait3A_9] : memref<1024x1024xf32, #tpu.memory_space<hbm>> -> memref<1024x1024xf32, #tpu.memory_space<hbm>>
    tpu.wait_indirect_dma semaphore(%arg8 : memref<!tpu.dma_semaphore, #tpu.memory_space<semaphore_mem>>) src(%dma_wait3A_10 : memref<1024x1024xf32, #tpu.memory_space<hbm>>) dst(%arg6 : memref<32x1024xf32, #tpu.memory_space<vmem>>)
    %dma_start3A_11 = arith.constant 32 : i32
    %dma_start3A_12 = tpu.memref_slice %arg5[%dma_start3A_11] : memref<256xi32, #tpu.memory_space<vmem>> -> memref<32xi32, #tpu.memory_space<vmem>>
    %dma_start3A_13 = arith.constant 0 : i32
    %dma_start3A_14 = arith.constant 0 : i32
    %dma_start3A_15 = tpu.memref_slice %arg2[%dma_start3A_13, %dma_start3A_14] : memref<1024x1024xf32, #tpu.memory_space<hbm>> -> memref<1024x1024xf32, #tpu.memory_space<hbm>>
    tpu.enqueue_indirect_dma source(%dma_start3A_15 : memref<1024x1024xf32, #tpu.memory_space<hbm>>) target(%arg7 : memref<32x1024xf32, #tpu.memory_space<vmem>>) offsets(%dma_start3A_12 : memref<32xi32, #tpu.memory_space<vmem>>) semaphore(%arg9 : memref<!tpu.dma_semaphore, #tpu.memory_space<semaphore_mem>>)
    %add3A_16 = arith.constant 0 : i32
    %add3A_17 = arith.addi %mul3A_2, %add3A_16 : i32
    %dma_start3A_18 = arith.constant 0 : i32
    %dma_start3A_19 = tpu.memref_slice %arg4[%add3A_17, %dma_start3A_18] : memref<8192x1024xf32, #tpu.memory_space<hbm>> -> memref<32x1024xf32, #tpu.memory_space<hbm>>
    %dma_start3A_20 = arith.constant 0 : i32
    %dma_start3A_21 = tpu.memref_slice %arg4[%add3A_17, %dma_start3A_20] : memref<8192x1024xf32, #tpu.memory_space<hbm>> -> memref<32x1024xf32, #tpu.memory_space<hbm>>
    tpu.enqueue_dma source(%arg6 : memref<32x1024xf32, #tpu.memory_space<vmem>>) target(%dma_start3A_21 : memref<32x1024xf32, #tpu.memory_space<hbm>>) target_semaphore(%arg10 : memref<!tpu.dma_semaphore, #tpu.memory_space<semaphore_mem>>)
    %dma_wait3A_22 = arith.constant 32 : i32
    %dma_wait3A_23 = tpu.memref_slice %arg5[%dma_wait3A_22] : memref<256xi32, #tpu.memory_space<vmem>> -> memref<32xi32, #tpu.memory_space<vmem>>
    %dma_wait3A_24 = arith.constant 0 : i32
    %dma_wait3A_25 = arith.constant 0 : i32
    %dma_wait3A_26 = tpu.memref_slice %arg2[%dma_wait3A_24, %dma_wait3A_25] : memref<1024x1024xf32, #tpu.memory_space<hbm>> -> memref<1024x1024xf32, #tpu.memory_space<hbm>>
    tpu.wait_indirect_dma semaphore(%arg9 : memref<!tpu.dma_semaphore, #tpu.memory_space<semaphore_mem>>) src(%dma_wait3A_26 : memref<1024x1024xf32, #tpu.memory_space<hbm>>) dst(%arg7 : memref<32x1024xf32, #tpu.memory_space<vmem>>)
    %dma_wait3A_27 = arith.constant 0 : i32
    %dma_wait3A_28 = tpu.memref_slice %arg4[%add3A_17, %dma_wait3A_27] : memref<8192x1024xf32, #tpu.memory_space<hbm>> -> memref<32x1024xf32, #tpu.memory_space<hbm>>
    %dma_wait3A_29 = arith.constant 0 : i32
    %dma_wait3A_30 = tpu.memref_slice %arg4[%add3A_17, %dma_wait3A_29] : memref<8192x1024xf32, #tpu.memory_space<hbm>> -> memref<32x1024xf32, #tpu.memory_space<hbm>>
    tpu.wait_dma2 semaphore(%arg10 : memref<!tpu.dma_semaphore, #tpu.memory_space<semaphore_mem>>) src(%arg6 : memref<32x1024xf32, #tpu.memory_space<vmem>>) dst(%dma_wait3A_30 : memref<32x1024xf32, #tpu.memory_space<hbm>>)
    %dma_start3A_31 = arith.constant 64 : i32
    %dma_start3A_32 = tpu.memref_slice %arg5[%dma_start3A_31] : memref<256xi32, #tpu.memory_space<vmem>> -> memref<32xi32, #tpu.memory_space<vmem>>
    %dma_start3A_33 = arith.constant 0 : i32
    %dma_start3A_34 = arith.constant 0 : i32
    %dma_start3A_35 = tpu.memref_slice %arg2[%dma_start3A_33, %dma_start3A_34] : memref<1024x1024xf32, #tpu.memory_space<hbm>> -> memref<1024x1024xf32, #tpu.memory_space<hbm>>
    tpu.enqueue_indirect_dma source(%dma_start3A_35 : memref<1024x1024xf32, #tpu.memory_space<hbm>>) target(%arg6 : memref<32x1024xf32, #tpu.memory_space<vmem>>) offsets(%dma_start3A_32 : memref<32xi32, #tpu.memory_space<vmem>>) semaphore(%arg8 : memref<!tpu.dma_semaphore, #tpu.memory_space<semaphore_mem>>)
    %add3A_36 = arith.constant 32 : i32
    %add3A_37 = arith.addi %mul3A_2, %add3A_36 : i32
    %dma_start3A_38 = arith.constant 0 : i32
    %dma_start3A_39 = tpu.memref_slice %arg4[%add3A_37, %dma_start3A_38] : memref<8192x1024xf32, #tpu.memory_space<hbm>> -> memref<32x1024xf32, #tpu.memory_space<hbm>>
    %dma_start3A_40 = arith.constant 0 : i32
    %dma_start3A_41 = tpu.memref_slice %arg4[%add3A_37, %dma_start3A_40] : memref<8192x1024xf32, #tpu.memory_space<hbm>> -> memref<32x1024xf32, #tpu.memory_space<hbm>>
    tpu.enqueue_dma source(%arg7 : memref<32x1024xf32, #tpu.memory_space<vmem>>) target(%dma_start3A_41 : memref<32x1024xf32, #tpu.memory_space<hbm>>) target_semaphore(%arg11 : memref<!tpu.dma_semaphore, #tpu.memory_space<semaphore_mem>>)
    %dma_wait3A_42 = arith.constant 64 : i32
    %dma_wait3A_43 = tpu.memref_slice %arg5[%dma_wait3A_42] : memref<256xi32, #tpu.memory_space<vmem>> -> memref<32xi32, #tpu.memory_space<vmem>>
    %dma_wait3A_44 = arith.constant 0 : i32
    %dma_wait3A_45 = arith.constant 0 : i32
    %dma_wait3A_46 = tpu.memref_slice %arg2[%dma_wait3A_44, %dma_wait3A_45] : memref<1024x1024xf32, #tpu.memory_space<hbm>> -> memref<1024x1024xf32, #tpu.memory_space<hbm>>
    tpu.wait_indirect_dma semaphore(%arg8 : memref<!tpu.dma_semaphore, #tpu.memory_space<semaphore_mem>>) src(%dma_wait3A_46 : memref<1024x1024xf32, #tpu.memory_space<hbm>>) dst(%arg6 : memref<32x1024xf32, #tpu.memory_space<vmem>>)
    %dma_wait3A_47 = arith.constant 0 : i32
    %dma_wait3A_48 = tpu.memref_slice %arg4[%add3A_37, %dma_wait3A_47] : memref<8192x1024xf32, #tpu.memory_space<hbm>> -> memref<32x1024xf32, #tpu.memory_space<hbm>>
    %dma_wait3A_49 = arith.constant 0 : i32
    %dma_wait3A_50 = tpu.memref_slice %arg4[%add3A_37, %dma_wait3A_49] : memref<8192x1024xf32, #tpu.memory_space<hbm>> -> memref<32x1024xf32, #tpu.memory_space<hbm>>
    tpu.wait_dma2 semaphore(%arg11 : memref<!tpu.dma_semaphore, #tpu.memory_space<semaphore_mem>>) src(%arg7 : memref<32x1024xf32, #tpu.memory_space<vmem>>) dst(%dma_wait3A_50 : memref<32x1024xf32, #tpu.memory_space<hbm>>)
    %dma_start3A_51 = arith.constant 96 : i32
    %dma_start3A_52 = tpu.memref_slice %arg5[%dma_start3A_51] : memref<256xi32, #tpu.memory_space<vmem>> -> memref<32xi32, #tpu.memory_space<vmem>>
    %dma_start3A_53 = arith.constant 0 : i32
    %dma_start3A_54 = arith.constant 0 : i32
    %dma_start3A_55 = tpu.memref_slice %arg2[%dma_start3A_53, %dma_start3A_54] : memref<1024x1024xf32, #tpu.memory_space<hbm>> -> memref<1024x1024xf32, #tpu.memory_space<hbm>>
    tpu.enqueue_indirect_dma source(%dma_start3A_55 : memref<1024x1024xf32, #tpu.memory_space<hbm>>) target(%arg7 : memref<32x1024xf32, #tpu.memory_space<vmem>>) offsets(%dma_start3A_52 : memref<32xi32, #tpu.memory_space<vmem>>) semaphore(%arg9 : memref<!tpu.dma_semaphore, #tpu.memory_space<semaphore_mem>>)
    %add3A_56 = arith.constant 64 : i32
    %add3A_57 = arith.addi %mul3A_2, %add3A_56 : i32
    %dma_start3A_58 = arith.constant 0 : i32
    %dma_start3A_59 = tpu.memref_slice %arg4[%add3A_57, %dma_start3A_58] : memref<8192x1024xf32, #tpu.memory_space<hbm>> -> memref<32x1024xf32, #tpu.memory_space<hbm>>
    %dma_start3A_60 = arith.constant 0 : i32
    %dma_start3A_61 = tpu.memref_slice %arg4[%add3A_57, %dma_start3A_60] : memref<8192x1024xf32, #tpu.memory_space<hbm>> -> memref<32x1024xf32, #tpu.memory_space<hbm>>
    tpu.enqueue_dma source(%arg6 : memref<32x1024xf32, #tpu.memory_space<vmem>>) target(%dma_start3A_61 : memref<32x1024xf32, #tpu.memory_space<hbm>>) target_semaphore(%arg10 : memref<!tpu.dma_semaphore, #tpu.memory_space<semaphore_mem>>)
    %dma_wait3A_62 = arith.constant 96 : i32
    %dma_wait3A_63 = tpu.memref_slice %arg5[%dma_wait3A_62] : memref<256xi32, #tpu.memory_space<vmem>> -> memref<32xi32, #tpu.memory_space<vmem>>
    %dma_wait3A_64 = arith.constant 0 : i32
    %dma_wait3A_65 = arith.constant 0 : i32
    %dma_wait3A_66 = tpu.memref_slice %arg2[%dma_wait3A_64, %dma_wait3A_65] : memref<1024x1024xf32, #tpu.memory_space<hbm>> -> memref<1024x1024xf32, #tpu.memory_space<hbm>>
    tpu.wait_indirect_dma semaphore(%arg9 : memref<!tpu.dma_semaphore, #tpu.memory_space<semaphore_mem>>) src(%dma_wait3A_66 : memref<1024x1024xf32, #tpu.memory_space<hbm>>) dst(%arg7 : memref<32x1024xf32, #tpu.memory_space<vmem>>)
    %dma_wait3A_67 = arith.constant 0 : i32
    %dma_wait3A_68 = tpu.memref_slice %arg4[%add3A_57, %dma_wait3A_67] : memref<8192x1024xf32, #tpu.memory_space<hbm>> -> memref<32x1024xf32, #tpu.memory_space<hbm>>
    %dma_wait3A_69 = arith.constant 0 : i32
    %dma_wait3A_70 = tpu.memref_slice %arg4[%add3A_57, %dma_wait3A_69] : memref<8192x1024xf32, #tpu.memory_space<hbm>> -> memref<32x1024xf32, #tpu.memory_space<hbm>>
    tpu.wait_dma2 semaphore(%arg10 : memref<!tpu.dma_semaphore, #tpu.memory_space<semaphore_mem>>) src(%arg6 : memref<32x1024xf32, #tpu.memory_space<vmem>>) dst(%dma_wait3A_70 : memref<32x1024xf32, #tpu.memory_space<hbm>>)
    %dma_start3A_71 = arith.constant 128 : i32
    %dma_start3A_72 = tpu.memref_slice %arg5[%dma_start3A_71] : memref<256xi32, #tpu.memory_space<vmem>> -> memref<32xi32, #tpu.memory_space<vmem>>
    %dma_start3A_73 = arith.constant 0 : i32
    %dma_start3A_74 = arith.constant 0 : i32
    %dma_start3A_75 = tpu.memref_slice %arg2[%dma_start3A_73, %dma_start3A_74] : memref<1024x1024xf32, #tpu.memory_space<hbm>> -> memref<1024x1024xf32, #tpu.memory_space<hbm>>
    tpu.enqueue_indirect_dma source(%dma_start3A_75 : memref<1024x1024xf32, #tpu.memory_space<hbm>>) target(%arg6 : memref<32x1024xf32, #tpu.memory_space<vmem>>) offsets(%dma_start3A_72 : memref<32xi32, #tpu.memory_space<vmem>>) semaphore(%arg8 : memref<!tpu.dma_semaphore, #tpu.memory_space<semaphore_mem>>)
    %add3A_76 = arith.constant 96 : i32
    %add3A_77 = arith.addi %mul3A_2, %add3A_76 : i32
    %dma_start3A_78 = arith.constant 0 : i32
    %dma_start3A_79 = tpu.memref_slice %arg4[%add3A_77, %dma_start3A_78] : memref<8192x1024xf32, #tpu.memory_space<hbm>> -> memref<32x1024xf32, #tpu.memory_space<hbm>>
    %dma_start3A_80 = arith.constant 0 : i32
    %dma_start3A_81 = tpu.memref_slice %arg4[%add3A_77, %dma_start3A_80] : memref<8192x1024xf32, #tpu.memory_space<hbm>> -> memref<32x1024xf32, #tpu.memory_space<hbm>>
    tpu.enqueue_dma source(%arg7 : memref<32x1024xf32, #tpu.memory_space<vmem>>) target(%dma_start3A_81 : memref<32x1024xf32, #tpu.memory_space<hbm>>) target_semaphore(%arg11 : memref<!tpu.dma_semaphore, #tpu.memory_space<semaphore_mem>>)
    %dma_wait3A_82 = arith.constant 128 : i32
    %dma_wait3A_83 = tpu.memref_slice %arg5[%dma_wait3A_82] : memref<256xi32, #tpu.memory_space<vmem>> -> memref<32xi32, #tpu.memory_space<vmem>>
    %dma_wait3A_84 = arith.constant 0 : i32
    %dma_wait3A_85 = arith.constant 0 : i32
    %dma_wait3A_86 = tpu.memref_slice %arg2[%dma_wait3A_84, %dma_wait3A_85] : memref<1024x1024xf32, #tpu.memory_space<hbm>> -> memref<1024x1024xf32, #tpu.memory_space<hbm>>
    tpu.wait_indirect_dma semaphore(%arg8 : memref<!tpu.dma_semaphore, #tpu.memory_space<semaphore_mem>>) src(%dma_wait3A_86 : memref<1024x1024xf32, #tpu.memory_space<hbm>>) dst(%arg6 : memref<32x1024xf32, #tpu.memory_space<vmem>>)
    %dma_wait3A_87 = arith.constant 0 : i32
    %dma_wait3A_88 = tpu.memref_slice %arg4[%add3A_77, %dma_wait3A_87] : memref<8192x1024xf32, #tpu.memory_space<hbm>> -> memref<32x1024xf32, #tpu.memory_space<hbm>>
    %dma_wait3A_89 = arith.constant 0 : i32
    %dma_wait3A_90 = tpu.memref_slice %arg4[%add3A_77, %dma_wait3A_89] : memref<8192x1024xf32, #tpu.memory_space<hbm>> -> memref<32x1024xf32, #tpu.memory_space<hbm>>
    tpu.wait_dma2 semaphore(%arg11 : memref<!tpu.dma_semaphore, #tpu.memory_space<semaphore_mem>>) src(%arg7 : memref<32x1024xf32, #tpu.memory_space<vmem>>) dst(%dma_wait3A_90 : memref<32x1024xf32, #tpu.memory_space<hbm>>)
    %dma_start3A_91 = arith.constant 160 : i32
    %dma_start3A_92 = tpu.memref_slice %arg5[%dma_start3A_91] : memref<256xi32, #tpu.memory_space<vmem>> -> memref<32xi32, #tpu.memory_space<vmem>>
    %dma_start3A_93 = arith.constant 0 : i32
    %dma_start3A_94 = arith.constant 0 : i32
    %dma_start3A_95 = tpu.memref_slice %arg2[%dma_start3A_93, %dma_start3A_94] : memref<1024x1024xf32, #tpu.memory_space<hbm>> -> memref<1024x1024xf32, #tpu.memory_space<hbm>>
    tpu.enqueue_indirect_dma source(%dma_start3A_95 : memref<1024x1024xf32, #tpu.memory_space<hbm>>) target(%arg7 : memref<32x1024xf32, #tpu.memory_space<vmem>>) offsets(%dma_start3A_92 : memref<32xi32, #tpu.memory_space<vmem>>) semaphore(%arg9 : memref<!tpu.dma_semaphore, #tpu.memory_space<semaphore_mem>>)
    %add3A_96 = arith.constant 128 : i32
    %add3A_97 = arith.addi %mul3A_2, %add3A_96 : i32
    %dma_start3A_98 = arith.constant 0 : i32
    %dma_start3A_99 = tpu.memref_slice %arg4[%add3A_97, %dma_start3A_98] : memref<8192x1024xf32, #tpu.memory_space<hbm>> -> memref<32x1024xf32, #tpu.memory_space<hbm>>
    %dma_start3A_100 = arith.constant 0 : i32
    %dma_start3A_101 = tpu.memref_slice %arg4[%add3A_97, %dma_start3A_100] : memref<8192x1024xf32, #tpu.memory_space<hbm>> -> memref<32x1024xf32, #tpu.memory_space<hbm>>
    tpu.enqueue_dma source(%arg6 : memref<32x1024xf32, #tpu.memory_space<vmem>>) target(%dma_start3A_101 : memref<32x1024xf32, #tpu.memory_space<hbm>>) target_semaphore(%arg10 : memref<!tpu.dma_semaphore, #tpu.memory_space<semaphore_mem>>)
    %dma_wait3A_102 = arith.constant 160 : i32
    %dma_wait3A_103 = tpu.memref_slice %arg5[%dma_wait3A_102] : memref<256xi32, #tpu.memory_space<vmem>> -> memref<32xi32, #tpu.memory_space<vmem>>
    %dma_wait3A_104 = arith.constant 0 : i32
    %dma_wait3A_105 = arith.constant 0 : i32
    %dma_wait3A_106 = tpu.memref_slice %arg2[%dma_wait3A_104, %dma_wait3A_105] : memref<1024x1024xf32, #tpu.memory_space<hbm>> -> memref<1024x1024xf32, #tpu.memory_space<hbm>>
    tpu.wait_indirect_dma semaphore(%arg9 : memref<!tpu.dma_semaphore, #tpu.memory_space<semaphore_mem>>) src(%dma_wait3A_106 : memref<1024x1024xf32, #tpu.memory_space<hbm>>) dst(%arg7 : memref<32x1024xf32, #tpu.memory_space<vmem>>)
    %dma_wait3A_107 = arith.constant 0 : i32
    %dma_wait3A_108 = tpu.memref_slice %arg4[%add3A_97, %dma_wait3A_107] : memref<8192x1024xf32, #tpu.memory_space<hbm>> -> memref<32x1024xf32, #tpu.memory_space<hbm>>
    %dma_wait3A_109 = arith.constant 0 : i32
    %dma_wait3A_110 = tpu.memref_slice %arg4[%add3A_97, %dma_wait3A_109] : memref<8192x1024xf32, #tpu.memory_space<hbm>> -> memref<32x1024xf32, #tpu.memory_space<hbm>>
    tpu.wait_dma2 semaphore(%arg10 : memref<!tpu.dma_semaphore, #tpu.memory_space<semaphore_mem>>) src(%arg6 : memref<32x1024xf32, #tpu.memory_space<vmem>>) dst(%dma_wait3A_110 : memref<32x1024xf32, #tpu.memory_space<hbm>>)
    %dma_start3A_111 = arith.constant 192 : i32
    %dma_start3A_112 = tpu.memref_slice %arg5[%dma_start3A_111] : memref<256xi32, #tpu.memory_space<vmem>> -> memref<32xi32, #tpu.memory_space<vmem>>
    %dma_start3A_113 = arith.constant 0 : i32
    %dma_start3A_114 = arith.constant 0 : i32
    %dma_start3A_115 = tpu.memref_slice %arg2[%dma_start3A_113, %dma_start3A_114] : memref<1024x1024xf32, #tpu.memory_space<hbm>> -> memref<1024x1024xf32, #tpu.memory_space<hbm>>
    tpu.enqueue_indirect_dma source(%dma_start3A_115 : memref<1024x1024xf32, #tpu.memory_space<hbm>>) target(%arg6 : memref<32x1024xf32, #tpu.memory_space<vmem>>) offsets(%dma_start3A_112 : memref<32xi32, #tpu.memory_space<vmem>>) semaphore(%arg8 : memref<!tpu.dma_semaphore, #tpu.memory_space<semaphore_mem>>)
    %add3A_116 = arith.constant 160 : i32
    %add3A_117 = arith.addi %mul3A_2, %add3A_116 : i32
    %dma_start3A_118 = arith.constant 0 : i32
    %dma_start3A_119 = tpu.memref_slice %arg4[%add3A_117, %dma_start3A_118] : memref<8192x1024xf32, #tpu.memory_space<hbm>> -> memref<32x1024xf32, #tpu.memory_space<hbm>>
    %dma_start3A_120 = arith.constant 0 : i32
    %dma_start3A_121 = tpu.memref_slice %arg4[%add3A_117, %dma_start3A_120] : memref<8192x1024xf32, #tpu.memory_space<hbm>> -> memref<32x1024xf32, #tpu.memory_space<hbm>>
    tpu.enqueue_dma source(%arg7 : memref<32x1024xf32, #tpu.memory_space<vmem>>) target(%dma_start3A_121 : memref<32x1024xf32, #tpu.memory_space<hbm>>) target_semaphore(%arg11 : memref<!tpu.dma_semaphore, #tpu.memory_space<semaphore_mem>>)
    %dma_wait3A_122 = arith.constant 192 : i32
    %dma_wait3A_123 = tpu.memref_slice %arg5[%dma_wait3A_122] : memref<256xi32, #tpu.memory_space<vmem>> -> memref<32xi32, #tpu.memory_space<vmem>>
    %dma_wait3A_124 = arith.constant 0 : i32
    %dma_wait3A_125 = arith.constant 0 : i32
    %dma_wait3A_126 = tpu.memref_slice %arg2[%dma_wait3A_124, %dma_wait3A_125] : memref<1024x1024xf32, #tpu.memory_space<hbm>> -> memref<1024x1024xf32, #tpu.memory_space<hbm>>
    tpu.wait_indirect_dma semaphore(%arg8 : memref<!tpu.dma_semaphore, #tpu.memory_space<semaphore_mem>>) src(%dma_wait3A_126 : memref<1024x1024xf32, #tpu.memory_space<hbm>>) dst(%arg6 : memref<32x1024xf32, #tpu.memory_space<vmem>>)
    %dma_wait3A_127 = arith.constant 0 : i32
    %dma_wait3A_128 = tpu.memref_slice %arg4[%add3A_117, %dma_wait3A_127] : memref<8192x1024xf32, #tpu.memory_space<hbm>> -> memref<32x1024xf32, #tpu.memory_space<hbm>>
    %dma_wait3A_129 = arith.constant 0 : i32
    %dma_wait3A_130 = tpu.memref_slice %arg4[%add3A_117, %dma_wait3A_129] : memref<8192x1024xf32, #tpu.memory_space<hbm>> -> memref<32x1024xf32, #tpu.memory_space<hbm>>
    tpu.wait_dma2 semaphore(%arg11 : memref<!tpu.dma_semaphore, #tpu.memory_space<semaphore_mem>>) src(%arg7 : memref<32x1024xf32, #tpu.memory_space<vmem>>) dst(%dma_wait3A_130 : memref<32x1024xf32, #tpu.memory_space<hbm>>)
    %dma_start3A_131 = arith.constant 224 : i32
    %dma_start3A_132 = tpu.memref_slice %arg5[%dma_start3A_131] : memref<256xi32, #tpu.memory_space<vmem>> -> memref<32xi32, #tpu.memory_space<vmem>>
    %dma_start3A_133 = arith.constant 0 : i32
    %dma_start3A_134 = arith.constant 0 : i32
    %dma_start3A_135 = tpu.memref_slice %arg2[%dma_start3A_133, %dma_start3A_134] : memref<1024x1024xf32, #tpu.memory_space<hbm>> -> memref<1024x1024xf32, #tpu.memory_space<hbm>>
    tpu.enqueue_indirect_dma source(%dma_start3A_135 : memref<1024x1024xf32, #tpu.memory_space<hbm>>) target(%arg7 : memref<32x1024xf32, #tpu.memory_space<vmem>>) offsets(%dma_start3A_132 : memref<32xi32, #tpu.memory_space<vmem>>) semaphore(%arg9 : memref<!tpu.dma_semaphore, #tpu.memory_space<semaphore_mem>>)
    %add3A_136 = arith.constant 192 : i32
    %add3A_137 = arith.addi %mul3A_2, %add3A_136 : i32
    %dma_start3A_138 = arith.constant 0 : i32
    %dma_start3A_139 = tpu.memref_slice %arg4[%add3A_137, %dma_start3A_138] : memref<8192x1024xf32, #tpu.memory_space<hbm>> -> memref<32x1024xf32, #tpu.memory_space<hbm>>
    %dma_start3A_140 = arith.constant 0 : i32
    %dma_start3A_141 = tpu.memref_slice %arg4[%add3A_137, %dma_start3A_140] : memref<8192x1024xf32, #tpu.memory_space<hbm>> -> memref<32x1024xf32, #tpu.memory_space<hbm>>
    tpu.enqueue_dma source(%arg6 : memref<32x1024xf32, #tpu.memory_space<vmem>>) target(%dma_start3A_141 : memref<32x1024xf32, #tpu.memory_space<hbm>>) target_semaphore(%arg10 : memref<!tpu.dma_semaphore, #tpu.memory_space<semaphore_mem>>)
    %dma_wait3A_142 = arith.constant 224 : i32
    %dma_wait3A_143 = tpu.memref_slice %arg5[%dma_wait3A_142] : memref<256xi32, #tpu.memory_space<vmem>> -> memref<32xi32, #tpu.memory_space<vmem>>
    %dma_wait3A_144 = arith.constant 0 : i32
    %dma_wait3A_145 = arith.constant 0 : i32
    %dma_wait3A_146 = tpu.memref_slice %arg2[%dma_wait3A_144, %dma_wait3A_145] : memref<1024x1024xf32, #tpu.memory_space<hbm>> -> memref<1024x1024xf32, #tpu.memory_space<hbm>>
    tpu.wait_indirect_dma semaphore(%arg9 : memref<!tpu.dma_semaphore, #tpu.memory_space<semaphore_mem>>) src(%dma_wait3A_146 : memref<1024x1024xf32, #tpu.memory_space<hbm>>) dst(%arg7 : memref<32x1024xf32, #tpu.memory_space<vmem>>)
    %add3A_147 = arith.constant 224 : i32
    %add3A_148 = arith.addi %mul3A_2, %add3A_147 : i32
    %dma_start3A_149 = arith.constant 0 : i32
    %dma_start3A_150 = tpu.memref_slice %arg4[%add3A_148, %dma_start3A_149] : memref<8192x1024xf32, #tpu.memory_space<hbm>> -> memref<32x1024xf32, #tpu.memory_space<hbm>>
    %dma_start3A_151 = arith.constant 0 : i32
    %dma_start3A_152 = tpu.memref_slice %arg4[%add3A_148, %dma_start3A_151] : memref<8192x1024xf32, #tpu.memory_space<hbm>> -> memref<32x1024xf32, #tpu.memory_space<hbm>>
    tpu.enqueue_dma source(%arg7 : memref<32x1024xf32, #tpu.memory_space<vmem>>) target(%dma_start3A_152 : memref<32x1024xf32, #tpu.memory_space<hbm>>) target_semaphore(%arg11 : memref<!tpu.dma_semaphore, #tpu.memory_space<semaphore_mem>>)
    %dma_wait3A_153 = arith.constant 0 : i32
    %dma_wait3A_154 = tpu.memref_slice %arg4[%add3A_137, %dma_wait3A_153] : memref<8192x1024xf32, #tpu.memory_space<hbm>> -> memref<32x1024xf32, #tpu.memory_space<hbm>>
    %dma_wait3A_155 = arith.constant 0 : i32
    %dma_wait3A_156 = tpu.memref_slice %arg4[%add3A_137, %dma_wait3A_155] : memref<8192x1024xf32, #tpu.memory_space<hbm>> -> memref<32x1024xf32, #tpu.memory_space<hbm>>
    tpu.wait_dma2 semaphore(%arg10 : memref<!tpu.dma_semaphore, #tpu.memory_space<semaphore_mem>>) src(%arg6 : memref<32x1024xf32, #tpu.memory_space<vmem>>) dst(%dma_wait3A_156 : memref<32x1024xf32, #tpu.memory_space<hbm>>)
    %dma_wait3A_157 = arith.constant 0 : i32
    %dma_wait3A_158 = tpu.memref_slice %arg4[%add3A_148, %dma_wait3A_157] : memref<8192x1024xf32, #tpu.memory_space<hbm>> -> memref<32x1024xf32, #tpu.memory_space<hbm>>
    %dma_wait3A_159 = arith.constant 0 : i32
    %dma_wait3A_160 = tpu.memref_slice %arg4[%add3A_148, %dma_wait3A_159] : memref<8192x1024xf32, #tpu.memory_space<hbm>> -> memref<32x1024xf32, #tpu.memory_space<hbm>>
    tpu.wait_dma2 semaphore(%arg11 : memref<!tpu.dma_semaphore, #tpu.memory_space<semaphore_mem>>) src(%arg7 : memref<32x1024xf32, #tpu.memory_space<vmem>>) dst(%dma_wait3A_160 : memref<32x1024xf32, #tpu.memory_space<hbm>>)
    return
  }
}

#map = affine_map<(d0, d1) -> (0, 0)>
#map1 = affine_map<(d0, d1) -> (0)>
module attributes {stable_mosaic.version = 14 : i64} {
  func.func @_sc_gather_body(%arg0: i32, %arg1: i32, %arg2: memref<1024x1024xf32, #tpu.memory_space<hbm>>, %arg3: memref<8192xi32, #tpu.memory_space<hbm>>, %arg4: memref<8192x1024xf32, #tpu.memory_space<hbm>>, %arg5: memref<256xi32, #tpu.memory_space<vmem>>, %arg6: memref<32x1024xf32, #tpu.memory_space<vmem>>, %arg7: memref<32x1024xf32, #tpu.memory_space<vmem>>, %arg8: memref<!tpu.dma_semaphore, #tpu.memory_space<semaphore_mem>>, %arg9: memref<!tpu.dma_semaphore, #tpu.memory_space<semaphore_mem>>, %arg10: memref<!tpu.dma_semaphore, #tpu.memory_space<semaphore_mem>>, %arg11: memref<!tpu.dma_semaphore, #tpu.memory_space<semaphore_mem>>) attributes {dimension_semantics = [#tpu.dimension_semantics<core_parallel>, #tpu.dimension_semantics<subcore_parallel>], iteration_bounds = array<i64: 2, 16>, scalar_prefetch = 0 : i64, scratch_operands = 7 : i64, tpu.core_type = #tpu.core_type<sc_vector_subcore>, window_params = [{transform_indices = #map}, {transform_indices = #map1}, {transform_indices = #map}]} {
    %mul3A = arith.constant 2 : i32
    %mul3A_0 = arith.muli %arg1, %mul3A : i32
    %add3A = arith.addi %mul3A_0, %arg0 : i32
    %mul3A_1 = arith.constant 256 : i32
    %mul3A_2 = arith.muli %add3A, %mul3A_1 : i32
    "tpu.region"() ({
      %run_scoped3A = tpu.sem_alloc : memref<!tpu.dma_semaphore, #tpu.memory_space<semaphore_mem>>
      %dma_start3A_161 = tpu.memref_slice %arg3[%mul3A_2] : memref<8192xi32, #tpu.memory_space<hbm>> -> memref<256xi32, #tpu.memory_space<hbm>>
      %dma_start3A_162 = tpu.memref_slice %arg3[%mul3A_2] : memref<8192xi32, #tpu.memory_space<hbm>> -> memref<256xi32, #tpu.memory_space<hbm>>
      tpu.enqueue_dma source(%dma_start3A_162 : memref<256xi32, #tpu.memory_space<hbm>>) target(%arg5 : memref<256xi32, #tpu.memory_space<vmem>>) target_semaphore(%run_scoped3A : memref<!tpu.dma_semaphore, #tpu.memory_space<semaphore_mem>>)
      %dma_wait3A_163 = tpu.memref_slice %arg3[%mul3A_2] : memref<8192xi32, #tpu.memory_space<hbm>> -> memref<256xi32, #tpu.memory_space<hbm>>
      %dma_wait3A_164 = tpu.memref_slice %arg3[%mul3A_2] : memref<8192xi32, #tpu.memory_space<hbm>> -> memref<256xi32, #tpu.memory_space<hbm>>
      tpu.wait_dma2 semaphore(%run_scoped3A : memref<!tpu.dma_semaphore, #tpu.memory_space<semaphore_mem>>) src(%dma_wait3A_164 : memref<256xi32, #tpu.memory_space<hbm>>) dst(%arg5 : memref<256xi32, #tpu.memory_space<vmem>>)
      tpu.yield
    }) : () -> ()
    %dma_start3A = arith.constant 0 : i32
    %dma_start3A_3 = tpu.memref_slice %arg5[%dma_start3A] : memref<256xi32, #tpu.memory_space<vmem>> -> memref<32xi32, #tpu.memory_space<vmem>>
    %dma_start3A_4 = arith.constant 0 : i32
    %dma_start3A_5 = arith.constant 0 : i32
    %dma_start3A_6 = tpu.memref_slice %arg2[%dma_start3A_4, %dma_start3A_5] : memref<1024x1024xf32, #tpu.memory_space<hbm>> -> memref<1024x1024xf32, #tpu.memory_space<hbm>>
    tpu.enqueue_indirect_dma source(%dma_start3A_6 : memref<1024x1024xf32, #tpu.memory_space<hbm>>) target(%arg6 : memref<32x1024xf32, #tpu.memory_space<vmem>>) offsets(%dma_start3A_3 : memref<32xi32, #tpu.memory_space<vmem>>) semaphore(%arg8 : memref<!tpu.dma_semaphore, #tpu.memory_space<semaphore_mem>>)
    %dma_wait3A = arith.constant 0 : i32
    %dma_wait3A_7 = tpu.memref_slice %arg5[%dma_wait3A] : memref<256xi32, #tpu.memory_space<vmem>> -> memref<32xi32, #tpu.memory_space<vmem>>
    %dma_wait3A_8 = arith.constant 0 : i32
    %dma_wait3A_9 = arith.constant 0 : i32
    %dma_wait3A_10 = tpu.memref_slice %arg2[%dma_wait3A_8, %dma_wait3A_9] : memref<1024x1024xf32, #tpu.memory_space<hbm>> -> memref<1024x1024xf32, #tpu.memory_space<hbm>>
    tpu.wait_indirect_dma semaphore(%arg8 : memref<!tpu.dma_semaphore, #tpu.memory_space<semaphore_mem>>) src(%dma_wait3A_10 : memref<1024x1024xf32, #tpu.memory_space<hbm>>) dst(%arg6 : memref<32x1024xf32, #tpu.memory_space<vmem>>)
    %dma_start3A_11 = arith.constant 32 : i32
    %dma_start3A_12 = tpu.memref_slice %arg5[%dma_start3A_11] : memref<256xi32, #tpu.memory_space<vmem>> -> memref<32xi32, #tpu.memory_space<vmem>>
    %dma_start3A_13 = arith.constant 0 : i32
    %dma_start3A_14 = arith.constant 0 : i32
    %dma_start3A_15 = tpu.memref_slice %arg2[%dma_start3A_13, %dma_start3A_14] : memref<1024x1024xf32, #tpu.memory_space<hbm>> -> memref<1024x1024xf32, #tpu.memory_space<hbm>>
    tpu.enqueue_indirect_dma source(%dma_start3A_15 : memref<1024x1024xf32, #tpu.memory_space<hbm>>) target(%arg7 : memref<32x1024xf32, #tpu.memory_space<vmem>>) offsets(%dma_start3A_12 : memref<32xi32, #tpu.memory_space<vmem>>) semaphore(%arg9 : memref<!tpu.dma_semaphore, #tpu.memory_space<semaphore_mem>>)
    %add3A_16 = arith.constant 0 : i32
    %add3A_17 = arith.addi %mul3A_2, %add3A_16 : i32
    %dma_start3A_18 = arith.constant 0 : i32
    %dma_start3A_19 = tpu.memref_slice %arg4[%add3A_17, %dma_start3A_18] : memref<8192x1024xf32, #tpu.memory_space<hbm>> -> memref<32x1024xf32, #tpu.memory_space<hbm>>
    %dma_start3A_20 = arith.constant 0 : i32
    %dma_start3A_21 = tpu.memref_slice %arg4[%add3A_17, %dma_start3A_20] : memref<8192x1024xf32, #tpu.memory_space<hbm>> -> memref<32x1024xf32, #tpu.memory_space<hbm>>
    tpu.enqueue_dma source(%arg6 : memref<32x1024xf32, #tpu.memory_space<vmem>>) target(%dma_start3A_21 : memref<32x1024xf32, #tpu.memory_space<hbm>>) target_semaphore(%arg10 : memref<!tpu.dma_semaphore, #tpu.memory_space<semaphore_mem>>)
    %dma_wait3A_22 = arith.constant 32 : i32
    %dma_wait3A_23 = tpu.memref_slice %arg5[%dma_wait3A_22] : memref<256xi32, #tpu.memory_space<vmem>> -> memref<32xi32, #tpu.memory_space<vmem>>
    %dma_wait3A_24 = arith.constant 0 : i32
    %dma_wait3A_25 = arith.constant 0 : i32
    %dma_wait3A_26 = tpu.memref_slice %arg2[%dma_wait3A_24, %dma_wait3A_25] : memref<1024x1024xf32, #tpu.memory_space<hbm>> -> memref<1024x1024xf32, #tpu.memory_space<hbm>>
    tpu.wait_indirect_dma semaphore(%arg9 : memref<!tpu.dma_semaphore, #tpu.memory_space<semaphore_mem>>) src(%dma_wait3A_26 : memref<1024x1024xf32, #tpu.memory_space<hbm>>) dst(%arg7 : memref<32x1024xf32, #tpu.memory_space<vmem>>)
    %dma_wait3A_27 = arith.constant 0 : i32
    %dma_wait3A_28 = tpu.memref_slice %arg4[%add3A_17, %dma_wait3A_27] : memref<8192x1024xf32, #tpu.memory_space<hbm>> -> memref<32x1024xf32, #tpu.memory_space<hbm>>
    %dma_wait3A_29 = arith.constant 0 : i32
    %dma_wait3A_30 = tpu.memref_slice %arg4[%add3A_17, %dma_wait3A_29] : memref<8192x1024xf32, #tpu.memory_space<hbm>> -> memref<32x1024xf32, #tpu.memory_space<hbm>>
    tpu.wait_dma2 semaphore(%arg10 : memref<!tpu.dma_semaphore, #tpu.memory_space<semaphore_mem>>) src(%arg6 : memref<32x1024xf32, #tpu.memory_space<vmem>>) dst(%dma_wait3A_30 : memref<32x1024xf32, #tpu.memory_space<hbm>>)
    %dma_start3A_31 = arith.constant 64 : i32
    %dma_start3A_32 = tpu.memref_slice %arg5[%dma_start3A_31] : memref<256xi32, #tpu.memory_space<vmem>> -> memref<32xi32, #tpu.memory_space<vmem>>
    %dma_start3A_33 = arith.constant 0 : i32
    %dma_start3A_34 = arith.constant 0 : i32
    %dma_start3A_35 = tpu.memref_slice %arg2[%dma_start3A_33, %dma_start3A_34] : memref<1024x1024xf32, #tpu.memory_space<hbm>> -> memref<1024x1024xf32, #tpu.memory_space<hbm>>
    tpu.enqueue_indirect_dma source(%dma_start3A_35 : memref<1024x1024xf32, #tpu.memory_space<hbm>>) target(%arg6 : memref<32x1024xf32, #tpu.memory_space<vmem>>) offsets(%dma_start3A_32 : memref<32xi32, #tpu.memory_space<vmem>>) semaphore(%arg8 : memref<!tpu.dma_semaphore, #tpu.memory_space<semaphore_mem>>)
    %add3A_36 = arith.constant 32 : i32
    %add3A_37 = arith.addi %mul3A_2, %add3A_36 : i32
    %dma_start3A_38 = arith.constant 0 : i32
    %dma_start3A_39 = tpu.memref_slice %arg4[%add3A_37, %dma_start3A_38] : memref<8192x1024xf32, #tpu.memory_space<hbm>> -> memref<32x1024xf32, #tpu.memory_space<hbm>>
    %dma_start3A_40 = arith.constant 0 : i32
    %dma_start3A_41 = tpu.memref_slice %arg4[%add3A_37, %dma_start3A_40] : memref<8192x1024xf32, #tpu.memory_space<hbm>> -> memref<32x1024xf32, #tpu.memory_space<hbm>>
    tpu.enqueue_dma source(%arg7 : memref<32x1024xf32, #tpu.memory_space<vmem>>) target(%dma_start3A_41 : memref<32x1024xf32, #tpu.memory_space<hbm>>) target_semaphore(%arg11 : memref<!tpu.dma_semaphore, #tpu.memory_space<semaphore_mem>>)
    %dma_wait3A_42 = arith.constant 64 : i32
    %dma_wait3A_43 = tpu.memref_slice %arg5[%dma_wait3A_42] : memref<256xi32, #tpu.memory_space<vmem>> -> memref<32xi32, #tpu.memory_space<vmem>>
    %dma_wait3A_44 = arith.constant 0 : i32
    %dma_wait3A_45 = arith.constant 0 : i32
    %dma_wait3A_46 = tpu.memref_slice %arg2[%dma_wait3A_44, %dma_wait3A_45] : memref<1024x1024xf32, #tpu.memory_space<hbm>> -> memref<1024x1024xf32, #tpu.memory_space<hbm>>
    tpu.wait_indirect_dma semaphore(%arg8 : memref<!tpu.dma_semaphore, #tpu.memory_space<semaphore_mem>>) src(%dma_wait3A_46 : memref<1024x1024xf32, #tpu.memory_space<hbm>>) dst(%arg6 : memref<32x1024xf32, #tpu.memory_space<vmem>>)
    %dma_wait3A_47 = arith.constant 0 : i32
    %dma_wait3A_48 = tpu.memref_slice %arg4[%add3A_37, %dma_wait3A_47] : memref<8192x1024xf32, #tpu.memory_space<hbm>> -> memref<32x1024xf32, #tpu.memory_space<hbm>>
    %dma_wait3A_49 = arith.constant 0 : i32
    %dma_wait3A_50 = tpu.memref_slice %arg4[%add3A_37, %dma_wait3A_49] : memref<8192x1024xf32, #tpu.memory_space<hbm>> -> memref<32x1024xf32, #tpu.memory_space<hbm>>
    tpu.wait_dma2 semaphore(%arg11 : memref<!tpu.dma_semaphore, #tpu.memory_space<semaphore_mem>>) src(%arg7 : memref<32x1024xf32, #tpu.memory_space<vmem>>) dst(%dma_wait3A_50 : memref<32x1024xf32, #tpu.memory_space<hbm>>)
    %dma_start3A_51 = arith.constant 96 : i32
    %dma_start3A_52 = tpu.memref_slice %arg5[%dma_start3A_51] : memref<256xi32, #tpu.memory_space<vmem>> -> memref<32xi32, #tpu.memory_space<vmem>>
    %dma_start3A_53 = arith.constant 0 : i32
    %dma_start3A_54 = arith.constant 0 : i32
    %dma_start3A_55 = tpu.memref_slice %arg2[%dma_start3A_53, %dma_start3A_54] : memref<1024x1024xf32, #tpu.memory_space<hbm>> -> memref<1024x1024xf32, #tpu.memory_space<hbm>>
    tpu.enqueue_indirect_dma source(%dma_start3A_55 : memref<1024x1024xf32, #tpu.memory_space<hbm>>) target(%arg7 : memref<32x1024xf32, #tpu.memory_space<vmem>>) offsets(%dma_start3A_52 : memref<32xi32, #tpu.memory_space<vmem>>) semaphore(%arg9 : memref<!tpu.dma_semaphore, #tpu.memory_space<semaphore_mem>>)
    %add3A_56 = arith.constant 64 : i32
    %add3A_57 = arith.addi %mul3A_2, %add3A_56 : i32
    %dma_start3A_58 = arith.constant 0 : i32
    %dma_start3A_59 = tpu.memref_slice %arg4[%add3A_57, %dma_start3A_58] : memref<8192x1024xf32, #tpu.memory_space<hbm>> -> memref<32x1024xf32, #tpu.memory_space<hbm>>
    %dma_start3A_60 = arith.constant 0 : i32
    %dma_start3A_61 = tpu.memref_slice %arg4[%add3A_57, %dma_start3A_60] : memref<8192x1024xf32, #tpu.memory_space<hbm>> -> memref<32x1024xf32, #tpu.memory_space<hbm>>
    tpu.enqueue_dma source(%arg6 : memref<32x1024xf32, #tpu.memory_space<vmem>>) target(%dma_start3A_61 : memref<32x1024xf32, #tpu.memory_space<hbm>>) target_semaphore(%arg10 : memref<!tpu.dma_semaphore, #tpu.memory_space<semaphore_mem>>)
    %dma_wait3A_62 = arith.constant 96 : i32
    %dma_wait3A_63 = tpu.memref_slice %arg5[%dma_wait3A_62] : memref<256xi32, #tpu.memory_space<vmem>> -> memref<32xi32, #tpu.memory_space<vmem>>
    %dma_wait3A_64 = arith.constant 0 : i32
    %dma_wait3A_65 = arith.constant 0 : i32
    %dma_wait3A_66 = tpu.memref_slice %arg2[%dma_wait3A_64, %dma_wait3A_65] : memref<1024x1024xf32, #tpu.memory_space<hbm>> -> memref<1024x1024xf32, #tpu.memory_space<hbm>>
    tpu.wait_indirect_dma semaphore(%arg9 : memref<!tpu.dma_semaphore, #tpu.memory_space<semaphore_mem>>) src(%dma_wait3A_66 : memref<1024x1024xf32, #tpu.memory_space<hbm>>) dst(%arg7 : memref<32x1024xf32, #tpu.memory_space<vmem>>)
    %dma_wait3A_67 = arith.constant 0 : i32
    %dma_wait3A_68 = tpu.memref_slice %arg4[%add3A_57, %dma_wait3A_67] : memref<8192x1024xf32, #tpu.memory_space<hbm>> -> memref<32x1024xf32, #tpu.memory_space<hbm>>
    %dma_wait3A_69 = arith.constant 0 : i32
    %dma_wait3A_70 = tpu.memref_slice %arg4[%add3A_57, %dma_wait3A_69] : memref<8192x1024xf32, #tpu.memory_space<hbm>> -> memref<32x1024xf32, #tpu.memory_space<hbm>>
    tpu.wait_dma2 semaphore(%arg10 : memref<!tpu.dma_semaphore, #tpu.memory_space<semaphore_mem>>) src(%arg6 : memref<32x1024xf32, #tpu.memory_space<vmem>>) dst(%dma_wait3A_70 : memref<32x1024xf32, #tpu.memory_space<hbm>>)
    %dma_start3A_71 = arith.constant 128 : i32
    %dma_start3A_72 = tpu.memref_slice %arg5[%dma_start3A_71] : memref<256xi32, #tpu.memory_space<vmem>> -> memref<32xi32, #tpu.memory_space<vmem>>
    %dma_start3A_73 = arith.constant 0 : i32
    %dma_start3A_74 = arith.constant 0 : i32
    %dma_start3A_75 = tpu.memref_slice %arg2[%dma_start3A_73, %dma_start3A_74] : memref<1024x1024xf32, #tpu.memory_space<hbm>> -> memref<1024x1024xf32, #tpu.memory_space<hbm>>
    tpu.enqueue_indirect_dma source(%dma_start3A_75 : memref<1024x1024xf32, #tpu.memory_space<hbm>>) target(%arg6 : memref<32x1024xf32, #tpu.memory_space<vmem>>) offsets(%dma_start3A_72 : memref<32xi32, #tpu.memory_space<vmem>>) semaphore(%arg8 : memref<!tpu.dma_semaphore, #tpu.memory_space<semaphore_mem>>)
    %add3A_76 = arith.constant 96 : i32
    %add3A_77 = arith.addi %mul3A_2, %add3A_76 : i32
    %dma_start3A_78 = arith.constant 0 : i32
    %dma_start3A_79 = tpu.memref_slice %arg4[%add3A_77, %dma_start3A_78] : memref<8192x1024xf32, #tpu.memory_space<hbm>> -> memref<32x1024xf32, #tpu.memory_space<hbm>>
    %dma_start3A_80 = arith.constant 0 : i32
    %dma_start3A_81 = tpu.memref_slice %arg4[%add3A_77, %dma_start3A_80] : memref<8192x1024xf32, #tpu.memory_space<hbm>> -> memref<32x1024xf32, #tpu.memory_space<hbm>>
    tpu.enqueue_dma source(%arg7 : memref<32x1024xf32, #tpu.memory_space<vmem>>) target(%dma_start3A_81 : memref<32x1024xf32, #tpu.memory_space<hbm>>) target_semaphore(%arg11 : memref<!tpu.dma_semaphore, #tpu.memory_space<semaphore_mem>>)
    %dma_wait3A_82 = arith.constant 128 : i32
    %dma_wait3A_83 = tpu.memref_slice %arg5[%dma_wait3A_82] : memref<256xi32, #tpu.memory_space<vmem>> -> memref<32xi32, #tpu.memory_space<vmem>>
    %dma_wait3A_84 = arith.constant 0 : i32
    %dma_wait3A_85 = arith.constant 0 : i32
    %dma_wait3A_86 = tpu.memref_slice %arg2[%dma_wait3A_84, %dma_wait3A_85] : memref<1024x1024xf32, #tpu.memory_space<hbm>> -> memref<1024x1024xf32, #tpu.memory_space<hbm>>
    tpu.wait_indirect_dma semaphore(%arg8 : memref<!tpu.dma_semaphore, #tpu.memory_space<semaphore_mem>>) src(%dma_wait3A_86 : memref<1024x1024xf32, #tpu.memory_space<hbm>>) dst(%arg6 : memref<32x1024xf32, #tpu.memory_space<vmem>>)
    %dma_wait3A_87 = arith.constant 0 : i32
    %dma_wait3A_88 = tpu.memref_slice %arg4[%add3A_77, %dma_wait3A_87] : memref<8192x1024xf32, #tpu.memory_space<hbm>> -> memref<32x1024xf32, #tpu.memory_space<hbm>>
    %dma_wait3A_89 = arith.constant 0 : i32
    %dma_wait3A_90 = tpu.memref_slice %arg4[%add3A_77, %dma_wait3A_89] : memref<8192x1024xf32, #tpu.memory_space<hbm>> -> memref<32x1024xf32, #tpu.memory_space<hbm>>
    tpu.wait_dma2 semaphore(%arg11 : memref<!tpu.dma_semaphore, #tpu.memory_space<semaphore_mem>>) src(%arg7 : memref<32x1024xf32, #tpu.memory_space<vmem>>) dst(%dma_wait3A_90 : memref<32x1024xf32, #tpu.memory_space<hbm>>)
    %dma_start3A_91 = arith.constant 160 : i32
    %dma_start3A_92 = tpu.memref_slice %arg5[%dma_start3A_91] : memref<256xi32, #tpu.memory_space<vmem>> -> memref<32xi32, #tpu.memory_space<vmem>>
    %dma_start3A_93 = arith.constant 0 : i32
    %dma_start3A_94 = arith.constant 0 : i32
    %dma_start3A_95 = tpu.memref_slice %arg2[%dma_start3A_93, %dma_start3A_94] : memref<1024x1024xf32, #tpu.memory_space<hbm>> -> memref<1024x1024xf32, #tpu.memory_space<hbm>>
    tpu.enqueue_indirect_dma source(%dma_start3A_95 : memref<1024x1024xf32, #tpu.memory_space<hbm>>) target(%arg7 : memref<32x1024xf32, #tpu.memory_space<vmem>>) offsets(%dma_start3A_92 : memref<32xi32, #tpu.memory_space<vmem>>) semaphore(%arg9 : memref<!tpu.dma_semaphore, #tpu.memory_space<semaphore_mem>>)
    %add3A_96 = arith.constant 128 : i32
    %add3A_97 = arith.addi %mul3A_2, %add3A_96 : i32
    %dma_start3A_98 = arith.constant 0 : i32
    %dma_start3A_99 = tpu.memref_slice %arg4[%add3A_97, %dma_start3A_98] : memref<8192x1024xf32, #tpu.memory_space<hbm>> -> memref<32x1024xf32, #tpu.memory_space<hbm>>
    %dma_start3A_100 = arith.constant 0 : i32
    %dma_start3A_101 = tpu.memref_slice %arg4[%add3A_97, %dma_start3A_100] : memref<8192x1024xf32, #tpu.memory_space<hbm>> -> memref<32x1024xf32, #tpu.memory_space<hbm>>
    tpu.enqueue_dma source(%arg6 : memref<32x1024xf32, #tpu.memory_space<vmem>>) target(%dma_start3A_101 : memref<32x1024xf32, #tpu.memory_space<hbm>>) target_semaphore(%arg10 : memref<!tpu.dma_semaphore, #tpu.memory_space<semaphore_mem>>)
    %dma_wait3A_102 = arith.constant 160 : i32
    %dma_wait3A_103 = tpu.memref_slice %arg5[%dma_wait3A_102] : memref<256xi32, #tpu.memory_space<vmem>> -> memref<32xi32, #tpu.memory_space<vmem>>
    %dma_wait3A_104 = arith.constant 0 : i32
    %dma_wait3A_105 = arith.constant 0 : i32
    %dma_wait3A_106 = tpu.memref_slice %arg2[%dma_wait3A_104, %dma_wait3A_105] : memref<1024x1024xf32, #tpu.memory_space<hbm>> -> memref<1024x1024xf32, #tpu.memory_space<hbm>>
    tpu.wait_indirect_dma semaphore(%arg9 : memref<!tpu.dma_semaphore, #tpu.memory_space<semaphore_mem>>) src(%dma_wait3A_106 : memref<1024x1024xf32, #tpu.memory_space<hbm>>) dst(%arg7 : memref<32x1024xf32, #tpu.memory_space<vmem>>)
    %dma_wait3A_107 = arith.constant 0 : i32
    %dma_wait3A_108 = tpu.memref_slice %arg4[%add3A_97, %dma_wait3A_107] : memref<8192x1024xf32, #tpu.memory_space<hbm>> -> memref<32x1024xf32, #tpu.memory_space<hbm>>
    %dma_wait3A_109 = arith.constant 0 : i32
    %dma_wait3A_110 = tpu.memref_slice %arg4[%add3A_97, %dma_wait3A_109] : memref<8192x1024xf32, #tpu.memory_space<hbm>> -> memref<32x1024xf32, #tpu.memory_space<hbm>>
    tpu.wait_dma2 semaphore(%arg10 : memref<!tpu.dma_semaphore, #tpu.memory_space<semaphore_mem>>) src(%arg6 : memref<32x1024xf32, #tpu.memory_space<vmem>>) dst(%dma_wait3A_110 : memref<32x1024xf32, #tpu.memory_space<hbm>>)
    %dma_start3A_111 = arith.constant 192 : i32
    %dma_start3A_112 = tpu.memref_slice %arg5[%dma_start3A_111] : memref<256xi32, #tpu.memory_space<vmem>> -> memref<32xi32, #tpu.memory_space<vmem>>
    %dma_start3A_113 = arith.constant 0 : i32
    %dma_start3A_114 = arith.constant 0 : i32
    %dma_start3A_115 = tpu.memref_slice %arg2[%dma_start3A_113, %dma_start3A_114] : memref<1024x1024xf32, #tpu.memory_space<hbm>> -> memref<1024x1024xf32, #tpu.memory_space<hbm>>
    tpu.enqueue_indirect_dma source(%dma_start3A_115 : memref<1024x1024xf32, #tpu.memory_space<hbm>>) target(%arg6 : memref<32x1024xf32, #tpu.memory_space<vmem>>) offsets(%dma_start3A_112 : memref<32xi32, #tpu.memory_space<vmem>>) semaphore(%arg8 : memref<!tpu.dma_semaphore, #tpu.memory_space<semaphore_mem>>)
    %add3A_116 = arith.constant 160 : i32
    %add3A_117 = arith.addi %mul3A_2, %add3A_116 : i32
    %dma_start3A_118 = arith.constant 0 : i32
    %dma_start3A_119 = tpu.memref_slice %arg4[%add3A_117, %dma_start3A_118] : memref<8192x1024xf32, #tpu.memory_space<hbm>> -> memref<32x1024xf32, #tpu.memory_space<hbm>>
    %dma_start3A_120 = arith.constant 0 : i32
    %dma_start3A_121 = tpu.memref_slice %arg4[%add3A_117, %dma_start3A_120] : memref<8192x1024xf32, #tpu.memory_space<hbm>> -> memref<32x1024xf32, #tpu.memory_space<hbm>>
    tpu.enqueue_dma source(%arg7 : memref<32x1024xf32, #tpu.memory_space<vmem>>) target(%dma_start3A_121 : memref<32x1024xf32, #tpu.memory_space<hbm>>) target_semaphore(%arg11 : memref<!tpu.dma_semaphore, #tpu.memory_space<semaphore_mem>>)
    %dma_wait3A_122 = arith.constant 192 : i32
    %dma_wait3A_123 = tpu.memref_slice %arg5[%dma_wait3A_122] : memref<256xi32, #tpu.memory_space<vmem>> -> memref<32xi32, #tpu.memory_space<vmem>>
    %dma_wait3A_124 = arith.constant 0 : i32
    %dma_wait3A_125 = arith.constant 0 : i32
    %dma_wait3A_126 = tpu.memref_slice %arg2[%dma_wait3A_124, %dma_wait3A_125] : memref<1024x1024xf32, #tpu.memory_space<hbm>> -> memref<1024x1024xf32, #tpu.memory_space<hbm>>
    tpu.wait_indirect_dma semaphore(%arg8 : memref<!tpu.dma_semaphore, #tpu.memory_space<semaphore_mem>>) src(%dma_wait3A_126 : memref<1024x1024xf32, #tpu.memory_space<hbm>>) dst(%arg6 : memref<32x1024xf32, #tpu.memory_space<vmem>>)
    %dma_wait3A_127 = arith.constant 0 : i32
    %dma_wait3A_128 = tpu.memref_slice %arg4[%add3A_117, %dma_wait3A_127] : memref<8192x1024xf32, #tpu.memory_space<hbm>> -> memref<32x1024xf32, #tpu.memory_space<hbm>>
    %dma_wait3A_129 = arith.constant 0 : i32
    %dma_wait3A_130 = tpu.memref_slice %arg4[%add3A_117, %dma_wait3A_129] : memref<8192x1024xf32, #tpu.memory_space<hbm>> -> memref<32x1024xf32, #tpu.memory_space<hbm>>
    tpu.wait_dma2 semaphore(%arg11 : memref<!tpu.dma_semaphore, #tpu.memory_space<semaphore_mem>>) src(%arg7 : memref<32x1024xf32, #tpu.memory_space<vmem>>) dst(%dma_wait3A_130 : memref<32x1024xf32, #tpu.memory_space<hbm>>)
    %dma_start3A_131 = arith.constant 224 : i32
    %dma_start3A_132 = tpu.memref_slice %arg5[%dma_start3A_131] : memref<256xi32, #tpu.memory_space<vmem>> -> memref<32xi32, #tpu.memory_space<vmem>>
    %dma_start3A_133 = arith.constant 0 : i32
    %dma_start3A_134 = arith.constant 0 : i32
    %dma_start3A_135 = tpu.memref_slice %arg2[%dma_start3A_133, %dma_start3A_134] : memref<1024x1024xf32, #tpu.memory_space<hbm>> -> memref<1024x1024xf32, #tpu.memory_space<hbm>>
    tpu.enqueue_indirect_dma source(%dma_start3A_135 : memref<1024x1024xf32, #tpu.memory_space<hbm>>) target(%arg7 : memref<32x1024xf32, #tpu.memory_space<vmem>>) offsets(%dma_start3A_132 : memref<32xi32, #tpu.memory_space<vmem>>) semaphore(%arg9 : memref<!tpu.dma_semaphore, #tpu.memory_space<semaphore_mem>>)
    %add3A_136 = arith.constant 192 : i32
    %add3A_137 = arith.addi %mul3A_2, %add3A_136 : i32
    %dma_start3A_138 = arith.constant 0 : i32
    %dma_start3A_139 = tpu.memref_slice %arg4[%add3A_137, %dma_start3A_138] : memref<8192x1024xf32, #tpu.memory_space<hbm>> -> memref<32x1024xf32, #tpu.memory_space<hbm>>
    %dma_start3A_140 = arith.constant 0 : i32
    %dma_start3A_141 = tpu.memref_slice %arg4[%add3A_137, %dma_start3A_140] : memref<8192x1024xf32, #tpu.memory_space<hbm>> -> memref<32x1024xf32, #tpu.memory_space<hbm>>
    tpu.enqueue_dma source(%arg6 : memref<32x1024xf32, #tpu.memory_space<vmem>>) target(%dma_start3A_141 : memref<32x1024xf32, #tpu.memory_space<hbm>>) target_semaphore(%arg10 : memref<!tpu.dma_semaphore, #tpu.memory_space<semaphore_mem>>)
    %dma_wait3A_142 = arith.constant 224 : i32
    %dma_wait3A_143 = tpu.memref_slice %arg5[%dma_wait3A_142] : memref<256xi32, #tpu.memory_space<vmem>> -> memref<32xi32, #tpu.memory_space<vmem>>
    %dma_wait3A_144 = arith.constant 0 : i32
    %dma_wait3A_145 = arith.constant 0 : i32
    %dma_wait3A_146 = tpu.memref_slice %arg2[%dma_wait3A_144, %dma_wait3A_145] : memref<1024x1024xf32, #tpu.memory_space<hbm>> -> memref<1024x1024xf32, #tpu.memory_space<hbm>>
    tpu.wait_indirect_dma semaphore(%arg9 : memref<!tpu.dma_semaphore, #tpu.memory_space<semaphore_mem>>) src(%dma_wait3A_146 : memref<1024x1024xf32, #tpu.memory_space<hbm>>) dst(%arg7 : memref<32x1024xf32, #tpu.memory_space<vmem>>)
    %add3A_147 = arith.constant 224 : i32
    %add3A_148 = arith.addi %mul3A_2, %add3A_147 : i32
    %dma_start3A_149 = arith.constant 0 : i32
    %dma_start3A_150 = tpu.memref_slice %arg4[%add3A_148, %dma_start3A_149] : memref<8192x1024xf32, #tpu.memory_space<hbm>> -> memref<32x1024xf32, #tpu.memory_space<hbm>>
    %dma_start3A_151 = arith.constant 0 : i32
    %dma_start3A_152 = tpu.memref_slice %arg4[%add3A_148, %dma_start3A_151] : memref<8192x1024xf32, #tpu.memory_space<hbm>> -> memref<32x1024xf32, #tpu.memory_space<hbm>>
    tpu.enqueue_dma source(%arg7 : memref<32x1024xf32, #tpu.memory_space<vmem>>) target(%dma_start3A_152 : memref<32x1024xf32, #tpu.memory_space<hbm>>) target_semaphore(%arg11 : memref<!tpu.dma_semaphore, #tpu.memory_space<semaphore_mem>>)
    %dma_wait3A_153 = arith.constant 0 : i32
    %dma_wait3A_154 = tpu.memref_slice %arg4[%add3A_137, %dma_wait3A_153] : memref<8192x1024xf32, #tpu.memory_space<hbm>> -> memref<32x1024xf32, #tpu.memory_space<hbm>>
    %dma_wait3A_155 = arith.constant 0 : i32
    %dma_wait3A_156 = tpu.memref_slice %arg4[%add3A_137, %dma_wait3A_155] : memref<8192x1024xf32, #tpu.memory_space<hbm>> -> memref<32x1024xf32, #tpu.memory_space<hbm>>
    tpu.wait_dma2 semaphore(%arg10 : memref<!tpu.dma_semaphore, #tpu.memory_space<semaphore_mem>>) src(%arg6 : memref<32x1024xf32, #tpu.memory_space<vmem>>) dst(%dma_wait3A_156 : memref<32x1024xf32, #tpu.memory_space<hbm>>)
    %dma_wait3A_157 = arith.constant 0 : i32
    %dma_wait3A_158 = tpu.memref_slice %arg4[%add3A_148, %dma_wait3A_157] : memref<8192x1024xf32, #tpu.memory_space<hbm>> -> memref<32x1024xf32, #tpu.memory_space<hbm>>
    %dma_wait3A_159 = arith.constant 0 : i32
    %dma_wait3A_160 = tpu.memref_slice %arg4[%add3A_148, %dma_wait3A_159] : memref<8192x1024xf32, #tpu.memory_space<hbm>> -> memref<32x1024xf32, #tpu.memory_space<hbm>>
    tpu.wait_dma2 semaphore(%arg11 : memref<!tpu.dma_semaphore, #tpu.memory_space<semaphore_mem>>) src(%arg7 : memref<32x1024xf32, #tpu.memory_space<vmem>>) dst(%dma_wait3A_160 : memref<32x1024xf32, #tpu.memory_space<hbm>>)
    return
  }
}

#map = affine_map<(d0, d1) -> (0, 0)>
#map1 = affine_map<(d0, d1) -> (0)>
module attributes {stable_mosaic.version = 14 : i64} {
  func.func @_sc_gather_body(%arg0: i32, %arg1: i32, %arg2: memref<1024x1024xf32, #tpu.memory_space<hbm>>, %arg3: memref<8192xi32, #tpu.memory_space<hbm>>, %arg4: memref<8192x1024xf32, #tpu.memory_space<hbm>>, %arg5: memref<256xi32, #tpu.memory_space<vmem>>, %arg6: memref<32x1024xf32, #tpu.memory_space<vmem>>, %arg7: memref<32x1024xf32, #tpu.memory_space<vmem>>, %arg8: memref<!tpu.dma_semaphore, #tpu.memory_space<semaphore_mem>>, %arg9: memref<!tpu.dma_semaphore, #tpu.memory_space<semaphore_mem>>, %arg10: memref<!tpu.dma_semaphore, #tpu.memory_space<semaphore_mem>>, %arg11: memref<!tpu.dma_semaphore, #tpu.memory_space<semaphore_mem>>) attributes {dimension_semantics = [#tpu.dimension_semantics<core_parallel>, #tpu.dimension_semantics<subcore_parallel>], iteration_bounds = array<i64: 2, 16>, scalar_prefetch = 0 : i64, scratch_operands = 7 : i64, tpu.core_type = #tpu.core_type<sc_vector_subcore>, window_params = [{transform_indices = #map}, {transform_indices = #map1}, {transform_indices = #map}]} {
    %mul3A = arith.constant 2 : i32
    %mul3A_0 = arith.muli %arg1, %mul3A : i32
    %add3A = arith.addi %mul3A_0, %arg0 : i32
    %mul3A_1 = arith.constant 256 : i32
    %mul3A_2 = arith.muli %add3A, %mul3A_1 : i32
    "tpu.region"() ({
      %run_scoped3A = tpu.sem_alloc : memref<!tpu.dma_semaphore, #tpu.memory_space<semaphore_mem>>
      %dma_start3A_161 = tpu.memref_slice %arg3[%mul3A_2] : memref<8192xi32, #tpu.memory_space<hbm>> -> memref<256xi32, #tpu.memory_space<hbm>>
      %dma_start3A_162 = tpu.memref_slice %arg3[%mul3A_2] : memref<8192xi32, #tpu.memory_space<hbm>> -> memref<256xi32, #tpu.memory_space<hbm>>
      tpu.enqueue_dma source(%dma_start3A_162 : memref<256xi32, #tpu.memory_space<hbm>>) target(%arg5 : memref<256xi32, #tpu.memory_space<vmem>>) target_semaphore(%run_scoped3A : memref<!tpu.dma_semaphore, #tpu.memory_space<semaphore_mem>>)
      %dma_wait3A_163 = tpu.memref_slice %arg3[%mul3A_2] : memref<8192xi32, #tpu.memory_space<hbm>> -> memref<256xi32, #tpu.memory_space<hbm>>
      %dma_wait3A_164 = tpu.memref_slice %arg3[%mul3A_2] : memref<8192xi32, #tpu.memory_space<hbm>> -> memref<256xi32, #tpu.memory_space<hbm>>
      tpu.wait_dma2 semaphore(%run_scoped3A : memref<!tpu.dma_semaphore, #tpu.memory_space<semaphore_mem>>) src(%dma_wait3A_164 : memref<256xi32, #tpu.memory_space<hbm>>) dst(%arg5 : memref<256xi32, #tpu.memory_space<vmem>>)
      tpu.yield
    }) : () -> ()
    %dma_start3A = arith.constant 0 : i32
    %dma_start3A_3 = tpu.memref_slice %arg5[%dma_start3A] : memref<256xi32, #tpu.memory_space<vmem>> -> memref<32xi32, #tpu.memory_space<vmem>>
    %dma_start3A_4 = arith.constant 0 : i32
    %dma_start3A_5 = arith.constant 0 : i32
    %dma_start3A_6 = tpu.memref_slice %arg2[%dma_start3A_4, %dma_start3A_5] : memref<1024x1024xf32, #tpu.memory_space<hbm>> -> memref<1024x1024xf32, #tpu.memory_space<hbm>>
    tpu.enqueue_indirect_dma source(%dma_start3A_6 : memref<1024x1024xf32, #tpu.memory_space<hbm>>) target(%arg6 : memref<32x1024xf32, #tpu.memory_space<vmem>>) offsets(%dma_start3A_3 : memref<32xi32, #tpu.memory_space<vmem>>) semaphore(%arg8 : memref<!tpu.dma_semaphore, #tpu.memory_space<semaphore_mem>>)
    %dma_wait3A = arith.constant 0 : i32
    %dma_wait3A_7 = tpu.memref_slice %arg5[%dma_wait3A] : memref<256xi32, #tpu.memory_space<vmem>> -> memref<32xi32, #tpu.memory_space<vmem>>
    %dma_wait3A_8 = arith.constant 0 : i32
    %dma_wait3A_9 = arith.constant 0 : i32
    %dma_wait3A_10 = tpu.memref_slice %arg2[%dma_wait3A_8, %dma_wait3A_9] : memref<1024x1024xf32, #tpu.memory_space<hbm>> -> memref<1024x1024xf32, #tpu.memory_space<hbm>>
    tpu.wait_indirect_dma semaphore(%arg8 : memref<!tpu.dma_semaphore, #tpu.memory_space<semaphore_mem>>) src(%dma_wait3A_10 : memref<1024x1024xf32, #tpu.memory_space<hbm>>) dst(%arg6 : memref<32x1024xf32, #tpu.memory_space<vmem>>)
    %dma_start3A_11 = arith.constant 32 : i32
    %dma_start3A_12 = tpu.memref_slice %arg5[%dma_start3A_11] : memref<256xi32, #tpu.memory_space<vmem>> -> memref<32xi32, #tpu.memory_space<vmem>>
    %dma_start3A_13 = arith.constant 0 : i32
    %dma_start3A_14 = arith.constant 0 : i32
    %dma_start3A_15 = tpu.memref_slice %arg2[%dma_start3A_13, %dma_start3A_14] : memref<1024x1024xf32, #tpu.memory_space<hbm>> -> memref<1024x1024xf32, #tpu.memory_space<hbm>>
    tpu.enqueue_indirect_dma source(%dma_start3A_15 : memref<1024x1024xf32, #tpu.memory_space<hbm>>) target(%arg7 : memref<32x1024xf32, #tpu.memory_space<vmem>>) offsets(%dma_start3A_12 : memref<32xi32, #tpu.memory_space<vmem>>) semaphore(%arg9 : memref<!tpu.dma_semaphore, #tpu.memory_space<semaphore_mem>>)
    %add3A_16 = arith.constant 0 : i32
    %add3A_17 = arith.addi %mul3A_2, %add3A_16 : i32
    %dma_start3A_18 = arith.constant 0 : i32
    %dma_start3A_19 = tpu.memref_slice %arg4[%add3A_17, %dma_start3A_18] : memref<8192x1024xf32, #tpu.memory_space<hbm>> -> memref<32x1024xf32, #tpu.memory_space<hbm>>
    %dma_start3A_20 = arith.constant 0 : i32
    %dma_start3A_21 = tpu.memref_slice %arg4[%add3A_17, %dma_start3A_20] : memref<8192x1024xf32, #tpu.memory_space<hbm>> -> memref<32x1024xf32, #tpu.memory_space<hbm>>
    tpu.enqueue_dma source(%arg6 : memref<32x1024xf32, #tpu.memory_space<vmem>>) target(%dma_start3A_21 : memref<32x1024xf32, #tpu.memory_space<hbm>>) target_semaphore(%arg10 : memref<!tpu.dma_semaphore, #tpu.memory_space<semaphore_mem>>)
    %dma_wait3A_22 = arith.constant 32 : i32
    %dma_wait3A_23 = tpu.memref_slice %arg5[%dma_wait3A_22] : memref<256xi32, #tpu.memory_space<vmem>> -> memref<32xi32, #tpu.memory_space<vmem>>
    %dma_wait3A_24 = arith.constant 0 : i32
    %dma_wait3A_25 = arith.constant 0 : i32
    %dma_wait3A_26 = tpu.memref_slice %arg2[%dma_wait3A_24, %dma_wait3A_25] : memref<1024x1024xf32, #tpu.memory_space<hbm>> -> memref<1024x1024xf32, #tpu.memory_space<hbm>>
    tpu.wait_indirect_dma semaphore(%arg9 : memref<!tpu.dma_semaphore, #tpu.memory_space<semaphore_mem>>) src(%dma_wait3A_26 : memref<1024x1024xf32, #tpu.memory_space<hbm>>) dst(%arg7 : memref<32x1024xf32, #tpu.memory_space<vmem>>)
    %dma_wait3A_27 = arith.constant 0 : i32
    %dma_wait3A_28 = tpu.memref_slice %arg4[%add3A_17, %dma_wait3A_27] : memref<8192x1024xf32, #tpu.memory_space<hbm>> -> memref<32x1024xf32, #tpu.memory_space<hbm>>
    %dma_wait3A_29 = arith.constant 0 : i32
    %dma_wait3A_30 = tpu.memref_slice %arg4[%add3A_17, %dma_wait3A_29] : memref<8192x1024xf32, #tpu.memory_space<hbm>> -> memref<32x1024xf32, #tpu.memory_space<hbm>>
    tpu.wait_dma2 semaphore(%arg10 : memref<!tpu.dma_semaphore, #tpu.memory_space<semaphore_mem>>) src(%arg6 : memref<32x1024xf32, #tpu.memory_space<vmem>>) dst(%dma_wait3A_30 : memref<32x1024xf32, #tpu.memory_space<hbm>>)
    %dma_start3A_31 = arith.constant 64 : i32
    %dma_start3A_32 = tpu.memref_slice %arg5[%dma_start3A_31] : memref<256xi32, #tpu.memory_space<vmem>> -> memref<32xi32, #tpu.memory_space<vmem>>
    %dma_start3A_33 = arith.constant 0 : i32
    %dma_start3A_34 = arith.constant 0 : i32
    %dma_start3A_35 = tpu.memref_slice %arg2[%dma_start3A_33, %dma_start3A_34] : memref<1024x1024xf32, #tpu.memory_space<hbm>> -> memref<1024x1024xf32, #tpu.memory_space<hbm>>
    tpu.enqueue_indirect_dma source(%dma_start3A_35 : memref<1024x1024xf32, #tpu.memory_space<hbm>>) target(%arg6 : memref<32x1024xf32, #tpu.memory_space<vmem>>) offsets(%dma_start3A_32 : memref<32xi32, #tpu.memory_space<vmem>>) semaphore(%arg8 : memref<!tpu.dma_semaphore, #tpu.memory_space<semaphore_mem>>)
    %add3A_36 = arith.constant 32 : i32
    %add3A_37 = arith.addi %mul3A_2, %add3A_36 : i32
    %dma_start3A_38 = arith.constant 0 : i32
    %dma_start3A_39 = tpu.memref_slice %arg4[%add3A_37, %dma_start3A_38] : memref<8192x1024xf32, #tpu.memory_space<hbm>> -> memref<32x1024xf32, #tpu.memory_space<hbm>>
    %dma_start3A_40 = arith.constant 0 : i32
    %dma_start3A_41 = tpu.memref_slice %arg4[%add3A_37, %dma_start3A_40] : memref<8192x1024xf32, #tpu.memory_space<hbm>> -> memref<32x1024xf32, #tpu.memory_space<hbm>>
    tpu.enqueue_dma source(%arg7 : memref<32x1024xf32, #tpu.memory_space<vmem>>) target(%dma_start3A_41 : memref<32x1024xf32, #tpu.memory_space<hbm>>) target_semaphore(%arg11 : memref<!tpu.dma_semaphore, #tpu.memory_space<semaphore_mem>>)
    %dma_wait3A_42 = arith.constant 64 : i32
    %dma_wait3A_43 = tpu.memref_slice %arg5[%dma_wait3A_42] : memref<256xi32, #tpu.memory_space<vmem>> -> memref<32xi32, #tpu.memory_space<vmem>>
    %dma_wait3A_44 = arith.constant 0 : i32
    %dma_wait3A_45 = arith.constant 0 : i32
    %dma_wait3A_46 = tpu.memref_slice %arg2[%dma_wait3A_44, %dma_wait3A_45] : memref<1024x1024xf32, #tpu.memory_space<hbm>> -> memref<1024x1024xf32, #tpu.memory_space<hbm>>
    tpu.wait_indirect_dma semaphore(%arg8 : memref<!tpu.dma_semaphore, #tpu.memory_space<semaphore_mem>>) src(%dma_wait3A_46 : memref<1024x1024xf32, #tpu.memory_space<hbm>>) dst(%arg6 : memref<32x1024xf32, #tpu.memory_space<vmem>>)
    %dma_wait3A_47 = arith.constant 0 : i32
    %dma_wait3A_48 = tpu.memref_slice %arg4[%add3A_37, %dma_wait3A_47] : memref<8192x1024xf32, #tpu.memory_space<hbm>> -> memref<32x1024xf32, #tpu.memory_space<hbm>>
    %dma_wait3A_49 = arith.constant 0 : i32
    %dma_wait3A_50 = tpu.memref_slice %arg4[%add3A_37, %dma_wait3A_49] : memref<8192x1024xf32, #tpu.memory_space<hbm>> -> memref<32x1024xf32, #tpu.memory_space<hbm>>
    tpu.wait_dma2 semaphore(%arg11 : memref<!tpu.dma_semaphore, #tpu.memory_space<semaphore_mem>>) src(%arg7 : memref<32x1024xf32, #tpu.memory_space<vmem>>) dst(%dma_wait3A_50 : memref<32x1024xf32, #tpu.memory_space<hbm>>)
    %dma_start3A_51 = arith.constant 96 : i32
    %dma_start3A_52 = tpu.memref_slice %arg5[%dma_start3A_51] : memref<256xi32, #tpu.memory_space<vmem>> -> memref<32xi32, #tpu.memory_space<vmem>>
    %dma_start3A_53 = arith.constant 0 : i32
    %dma_start3A_54 = arith.constant 0 : i32
    %dma_start3A_55 = tpu.memref_slice %arg2[%dma_start3A_53, %dma_start3A_54] : memref<1024x1024xf32, #tpu.memory_space<hbm>> -> memref<1024x1024xf32, #tpu.memory_space<hbm>>
    tpu.enqueue_indirect_dma source(%dma_start3A_55 : memref<1024x1024xf32, #tpu.memory_space<hbm>>) target(%arg7 : memref<32x1024xf32, #tpu.memory_space<vmem>>) offsets(%dma_start3A_52 : memref<32xi32, #tpu.memory_space<vmem>>) semaphore(%arg9 : memref<!tpu.dma_semaphore, #tpu.memory_space<semaphore_mem>>)
    %add3A_56 = arith.constant 64 : i32
    %add3A_57 = arith.addi %mul3A_2, %add3A_56 : i32
    %dma_start3A_58 = arith.constant 0 : i32
    %dma_start3A_59 = tpu.memref_slice %arg4[%add3A_57, %dma_start3A_58] : memref<8192x1024xf32, #tpu.memory_space<hbm>> -> memref<32x1024xf32, #tpu.memory_space<hbm>>
    %dma_start3A_60 = arith.constant 0 : i32
    %dma_start3A_61 = tpu.memref_slice %arg4[%add3A_57, %dma_start3A_60] : memref<8192x1024xf32, #tpu.memory_space<hbm>> -> memref<32x1024xf32, #tpu.memory_space<hbm>>
    tpu.enqueue_dma source(%arg6 : memref<32x1024xf32, #tpu.memory_space<vmem>>) target(%dma_start3A_61 : memref<32x1024xf32, #tpu.memory_space<hbm>>) target_semaphore(%arg10 : memref<!tpu.dma_semaphore, #tpu.memory_space<semaphore_mem>>)
    %dma_wait3A_62 = arith.constant 96 : i32
    %dma_wait3A_63 = tpu.memref_slice %arg5[%dma_wait3A_62] : memref<256xi32, #tpu.memory_space<vmem>> -> memref<32xi32, #tpu.memory_space<vmem>>
    %dma_wait3A_64 = arith.constant 0 : i32
    %dma_wait3A_65 = arith.constant 0 : i32
    %dma_wait3A_66 = tpu.memref_slice %arg2[%dma_wait3A_64, %dma_wait3A_65] : memref<1024x1024xf32, #tpu.memory_space<hbm>> -> memref<1024x1024xf32, #tpu.memory_space<hbm>>
    tpu.wait_indirect_dma semaphore(%arg9 : memref<!tpu.dma_semaphore, #tpu.memory_space<semaphore_mem>>) src(%dma_wait3A_66 : memref<1024x1024xf32, #tpu.memory_space<hbm>>) dst(%arg7 : memref<32x1024xf32, #tpu.memory_space<vmem>>)
    %dma_wait3A_67 = arith.constant 0 : i32
    %dma_wait3A_68 = tpu.memref_slice %arg4[%add3A_57, %dma_wait3A_67] : memref<8192x1024xf32, #tpu.memory_space<hbm>> -> memref<32x1024xf32, #tpu.memory_space<hbm>>
    %dma_wait3A_69 = arith.constant 0 : i32
    %dma_wait3A_70 = tpu.memref_slice %arg4[%add3A_57, %dma_wait3A_69] : memref<8192x1024xf32, #tpu.memory_space<hbm>> -> memref<32x1024xf32, #tpu.memory_space<hbm>>
    tpu.wait_dma2 semaphore(%arg10 : memref<!tpu.dma_semaphore, #tpu.memory_space<semaphore_mem>>) src(%arg6 : memref<32x1024xf32, #tpu.memory_space<vmem>>) dst(%dma_wait3A_70 : memref<32x1024xf32, #tpu.memory_space<hbm>>)
    %dma_start3A_71 = arith.constant 128 : i32
    %dma_start3A_72 = tpu.memref_slice %arg5[%dma_start3A_71] : memref<256xi32, #tpu.memory_space<vmem>> -> memref<32xi32, #tpu.memory_space<vmem>>
    %dma_start3A_73 = arith.constant 0 : i32
    %dma_start3A_74 = arith.constant 0 : i32
    %dma_start3A_75 = tpu.memref_slice %arg2[%dma_start3A_73, %dma_start3A_74] : memref<1024x1024xf32, #tpu.memory_space<hbm>> -> memref<1024x1024xf32, #tpu.memory_space<hbm>>
    tpu.enqueue_indirect_dma source(%dma_start3A_75 : memref<1024x1024xf32, #tpu.memory_space<hbm>>) target(%arg6 : memref<32x1024xf32, #tpu.memory_space<vmem>>) offsets(%dma_start3A_72 : memref<32xi32, #tpu.memory_space<vmem>>) semaphore(%arg8 : memref<!tpu.dma_semaphore, #tpu.memory_space<semaphore_mem>>)
    %add3A_76 = arith.constant 96 : i32
    %add3A_77 = arith.addi %mul3A_2, %add3A_76 : i32
    %dma_start3A_78 = arith.constant 0 : i32
    %dma_start3A_79 = tpu.memref_slice %arg4[%add3A_77, %dma_start3A_78] : memref<8192x1024xf32, #tpu.memory_space<hbm>> -> memref<32x1024xf32, #tpu.memory_space<hbm>>
    %dma_start3A_80 = arith.constant 0 : i32
    %dma_start3A_81 = tpu.memref_slice %arg4[%add3A_77, %dma_start3A_80] : memref<8192x1024xf32, #tpu.memory_space<hbm>> -> memref<32x1024xf32, #tpu.memory_space<hbm>>
    tpu.enqueue_dma source(%arg7 : memref<32x1024xf32, #tpu.memory_space<vmem>>) target(%dma_start3A_81 : memref<32x1024xf32, #tpu.memory_space<hbm>>) target_semaphore(%arg11 : memref<!tpu.dma_semaphore, #tpu.memory_space<semaphore_mem>>)
    %dma_wait3A_82 = arith.constant 128 : i32
    %dma_wait3A_83 = tpu.memref_slice %arg5[%dma_wait3A_82] : memref<256xi32, #tpu.memory_space<vmem>> -> memref<32xi32, #tpu.memory_space<vmem>>
    %dma_wait3A_84 = arith.constant 0 : i32
    %dma_wait3A_85 = arith.constant 0 : i32
    %dma_wait3A_86 = tpu.memref_slice %arg2[%dma_wait3A_84, %dma_wait3A_85] : memref<1024x1024xf32, #tpu.memory_space<hbm>> -> memref<1024x1024xf32, #tpu.memory_space<hbm>>
    tpu.wait_indirect_dma semaphore(%arg8 : memref<!tpu.dma_semaphore, #tpu.memory_space<semaphore_mem>>) src(%dma_wait3A_86 : memref<1024x1024xf32, #tpu.memory_space<hbm>>) dst(%arg6 : memref<32x1024xf32, #tpu.memory_space<vmem>>)
    %dma_wait3A_87 = arith.constant 0 : i32
    %dma_wait3A_88 = tpu.memref_slice %arg4[%add3A_77, %dma_wait3A_87] : memref<8192x1024xf32, #tpu.memory_space<hbm>> -> memref<32x1024xf32, #tpu.memory_space<hbm>>
    %dma_wait3A_89 = arith.constant 0 : i32
    %dma_wait3A_90 = tpu.memref_slice %arg4[%add3A_77, %dma_wait3A_89] : memref<8192x1024xf32, #tpu.memory_space<hbm>> -> memref<32x1024xf32, #tpu.memory_space<hbm>>
    tpu.wait_dma2 semaphore(%arg11 : memref<!tpu.dma_semaphore, #tpu.memory_space<semaphore_mem>>) src(%arg7 : memref<32x1024xf32, #tpu.memory_space<vmem>>) dst(%dma_wait3A_90 : memref<32x1024xf32, #tpu.memory_space<hbm>>)
    %dma_start3A_91 = arith.constant 160 : i32
    %dma_start3A_92 = tpu.memref_slice %arg5[%dma_start3A_91] : memref<256xi32, #tpu.memory_space<vmem>> -> memref<32xi32, #tpu.memory_space<vmem>>
    %dma_start3A_93 = arith.constant 0 : i32
    %dma_start3A_94 = arith.constant 0 : i32
    %dma_start3A_95 = tpu.memref_slice %arg2[%dma_start3A_93, %dma_start3A_94] : memref<1024x1024xf32, #tpu.memory_space<hbm>> -> memref<1024x1024xf32, #tpu.memory_space<hbm>>
    tpu.enqueue_indirect_dma source(%dma_start3A_95 : memref<1024x1024xf32, #tpu.memory_space<hbm>>) target(%arg7 : memref<32x1024xf32, #tpu.memory_space<vmem>>) offsets(%dma_start3A_92 : memref<32xi32, #tpu.memory_space<vmem>>) semaphore(%arg9 : memref<!tpu.dma_semaphore, #tpu.memory_space<semaphore_mem>>)
    %add3A_96 = arith.constant 128 : i32
    %add3A_97 = arith.addi %mul3A_2, %add3A_96 : i32
    %dma_start3A_98 = arith.constant 0 : i32
    %dma_start3A_99 = tpu.memref_slice %arg4[%add3A_97, %dma_start3A_98] : memref<8192x1024xf32, #tpu.memory_space<hbm>> -> memref<32x1024xf32, #tpu.memory_space<hbm>>
    %dma_start3A_100 = arith.constant 0 : i32
    %dma_start3A_101 = tpu.memref_slice %arg4[%add3A_97, %dma_start3A_100] : memref<8192x1024xf32, #tpu.memory_space<hbm>> -> memref<32x1024xf32, #tpu.memory_space<hbm>>
    tpu.enqueue_dma source(%arg6 : memref<32x1024xf32, #tpu.memory_space<vmem>>) target(%dma_start3A_101 : memref<32x1024xf32, #tpu.memory_space<hbm>>) target_semaphore(%arg10 : memref<!tpu.dma_semaphore, #tpu.memory_space<semaphore_mem>>)
    %dma_wait3A_102 = arith.constant 160 : i32
    %dma_wait3A_103 = tpu.memref_slice %arg5[%dma_wait3A_102] : memref<256xi32, #tpu.memory_space<vmem>> -> memref<32xi32, #tpu.memory_space<vmem>>
    %dma_wait3A_104 = arith.constant 0 : i32
    %dma_wait3A_105 = arith.constant 0 : i32
    %dma_wait3A_106 = tpu.memref_slice %arg2[%dma_wait3A_104, %dma_wait3A_105] : memref<1024x1024xf32, #tpu.memory_space<hbm>> -> memref<1024x1024xf32, #tpu.memory_space<hbm>>
    tpu.wait_indirect_dma semaphore(%arg9 : memref<!tpu.dma_semaphore, #tpu.memory_space<semaphore_mem>>) src(%dma_wait3A_106 : memref<1024x1024xf32, #tpu.memory_space<hbm>>) dst(%arg7 : memref<32x1024xf32, #tpu.memory_space<vmem>>)
    %dma_wait3A_107 = arith.constant 0 : i32
    %dma_wait3A_108 = tpu.memref_slice %arg4[%add3A_97, %dma_wait3A_107] : memref<8192x1024xf32, #tpu.memory_space<hbm>> -> memref<32x1024xf32, #tpu.memory_space<hbm>>
    %dma_wait3A_109 = arith.constant 0 : i32
    %dma_wait3A_110 = tpu.memref_slice %arg4[%add3A_97, %dma_wait3A_109] : memref<8192x1024xf32, #tpu.memory_space<hbm>> -> memref<32x1024xf32, #tpu.memory_space<hbm>>
    tpu.wait_dma2 semaphore(%arg10 : memref<!tpu.dma_semaphore, #tpu.memory_space<semaphore_mem>>) src(%arg6 : memref<32x1024xf32, #tpu.memory_space<vmem>>) dst(%dma_wait3A_110 : memref<32x1024xf32, #tpu.memory_space<hbm>>)
    %dma_start3A_111 = arith.constant 192 : i32
    %dma_start3A_112 = tpu.memref_slice %arg5[%dma_start3A_111] : memref<256xi32, #tpu.memory_space<vmem>> -> memref<32xi32, #tpu.memory_space<vmem>>
    %dma_start3A_113 = arith.constant 0 : i32
    %dma_start3A_114 = arith.constant 0 : i32
    %dma_start3A_115 = tpu.memref_slice %arg2[%dma_start3A_113, %dma_start3A_114] : memref<1024x1024xf32, #tpu.memory_space<hbm>> -> memref<1024x1024xf32, #tpu.memory_space<hbm>>
    tpu.enqueue_indirect_dma source(%dma_start3A_115 : memref<1024x1024xf32, #tpu.memory_space<hbm>>) target(%arg6 : memref<32x1024xf32, #tpu.memory_space<vmem>>) offsets(%dma_start3A_112 : memref<32xi32, #tpu.memory_space<vmem>>) semaphore(%arg8 : memref<!tpu.dma_semaphore, #tpu.memory_space<semaphore_mem>>)
    %add3A_116 = arith.constant 160 : i32
    %add3A_117 = arith.addi %mul3A_2, %add3A_116 : i32
    %dma_start3A_118 = arith.constant 0 : i32
    %dma_start3A_119 = tpu.memref_slice %arg4[%add3A_117, %dma_start3A_118] : memref<8192x1024xf32, #tpu.memory_space<hbm>> -> memref<32x1024xf32, #tpu.memory_space<hbm>>
    %dma_start3A_120 = arith.constant 0 : i32
    %dma_start3A_121 = tpu.memref_slice %arg4[%add3A_117, %dma_start3A_120] : memref<8192x1024xf32, #tpu.memory_space<hbm>> -> memref<32x1024xf32, #tpu.memory_space<hbm>>
    tpu.enqueue_dma source(%arg7 : memref<32x1024xf32, #tpu.memory_space<vmem>>) target(%dma_start3A_121 : memref<32x1024xf32, #tpu.memory_space<hbm>>) target_semaphore(%arg11 : memref<!tpu.dma_semaphore, #tpu.memory_space<semaphore_mem>>)
    %dma_wait3A_122 = arith.constant 192 : i32
    %dma_wait3A_123 = tpu.memref_slice %arg5[%dma_wait3A_122] : memref<256xi32, #tpu.memory_space<vmem>> -> memref<32xi32, #tpu.memory_space<vmem>>
    %dma_wait3A_124 = arith.constant 0 : i32
    %dma_wait3A_125 = arith.constant 0 : i32
    %dma_wait3A_126 = tpu.memref_slice %arg2[%dma_wait3A_124, %dma_wait3A_125] : memref<1024x1024xf32, #tpu.memory_space<hbm>> -> memref<1024x1024xf32, #tpu.memory_space<hbm>>
    tpu.wait_indirect_dma semaphore(%arg8 : memref<!tpu.dma_semaphore, #tpu.memory_space<semaphore_mem>>) src(%dma_wait3A_126 : memref<1024x1024xf32, #tpu.memory_space<hbm>>) dst(%arg6 : memref<32x1024xf32, #tpu.memory_space<vmem>>)
    %dma_wait3A_127 = arith.constant 0 : i32
    %dma_wait3A_128 = tpu.memref_slice %arg4[%add3A_117, %dma_wait3A_127] : memref<8192x1024xf32, #tpu.memory_space<hbm>> -> memref<32x1024xf32, #tpu.memory_space<hbm>>
    %dma_wait3A_129 = arith.constant 0 : i32
    %dma_wait3A_130 = tpu.memref_slice %arg4[%add3A_117, %dma_wait3A_129] : memref<8192x1024xf32, #tpu.memory_space<hbm>> -> memref<32x1024xf32, #tpu.memory_space<hbm>>
    tpu.wait_dma2 semaphore(%arg11 : memref<!tpu.dma_semaphore, #tpu.memory_space<semaphore_mem>>) src(%arg7 : memref<32x1024xf32, #tpu.memory_space<vmem>>) dst(%dma_wait3A_130 : memref<32x1024xf32, #tpu.memory_space<hbm>>)
    %dma_start3A_131 = arith.constant 224 : i32
    %dma_start3A_132 = tpu.memref_slice %arg5[%dma_start3A_131] : memref<256xi32, #tpu.memory_space<vmem>> -> memref<32xi32, #tpu.memory_space<vmem>>
    %dma_start3A_133 = arith.constant 0 : i32
    %dma_start3A_134 = arith.constant 0 : i32
    %dma_start3A_135 = tpu.memref_slice %arg2[%dma_start3A_133, %dma_start3A_134] : memref<1024x1024xf32, #tpu.memory_space<hbm>> -> memref<1024x1024xf32, #tpu.memory_space<hbm>>
    tpu.enqueue_indirect_dma source(%dma_start3A_135 : memref<1024x1024xf32, #tpu.memory_space<hbm>>) target(%arg7 : memref<32x1024xf32, #tpu.memory_space<vmem>>) offsets(%dma_start3A_132 : memref<32xi32, #tpu.memory_space<vmem>>) semaphore(%arg9 : memref<!tpu.dma_semaphore, #tpu.memory_space<semaphore_mem>>)
    %add3A_136 = arith.constant 192 : i32
    %add3A_137 = arith.addi %mul3A_2, %add3A_136 : i32
    %dma_start3A_138 = arith.constant 0 : i32
    %dma_start3A_139 = tpu.memref_slice %arg4[%add3A_137, %dma_start3A_138] : memref<8192x1024xf32, #tpu.memory_space<hbm>> -> memref<32x1024xf32, #tpu.memory_space<hbm>>
    %dma_start3A_140 = arith.constant 0 : i32
    %dma_start3A_141 = tpu.memref_slice %arg4[%add3A_137, %dma_start3A_140] : memref<8192x1024xf32, #tpu.memory_space<hbm>> -> memref<32x1024xf32, #tpu.memory_space<hbm>>
    tpu.enqueue_dma source(%arg6 : memref<32x1024xf32, #tpu.memory_space<vmem>>) target(%dma_start3A_141 : memref<32x1024xf32, #tpu.memory_space<hbm>>) target_semaphore(%arg10 : memref<!tpu.dma_semaphore, #tpu.memory_space<semaphore_mem>>)
    %dma_wait3A_142 = arith.constant 224 : i32
    %dma_wait3A_143 = tpu.memref_slice %arg5[%dma_wait3A_142] : memref<256xi32, #tpu.memory_space<vmem>> -> memref<32xi32, #tpu.memory_space<vmem>>
    %dma_wait3A_144 = arith.constant 0 : i32
    %dma_wait3A_145 = arith.constant 0 : i32
    %dma_wait3A_146 = tpu.memref_slice %arg2[%dma_wait3A_144, %dma_wait3A_145] : memref<1024x1024xf32, #tpu.memory_space<hbm>> -> memref<1024x1024xf32, #tpu.memory_space<hbm>>
    tpu.wait_indirect_dma semaphore(%arg9 : memref<!tpu.dma_semaphore, #tpu.memory_space<semaphore_mem>>) src(%dma_wait3A_146 : memref<1024x1024xf32, #tpu.memory_space<hbm>>) dst(%arg7 : memref<32x1024xf32, #tpu.memory_space<vmem>>)
    %add3A_147 = arith.constant 224 : i32
    %add3A_148 = arith.addi %mul3A_2, %add3A_147 : i32
    %dma_start3A_149 = arith.constant 0 : i32
    %dma_start3A_150 = tpu.memref_slice %arg4[%add3A_148, %dma_start3A_149] : memref<8192x1024xf32, #tpu.memory_space<hbm>> -> memref<32x1024xf32, #tpu.memory_space<hbm>>
    %dma_start3A_151 = arith.constant 0 : i32
    %dma_start3A_152 = tpu.memref_slice %arg4[%add3A_148, %dma_start3A_151] : memref<8192x1024xf32, #tpu.memory_space<hbm>> -> memref<32x1024xf32, #tpu.memory_space<hbm>>
    tpu.enqueue_dma source(%arg7 : memref<32x1024xf32, #tpu.memory_space<vmem>>) target(%dma_start3A_152 : memref<32x1024xf32, #tpu.memory_space<hbm>>) target_semaphore(%arg11 : memref<!tpu.dma_semaphore, #tpu.memory_space<semaphore_mem>>)
    %dma_wait3A_153 = arith.constant 0 : i32
    %dma_wait3A_154 = tpu.memref_slice %arg4[%add3A_137, %dma_wait3A_153] : memref<8192x1024xf32, #tpu.memory_space<hbm>> -> memref<32x1024xf32, #tpu.memory_space<hbm>>
    %dma_wait3A_155 = arith.constant 0 : i32
    %dma_wait3A_156 = tpu.memref_slice %arg4[%add3A_137, %dma_wait3A_155] : memref<8192x1024xf32, #tpu.memory_space<hbm>> -> memref<32x1024xf32, #tpu.memory_space<hbm>>
    tpu.wait_dma2 semaphore(%arg10 : memref<!tpu.dma_semaphore, #tpu.memory_space<semaphore_mem>>) src(%arg6 : memref<32x1024xf32, #tpu.memory_space<vmem>>) dst(%dma_wait3A_156 : memref<32x1024xf32, #tpu.memory_space<hbm>>)
    %dma_wait3A_157 = arith.constant 0 : i32
    %dma_wait3A_158 = tpu.memref_slice %arg4[%add3A_148, %dma_wait3A_157] : memref<8192x1024xf32, #tpu.memory_space<hbm>> -> memref<32x1024xf32, #tpu.memory_space<hbm>>
    %dma_wait3A_159 = arith.constant 0 : i32
    %dma_wait3A_160 = tpu.memref_slice %arg4[%add3A_148, %dma_wait3A_159] : memref<8192x1024xf32, #tpu.memory_space<hbm>> -> memref<32x1024xf32, #tpu.memory_space<hbm>>
    tpu.wait_dma2 semaphore(%arg11 : memref<!tpu.dma_semaphore, #tpu.memory_space<semaphore_mem>>) src(%arg7 : memref<32x1024xf32, #tpu.memory_space<vmem>>) dst(%dma_wait3A_160 : memref<32x1024xf32, #tpu.memory_space<hbm>>)
    return
  }
}

module attributes {stable_mosaic.version = 14 : i64} {
  func.func @_lvl0_body(%arg0: i32, %arg1: memref<256x1024xf32, #tpu.memory_space<vmem>>, %arg2: memref<1024x1024xf32, #tpu.memory_space<vmem>>, %arg3: memref<1x1024xf32, #tpu.memory_space<vmem>>, %arg4: memref<8x256xi32, #tpu.memory_space<vmem>>, %arg5: memref<1x1x128xf32, #tpu.memory_space<vmem>>, %arg6: memref<256x1024xf32, #tpu.memory_space<vmem>>) attributes {dimension_semantics = [#tpu.dimension_semantics<parallel>], iteration_bounds = array<i64: 32>, scalar_prefetch = 0 : i64, scratch_operands = 1 : i64, tpu.core_type = #tpu.core_type<tc>, window_params = [{transform_indices = @transform_0, window_bounds = array<i64: 256, 1024>}, {pipeline_mode = #tpu.pipeline_mode<synchronous>, transform_indices = @transform_1, window_bounds = array<i64: 1024, 1024>}, {pipeline_mode = #tpu.pipeline_mode<synchronous>, transform_indices = @transform_2, window_bounds = array<i64: 1, 1024>}, {transform_indices = @transform_3, window_bounds = array<i64: 8, 256>}, {transform_indices = @transform_4, window_bounds = array<i64: 1, 1, 128>}]} {
    %get3A = arith.constant 0 : index
    %get3A_0 = arith.constant 0 : index
    %get3A_1 = vector.load %arg1[%get3A, %get3A_0] : memref<256x1024xf32, #tpu.memory_space<vmem>>, vector<256x1024xf32>
    %mul3A = arith.mulf %get3A_1, %get3A_1 : vector<256x1024xf32>
    %reduce_sum3A = arith.constant dense<0.000000e+00> : vector<256xf32>
    %reduce_sum3A_2 = vector.multi_reduction <add>, %mul3A, %reduce_sum3A [1] : vector<256x1024xf32> to vector<256xf32>
    %broadcast_in_dim3A = vector.shape_cast %reduce_sum3A_2 : vector<256xf32> to vector<256x1xf32>
    %get3A_3 = arith.constant 0 : index
    %get3A_4 = arith.constant 0 : index
    %get3A_5 = vector.load %arg2[%get3A_3, %get3A_4] : memref<1024x1024xf32, #tpu.memory_space<vmem>>, vector<256x1024xf32>
    %dot_general3A = arith.constant dense<0.000000e+00> : vector<256x256xf32>
    %dot_general3A_6 = tpu.matmul %get3A_1, %get3A_5, %dot_general3A {dimension_numbers = #tpu.dot_dimension_numbers<[1], [1], [0], [0], [0, 0, 1, 0], [], []>, transpose_lhs_hint = false} : vector<256x1024xf32>, vector<256x1024xf32>, vector<256x256xf32> -> vector<256x256xf32>
    %mul3A_7 = arith.constant 2.000000e+00 : f32
    %mul3A_8 = vector.broadcast %mul3A_7 : f32 to vector<256x256xf32>
    %mul3A_9 = arith.mulf %mul3A_8, %dot_general3A_6 : vector<256x256xf32>
    %sub3A = vector.broadcast %broadcast_in_dim3A : vector<256x1xf32> to vector<256x256xf32>
    %sub3A_10 = arith.subf %sub3A, %mul3A_9 : vector<256x256xf32>
    %get3A_11 = arith.constant 0 : index
    %get3A_12 = arith.constant 0 : index
    %get3A_13 = vector.load %arg3[%get3A_11, %get3A_12] : memref<1x1024xf32, #tpu.memory_space<vmem>>, vector<1x256xf32>
    %get3A_14 = vector.shape_cast %get3A_13 : vector<1x256xf32> to vector<256xf32>
    %broadcast_in_dim3A_15 = vector.shape_cast %get3A_14 : vector<256xf32> to vector<1x256xf32>
    %add3A = vector.broadcast %broadcast_in_dim3A_15 : vector<1x256xf32> to vector<256x256xf32>
    %add3A_16 = arith.addf %sub3A_10, %add3A : vector<256x256xf32>
    %swap3A = arith.constant 0 : index
    %swap3A_17 = arith.constant 0 : index
    %swap3A_18 = vector.load %arg6[%swap3A, %swap3A_17] : memref<256x1024xf32, #tpu.memory_space<vmem>>, vector<256x256xf32>
    tpu.vector_store %arg6[%swap3A, %swap3A_17], %add3A_16 {strides = array<i32>} : memref<256x1024xf32, #tpu.memory_space<vmem>>, vector<256x256xf32>,
    %get3A_19 = arith.constant 256 : index
    %get3A_20 = arith.constant 0 : index
    %get3A_21 = vector.load %arg2[%get3A_19, %get3A_20] : memref<1024x1024xf32, #tpu.memory_space<vmem>>, vector<256x1024xf32>
    %dot_general3A_22 = arith.constant dense<0.000000e+00> : vector<256x256xf32>
    %dot_general3A_23 = tpu.matmul %get3A_1, %get3A_21, %dot_general3A_22 {dimension_numbers = #tpu.dot_dimension_numbers<[1], [1], [0], [0], [0, 0, 1, 0], [], []>, transpose_lhs_hint = false} : vector<256x1024xf32>, vector<256x1024xf32>, vector<256x256xf32> -> vector<256x256xf32>
    %mul3A_24 = arith.constant 2.000000e+00 : f32
    %mul3A_25 = vector.broadcast %mul3A_24 : f32 to vector<256x256xf32>
    %mul3A_26 = arith.mulf %mul3A_25, %dot_general3A_23 : vector<256x256xf32>
    %sub3A_27 = vector.broadcast %broadcast_in_dim3A : vector<256x1xf32> to vector<256x256xf32>
    %sub3A_28 = arith.subf %sub3A_27, %mul3A_26 : vector<256x256xf32>
    %get3A_29 = arith.constant 0 : index
    %get3A_30 = arith.constant 256 : index
    %get3A_31 = vector.load %arg3[%get3A_29, %get3A_30] : memref<1x1024xf32, #tpu.memory_space<vmem>>, vector<1x256xf32>
    %get3A_32 = vector.shape_cast %get3A_31 : vector<1x256xf32> to vector<256xf32>
    %broadcast_in_dim3A_33 = vector.shape_cast %get3A_32 : vector<256xf32> to vector<1x256xf32>
    %add3A_34 = vector.broadcast %broadcast_in_dim3A_33 : vector<1x256xf32> to vector<256x256xf32>
    %add3A_35 = arith.addf %sub3A_28, %add3A_34 : vector<256x256xf32>
    %swap3A_36 = arith.constant 0 : index
    %swap3A_37 = arith.constant 256 : index
    %swap3A_38 = vector.load %arg6[%swap3A_36, %swap3A_37] : memref<256x1024xf32, #tpu.memory_space<vmem>>, vector<256x256xf32>
    tpu.vector_store %arg6[%swap3A_36, %swap3A_37], %add3A_35 {strides = array<i32>} : memref<256x1024xf32, #tpu.memory_space<vmem>>, vector<256x256xf32>,
    %get3A_39 = arith.constant 512 : index
    %get3A_40 = arith.constant 0 : index
    %get3A_41 = vector.load %arg2[%get3A_39, %get3A_40] : memref<1024x1024xf32, #tpu.memory_space<vmem>>, vector<256x1024xf32>
    %dot_general3A_42 = arith.constant dense<0.000000e+00> : vector<256x256xf32>
    %dot_general3A_43 = tpu.matmul %get3A_1, %get3A_41, %dot_general3A_42 {dimension_numbers = #tpu.dot_dimension_numbers<[1], [1], [0], [0], [0, 0, 1, 0], [], []>, transpose_lhs_hint = false} : vector<256x1024xf32>, vector<256x1024xf32>, vector<256x256xf32> -> vector<256x256xf32>
    %mul3A_44 = arith.constant 2.000000e+00 : f32
    %mul3A_45 = vector.broadcast %mul3A_44 : f32 to vector<256x256xf32>
    %mul3A_46 = arith.mulf %mul3A_45, %dot_general3A_43 : vector<256x256xf32>
    %sub3A_47 = vector.broadcast %broadcast_in_dim3A : vector<256x1xf32> to vector<256x256xf32>
    %sub3A_48 = arith.subf %sub3A_47, %mul3A_46 : vector<256x256xf32>
    %get3A_49 = arith.constant 0 : index
    %get3A_50 = arith.constant 512 : index
    %get3A_51 = vector.load %arg3[%get3A_49, %get3A_50] : memref<1x1024xf32, #tpu.memory_space<vmem>>, vector<1x256xf32>
    %get3A_52 = vector.shape_cast %get3A_51 : vector<1x256xf32> to vector<256xf32>
    %broadcast_in_dim3A_53 = vector.shape_cast %get3A_52 : vector<256xf32> to vector<1x256xf32>
    %add3A_54 = vector.broadcast %broadcast_in_dim3A_53 : vector<1x256xf32> to vector<256x256xf32>
    %add3A_55 = arith.addf %sub3A_48, %add3A_54 : vector<256x256xf32>
    %swap3A_56 = arith.constant 0 : index
    %swap3A_57 = arith.constant 512 : index
    %swap3A_58 = vector.load %arg6[%swap3A_56, %swap3A_57] : memref<256x1024xf32, #tpu.memory_space<vmem>>, vector<256x256xf32>
    tpu.vector_store %arg6[%swap3A_56, %swap3A_57], %add3A_55 {strides = array<i32>} : memref<256x1024xf32, #tpu.memory_space<vmem>>, vector<256x256xf32>,
    %get3A_59 = arith.constant 768 : index
    %get3A_60 = arith.constant 0 : index
    %get3A_61 = vector.load %arg2[%get3A_59, %get3A_60] : memref<1024x1024xf32, #tpu.memory_space<vmem>>, vector<256x1024xf32>
    %dot_general3A_62 = arith.constant dense<0.000000e+00> : vector<256x256xf32>
    %dot_general3A_63 = tpu.matmul %get3A_1, %get3A_61, %dot_general3A_62 {dimension_numbers = #tpu.dot_dimension_numbers<[1], [1], [0], [0], [0, 0, 1, 0], [], []>, transpose_lhs_hint = false} : vector<256x1024xf32>, vector<256x1024xf32>, vector<256x256xf32> -> vector<256x256xf32>
    %mul3A_64 = arith.constant 2.000000e+00 : f32
    %mul3A_65 = vector.broadcast %mul3A_64 : f32 to vector<256x256xf32>
    %mul3A_66 = arith.mulf %mul3A_65, %dot_general3A_63 : vector<256x256xf32>
    %sub3A_67 = vector.broadcast %broadcast_in_dim3A : vector<256x1xf32> to vector<256x256xf32>
    %sub3A_68 = arith.subf %sub3A_67, %mul3A_66 : vector<256x256xf32>
    %get3A_69 = arith.constant 0 : index
    %get3A_70 = arith.constant 768 : index
    %get3A_71 = vector.load %arg3[%get3A_69, %get3A_70] : memref<1x1024xf32, #tpu.memory_space<vmem>>, vector<1x256xf32>
    %get3A_72 = vector.shape_cast %get3A_71 : vector<1x256xf32> to vector<256xf32>
    %broadcast_in_dim3A_73 = vector.shape_cast %get3A_72 : vector<256xf32> to vector<1x256xf32>
    %add3A_74 = vector.broadcast %broadcast_in_dim3A_73 : vector<1x256xf32> to vector<256x256xf32>
    %add3A_75 = arith.addf %sub3A_68, %add3A_74 : vector<256x256xf32>
    %swap3A_76 = arith.constant 0 : index
    %swap3A_77 = arith.constant 768 : index
    %swap3A_78 = vector.load %arg6[%swap3A_76, %swap3A_77] : memref<256x1024xf32, #tpu.memory_space<vmem>>, vector<256x256xf32>
    tpu.vector_store %arg6[%swap3A_76, %swap3A_77], %add3A_75 {strides = array<i32>} : memref<256x1024xf32, #tpu.memory_space<vmem>>, vector<256x256xf32>,
    %get3A_79 = arith.constant 0 : index
    %get3A_80 = arith.constant 0 : index
    %get3A_81 = vector.load %arg6[%get3A_79, %get3A_80] : memref<256x1024xf32, #tpu.memory_space<vmem>>, vector<256x1024xf32>
    %reduce_min3A = arith.constant dense<0x7F800000> : vector<256xf32>
    %reduce_min3A_82 = vector.multi_reduction <minimumf>, %get3A_81, %reduce_min3A [1] : vector<256x1024xf32> to vector<256xf32>
    %iota3A = tpu.iota {dimensions = array<i32: 1>} : vector<256x1024xi32>
    %broadcast_in_dim3A_83 = vector.shape_cast %reduce_min3A_82 : vector<256xf32> to vector<256x1xf32>
    %eq3A = vector.broadcast %broadcast_in_dim3A_83 : vector<256x1xf32> to vector<256x1024xf32>
    %eq3A_84 = arith.cmpf oeq, %get3A_81, %eq3A : vector<256x1024xf32>
    %jit3A = arith.constant 1024 : i32
    %broadcast_in_dim3A_85 = vector.broadcast %jit3A : i32 to vector<256x1024xi32>
    %select_n3A = arith.select %eq3A_84, %iota3A, %broadcast_in_dim3A_85 : vector<256x1024xi1>, vector<256x1024xi32>
    %reduce_min3A_86 = arith.constant dense<2147483647> : vector<256xi32>
    %reduce_min3A_87 = vector.multi_reduction <minsi>, %select_n3A, %reduce_min3A_86 [1] : vector<256x1024xi32> to vector<256xi32>
    %stack3A = vector.shape_cast %reduce_min3A_87 : vector<256xi32> to vector<1x256xi32>
    %stack3A_88 = vector.shape_cast %reduce_min3A_87 : vector<256xi32> to vector<1x256xi32>
    %stack3A_89 = vector.shape_cast %reduce_min3A_87 : vector<256xi32> to vector<1x256xi32>
    %stack3A_90 = vector.shape_cast %reduce_min3A_87 : vector<256xi32> to vector<1x256xi32>
    %stack3A_91 = vector.shape_cast %reduce_min3A_87 : vector<256xi32> to vector<1x256xi32>
    %stack3A_92 = vector.shape_cast %reduce_min3A_87 : vector<256xi32> to vector<1x256xi32>
    %stack3A_93 = vector.shape_cast %reduce_min3A_87 : vector<256xi32> to vector<1x256xi32>
    %stack3A_94 = vector.shape_cast %reduce_min3A_87 : vector<256xi32> to vector<1x256xi32>
    %stack3A_95 = tpu.concatenate %stack3A, %stack3A_88, %stack3A_89, %stack3A_90, %stack3A_91, %stack3A_92, %stack3A_93, %stack3A_94 in 0 : vector<1x256xi32>, vector<1x256xi32>, vector<1x256xi32>, vector<1x256xi32>, vector<1x256xi32>, vector<1x256xi32>, vector<1x256xi32>, vector<1x256xi32> -> vector<8x256xi32>
    %swap3A_96 = arith.constant 0 : index
    %swap3A_97 = arith.constant 0 : index
    %swap3A_98 = vector.load %arg4[%swap3A_96, %swap3A_97] : memref<8x256xi32, #tpu.memory_space<vmem>>, vector<8x256xi32>
    tpu.vector_store %arg4[%swap3A_96, %swap3A_97], %stack3A_95 {strides = array<i32>} : memref<8x256xi32, #tpu.memory_space<vmem>>, vector<8x256xi32>,
    %reduce_sum3A_99 = vector.shape_cast %reduce_min3A_82 : vector<256xf32> to vector<1x256xf32>
    %reduce_sum3A_100 = arith.constant dense<0.000000e+00> : vector<1xf32>
    %reduce_sum3A_101 = vector.multi_reduction <add>, %reduce_sum3A_99, %reduce_sum3A_100 [1] : vector<1x256xf32> to vector<1xf32>
    %reduce_sum3A_102 = vector.shape_cast %reduce_sum3A_101 : vector<1xf32> to vector<1x1xf32>
    %reduce_sum3A_103 = vector.extract %reduce_sum3A_102[0, 0] : f32 from vector<1x1xf32>
    %broadcast_in_dim3A_104 = vector.broadcast %reduce_sum3A_103 : f32 to vector<1x1x128xf32>
    %swap3A_105 = arith.constant 0 : index
    %swap3A_106 = arith.constant 0 : index
    %swap3A_107 = arith.constant 0 : index
    %swap3A_108 = vector.load %arg5[%swap3A_105, %swap3A_106, %swap3A_107] : memref<1x1x128xf32, #tpu.memory_space<vmem>>, vector<1x1x128xf32>
    tpu.vector_store %arg5[%swap3A_105, %swap3A_106, %swap3A_107], %broadcast_in_dim3A_104 {strides = array<i32>} : memref<1x1x128xf32, #tpu.memory_space<vmem>>, vector<1x1x128xf32>,
    return
  }
  func.func @transform_0(%arg0: i32) -> (i32, i32) {
    %c0_i32 = arith.constant 0 : i32
    %c0_i32_0 = arith.constant 0 : i32
    return %arg0, %c0_i32 : i32, i32
  }
  func.func @transform_1(%arg0: i32) -> (i32, i32) {
    %c0_i32 = arith.constant 0 : i32
    %c0_i32_0 = arith.constant 0 : i32
    %c0_i32_1 = arith.constant 0 : i32
    return %c0_i32, %c0_i32_0 : i32, i32
  }
  func.func @transform_2(%arg0: i32) -> (i32, i32) {
    %c0_i32 = arith.constant 0 : i32
    %c0_i32_0 = arith.constant 0 : i32
    %c0_i32_1 = arith.constant 0 : i32
    return %c0_i32, %c0_i32_0 : i32, i32
  }
  func.func @transform_3(%arg0: i32) -> (i32, i32) {
    %c0_i32 = arith.constant 0 : i32
    %c0_i32_0 = arith.constant 0 : i32
    return %c0_i32, %arg0 : i32, i32
  }
  func.func @transform_4(%arg0: i32) -> (i32, i32, i32) {
    %c0_i32 = arith.constant 0 : i32
    %c0_i32_0 = arith.constant 0 : i32
    %c0_i32_1 = arith.constant 0 : i32
    return %arg0, %c0_i32, %c0_i32_0 : i32, i32, i32
  }
}

module attributes {stable_mosaic.version = 14 : i64} {
  func.func @_lvl1_body(%arg0: i32, %arg1: memref<256x1024xf32, #tpu.memory_space<vmem>>, %arg2: memref<256x1024xf32, #tpu.memory_space<vmem>>, %arg3: memref<1024x1024xf32, #tpu.memory_space<vmem>>, %arg4: memref<1x1024xf32, #tpu.memory_space<vmem>>, %arg5: memref<256x1024xf32, #tpu.memory_space<vmem>>, %arg6: memref<256x1024xf32, #tpu.memory_space<vmem>>, %arg7: memref<8x256xi32, #tpu.memory_space<vmem>>, %arg8: memref<1x1x128xf32, #tpu.memory_space<vmem>>, %arg9: memref<256x1024xf32, #tpu.memory_space<vmem>>) attributes {dimension_semantics = [#tpu.dimension_semantics<parallel>], iteration_bounds = array<i64: 32>, scalar_prefetch = 0 : i64, scratch_operands = 1 : i64, tpu.core_type = #tpu.core_type<tc>, window_params = [{transform_indices = @transform_0, window_bounds = array<i64: 256, 1024>}, {transform_indices = @transform_1, window_bounds = array<i64: 256, 1024>}, {pipeline_mode = #tpu.pipeline_mode<synchronous>, transform_indices = @transform_2, window_bounds = array<i64: 1024, 1024>}, {pipeline_mode = #tpu.pipeline_mode<synchronous>, transform_indices = @transform_3, window_bounds = array<i64: 1, 1024>}, {transform_indices = @transform_4, window_bounds = array<i64: 256, 1024>}, {transform_indices = @transform_5, window_bounds = array<i64: 256, 1024>}, {transform_indices = @transform_6, window_bounds = array<i64: 8, 256>}, {transform_indices = @transform_7, window_bounds = array<i64: 1, 1, 128>}]} {
    %get3A = arith.constant 0 : index
    %get3A_0 = arith.constant 0 : index
    %get3A_1 = vector.load %arg1[%get3A, %get3A_0] : memref<256x1024xf32, #tpu.memory_space<vmem>>, vector<256x1024xf32>
    %get3A_2 = arith.constant 0 : index
    %get3A_3 = arith.constant 0 : index
    %get3A_4 = vector.load %arg2[%get3A_2, %get3A_3] : memref<256x1024xf32, #tpu.memory_space<vmem>>, vector<256x1024xf32>
    %sub3A = arith.subf %get3A_4, %get3A_1 : vector<256x1024xf32>
    %add3A = arith.addf %get3A_1, %sub3A : vector<256x1024xf32>
    %swap3A = arith.constant 0 : index
    %swap3A_5 = arith.constant 0 : index
    %swap3A_6 = vector.load %arg6[%swap3A, %swap3A_5] : memref<256x1024xf32, #tpu.memory_space<vmem>>, vector<256x1024xf32>
    tpu.vector_store %arg6[%swap3A, %swap3A_5], %add3A {strides = array<i32>} : memref<256x1024xf32, #tpu.memory_space<vmem>>, vector<256x1024xf32>,
    %sub3A_7 = arith.subf %get3A_1, %add3A : vector<256x1024xf32>
    %swap3A_8 = arith.constant 0 : index
    %swap3A_9 = arith.constant 0 : index
    %swap3A_10 = vector.load %arg5[%swap3A_8, %swap3A_9] : memref<256x1024xf32, #tpu.memory_space<vmem>>, vector<256x1024xf32>
    tpu.vector_store %arg5[%swap3A_8, %swap3A_9], %sub3A_7 {strides = array<i32>} : memref<256x1024xf32, #tpu.memory_space<vmem>>, vector<256x1024xf32>,
    %mul3A = arith.mulf %sub3A_7, %sub3A_7 : vector<256x1024xf32>
    %reduce_sum3A = arith.constant dense<0.000000e+00> : vector<256xf32>
    %reduce_sum3A_11 = vector.multi_reduction <add>, %mul3A, %reduce_sum3A [1] : vector<256x1024xf32> to vector<256xf32>
    %broadcast_in_dim3A = vector.shape_cast %reduce_sum3A_11 : vector<256xf32> to vector<256x1xf32>
    %get3A_12 = arith.constant 0 : index
    %get3A_13 = arith.constant 0 : index
    %get3A_14 = vector.load %arg3[%get3A_12, %get3A_13] : memref<1024x1024xf32, #tpu.memory_space<vmem>>, vector<256x1024xf32>
    %dot_general3A = arith.constant dense<0.000000e+00> : vector<256x256xf32>
    %dot_general3A_15 = tpu.matmul %sub3A_7, %get3A_14, %dot_general3A {dimension_numbers = #tpu.dot_dimension_numbers<[1], [1], [0], [0], [0, 0, 1, 0], [], []>, transpose_lhs_hint = false} : vector<256x1024xf32>, vector<256x1024xf32>, vector<256x256xf32> -> vector<256x256xf32>
    %mul3A_16 = arith.constant 2.000000e+00 : f32
    %mul3A_17 = vector.broadcast %mul3A_16 : f32 to vector<256x256xf32>
    %mul3A_18 = arith.mulf %mul3A_17, %dot_general3A_15 : vector<256x256xf32>
    %sub3A_19 = vector.broadcast %broadcast_in_dim3A : vector<256x1xf32> to vector<256x256xf32>
    %sub3A_20 = arith.subf %sub3A_19, %mul3A_18 : vector<256x256xf32>
    %get3A_21 = arith.constant 0 : index
    %get3A_22 = arith.constant 0 : index
    %get3A_23 = vector.load %arg4[%get3A_21, %get3A_22] : memref<1x1024xf32, #tpu.memory_space<vmem>>, vector<1x256xf32>
    %get3A_24 = vector.shape_cast %get3A_23 : vector<1x256xf32> to vector<256xf32>
    %broadcast_in_dim3A_25 = vector.shape_cast %get3A_24 : vector<256xf32> to vector<1x256xf32>
    %add3A_26 = vector.broadcast %broadcast_in_dim3A_25 : vector<1x256xf32> to vector<256x256xf32>
    %add3A_27 = arith.addf %sub3A_20, %add3A_26 : vector<256x256xf32>
    %swap3A_28 = arith.constant 0 : index
    %swap3A_29 = arith.constant 0 : index
    %swap3A_30 = vector.load %arg9[%swap3A_28, %swap3A_29] : memref<256x1024xf32, #tpu.memory_space<vmem>>, vector<256x256xf32>
    tpu.vector_store %arg9[%swap3A_28, %swap3A_29], %add3A_27 {strides = array<i32>} : memref<256x1024xf32, #tpu.memory_space<vmem>>, vector<256x256xf32>,
    %get3A_31 = arith.constant 256 : index
    %get3A_32 = arith.constant 0 : index
    %get3A_33 = vector.load %arg3[%get3A_31, %get3A_32] : memref<1024x1024xf32, #tpu.memory_space<vmem>>, vector<256x1024xf32>
    %dot_general3A_34 = arith.constant dense<0.000000e+00> : vector<256x256xf32>
    %dot_general3A_35 = tpu.matmul %sub3A_7, %get3A_33, %dot_general3A_34 {dimension_numbers = #tpu.dot_dimension_numbers<[1], [1], [0], [0], [0, 0, 1, 0], [], []>, transpose_lhs_hint = false} : vector<256x1024xf32>, vector<256x1024xf32>, vector<256x256xf32> -> vector<256x256xf32>
    %mul3A_36 = arith.constant 2.000000e+00 : f32
    %mul3A_37 = vector.broadcast %mul3A_36 : f32 to vector<256x256xf32>
    %mul3A_38 = arith.mulf %mul3A_37, %dot_general3A_35 : vector<256x256xf32>
    %sub3A_39 = vector.broadcast %broadcast_in_dim3A : vector<256x1xf32> to vector<256x256xf32>
    %sub3A_40 = arith.subf %sub3A_39, %mul3A_38 : vector<256x256xf32>
    %get3A_41 = arith.constant 0 : index
    %get3A_42 = arith.constant 256 : index
    %get3A_43 = vector.load %arg4[%get3A_41, %get3A_42] : memref<1x1024xf32, #tpu.memory_space<vmem>>, vector<1x256xf32>
    %get3A_44 = vector.shape_cast %get3A_43 : vector<1x256xf32> to vector<256xf32>
    %broadcast_in_dim3A_45 = vector.shape_cast %get3A_44 : vector<256xf32> to vector<1x256xf32>
    %add3A_46 = vector.broadcast %broadcast_in_dim3A_45 : vector<1x256xf32> to vector<256x256xf32>
    %add3A_47 = arith.addf %sub3A_40, %add3A_46 : vector<256x256xf32>
    %swap3A_48 = arith.constant 0 : index
    %swap3A_49 = arith.constant 256 : index
    %swap3A_50 = vector.load %arg9[%swap3A_48, %swap3A_49] : memref<256x1024xf32, #tpu.memory_space<vmem>>, vector<256x256xf32>
    tpu.vector_store %arg9[%swap3A_48, %swap3A_49], %add3A_47 {strides = array<i32>} : memref<256x1024xf32, #tpu.memory_space<vmem>>, vector<256x256xf32>,
    %get3A_51 = arith.constant 512 : index
    %get3A_52 = arith.constant 0 : index
    %get3A_53 = vector.load %arg3[%get3A_51, %get3A_52] : memref<1024x1024xf32, #tpu.memory_space<vmem>>, vector<256x1024xf32>
    %dot_general3A_54 = arith.constant dense<0.000000e+00> : vector<256x256xf32>
    %dot_general3A_55 = tpu.matmul %sub3A_7, %get3A_53, %dot_general3A_54 {dimension_numbers = #tpu.dot_dimension_numbers<[1], [1], [0], [0], [0, 0, 1, 0], [], []>, transpose_lhs_hint = false} : vector<256x1024xf32>, vector<256x1024xf32>, vector<256x256xf32> -> vector<256x256xf32>
    %mul3A_56 = arith.constant 2.000000e+00 : f32
    %mul3A_57 = vector.broadcast %mul3A_56 : f32 to vector<256x256xf32>
    %mul3A_58 = arith.mulf %mul3A_57, %dot_general3A_55 : vector<256x256xf32>
    %sub3A_59 = vector.broadcast %broadcast_in_dim3A : vector<256x1xf32> to vector<256x256xf32>
    %sub3A_60 = arith.subf %sub3A_59, %mul3A_58 : vector<256x256xf32>
    %get3A_61 = arith.constant 0 : index
    %get3A_62 = arith.constant 512 : index
    %get3A_63 = vector.load %arg4[%get3A_61, %get3A_62] : memref<1x1024xf32, #tpu.memory_space<vmem>>, vector<1x256xf32>
    %get3A_64 = vector.shape_cast %get3A_63 : vector<1x256xf32> to vector<256xf32>
    %broadcast_in_dim3A_65 = vector.shape_cast %get3A_64 : vector<256xf32> to vector<1x256xf32>
    %add3A_66 = vector.broadcast %broadcast_in_dim3A_65 : vector<1x256xf32> to vector<256x256xf32>
    %add3A_67 = arith.addf %sub3A_60, %add3A_66 : vector<256x256xf32>
    %swap3A_68 = arith.constant 0 : index
    %swap3A_69 = arith.constant 512 : index
    %swap3A_70 = vector.load %arg9[%swap3A_68, %swap3A_69] : memref<256x1024xf32, #tpu.memory_space<vmem>>, vector<256x256xf32>
    tpu.vector_store %arg9[%swap3A_68, %swap3A_69], %add3A_67 {strides = array<i32>} : memref<256x1024xf32, #tpu.memory_space<vmem>>, vector<256x256xf32>,
    %get3A_71 = arith.constant 768 : index
    %get3A_72 = arith.constant 0 : index
    %get3A_73 = vector.load %arg3[%get3A_71, %get3A_72] : memref<1024x1024xf32, #tpu.memory_space<vmem>>, vector<256x1024xf32>
    %dot_general3A_74 = arith.constant dense<0.000000e+00> : vector<256x256xf32>
    %dot_general3A_75 = tpu.matmul %sub3A_7, %get3A_73, %dot_general3A_74 {dimension_numbers = #tpu.dot_dimension_numbers<[1], [1], [0], [0], [0, 0, 1, 0], [], []>, transpose_lhs_hint = false} : vector<256x1024xf32>, vector<256x1024xf32>, vector<256x256xf32> -> vector<256x256xf32>
    %mul3A_76 = arith.constant 2.000000e+00 : f32
    %mul3A_77 = vector.broadcast %mul3A_76 : f32 to vector<256x256xf32>
    %mul3A_78 = arith.mulf %mul3A_77, %dot_general3A_75 : vector<256x256xf32>
    %sub3A_79 = vector.broadcast %broadcast_in_dim3A : vector<256x1xf32> to vector<256x256xf32>
    %sub3A_80 = arith.subf %sub3A_79, %mul3A_78 : vector<256x256xf32>
    %get3A_81 = arith.constant 0 : index
    %get3A_82 = arith.constant 768 : index
    %get3A_83 = vector.load %arg4[%get3A_81, %get3A_82] : memref<1x1024xf32, #tpu.memory_space<vmem>>, vector<1x256xf32>
    %get3A_84 = vector.shape_cast %get3A_83 : vector<1x256xf32> to vector<256xf32>
    %broadcast_in_dim3A_85 = vector.shape_cast %get3A_84 : vector<256xf32> to vector<1x256xf32>
    %add3A_86 = vector.broadcast %broadcast_in_dim3A_85 : vector<1x256xf32> to vector<256x256xf32>
    %add3A_87 = arith.addf %sub3A_80, %add3A_86 : vector<256x256xf32>
    %swap3A_88 = arith.constant 0 : index
    %swap3A_89 = arith.constant 768 : index
    %swap3A_90 = vector.load %arg9[%swap3A_88, %swap3A_89] : memref<256x1024xf32, #tpu.memory_space<vmem>>, vector<256x256xf32>
    tpu.vector_store %arg9[%swap3A_88, %swap3A_89], %add3A_87 {strides = array<i32>} : memref<256x1024xf32, #tpu.memory_space<vmem>>, vector<256x256xf32>,
    %get3A_91 = arith.constant 0 : index
    %get3A_92 = arith.constant 0 : index
    %get3A_93 = vector.load %arg9[%get3A_91, %get3A_92] : memref<256x1024xf32, #tpu.memory_space<vmem>>, vector<256x1024xf32>
    %reduce_min3A = arith.constant dense<0x7F800000> : vector<256xf32>
    %reduce_min3A_94 = vector.multi_reduction <minimumf>, %get3A_93, %reduce_min3A [1] : vector<256x1024xf32> to vector<256xf32>
    %iota3A = tpu.iota {dimensions = array<i32: 1>} : vector<256x1024xi32>
    %broadcast_in_dim3A_95 = vector.shape_cast %reduce_min3A_94 : vector<256xf32> to vector<256x1xf32>
    %eq3A = vector.broadcast %broadcast_in_dim3A_95 : vector<256x1xf32> to vector<256x1024xf32>
    %eq3A_96 = arith.cmpf oeq, %get3A_93, %eq3A : vector<256x1024xf32>
    %jit3A = arith.constant 1024 : i32
    %broadcast_in_dim3A_97 = vector.broadcast %jit3A : i32 to vector<256x1024xi32>
    %select_n3A = arith.select %eq3A_96, %iota3A, %broadcast_in_dim3A_97 : vector<256x1024xi1>, vector<256x1024xi32>
    %reduce_min3A_98 = arith.constant dense<2147483647> : vector<256xi32>
    %reduce_min3A_99 = vector.multi_reduction <minsi>, %select_n3A, %reduce_min3A_98 [1] : vector<256x1024xi32> to vector<256xi32>
    %stack3A = vector.shape_cast %reduce_min3A_99 : vector<256xi32> to vector<1x256xi32>
    %stack3A_100 = vector.shape_cast %reduce_min3A_99 : vector<256xi32> to vector<1x256xi32>
    %stack3A_101 = vector.shape_cast %reduce_min3A_99 : vector<256xi32> to vector<1x256xi32>
    %stack3A_102 = vector.shape_cast %reduce_min3A_99 : vector<256xi32> to vector<1x256xi32>
    %stack3A_103 = vector.shape_cast %reduce_min3A_99 : vector<256xi32> to vector<1x256xi32>
    %stack3A_104 = vector.shape_cast %reduce_min3A_99 : vector<256xi32> to vector<1x256xi32>
    %stack3A_105 = vector.shape_cast %reduce_min3A_99 : vector<256xi32> to vector<1x256xi32>
    %stack3A_106 = vector.shape_cast %reduce_min3A_99 : vector<256xi32> to vector<1x256xi32>
    %stack3A_107 = tpu.concatenate %stack3A, %stack3A_100, %stack3A_101, %stack3A_102, %stack3A_103, %stack3A_104, %stack3A_105, %stack3A_106 in 0 : vector<1x256xi32>, vector<1x256xi32>, vector<1x256xi32>, vector<1x256xi32>, vector<1x256xi32>, vector<1x256xi32>, vector<1x256xi32>, vector<1x256xi32> -> vector<8x256xi32>
    %swap3A_108 = arith.constant 0 : index
    %swap3A_109 = arith.constant 0 : index
    %swap3A_110 = vector.load %arg7[%swap3A_108, %swap3A_109] : memref<8x256xi32, #tpu.memory_space<vmem>>, vector<8x256xi32>
    tpu.vector_store %arg7[%swap3A_108, %swap3A_109], %stack3A_107 {strides = array<i32>} : memref<8x256xi32, #tpu.memory_space<vmem>>, vector<8x256xi32>,
    %reduce_sum3A_111 = vector.shape_cast %reduce_min3A_94 : vector<256xf32> to vector<1x256xf32>
    %reduce_sum3A_112 = arith.constant dense<0.000000e+00> : vector<1xf32>
    %reduce_sum3A_113 = vector.multi_reduction <add>, %reduce_sum3A_111, %reduce_sum3A_112 [1] : vector<1x256xf32> to vector<1xf32>
    %reduce_sum3A_114 = vector.shape_cast %reduce_sum3A_113 : vector<1xf32> to vector<1x1xf32>
    %reduce_sum3A_115 = vector.extract %reduce_sum3A_114[0, 0] : f32 from vector<1x1xf32>
    %broadcast_in_dim3A_116 = vector.broadcast %reduce_sum3A_115 : f32 to vector<1x1x128xf32>
    %swap3A_117 = arith.constant 0 : index
    %swap3A_118 = arith.constant 0 : index
    %swap3A_119 = arith.constant 0 : index
    %swap3A_120 = vector.load %arg8[%swap3A_117, %swap3A_118, %swap3A_119] : memref<1x1x128xf32, #tpu.memory_space<vmem>>, vector<1x1x128xf32>
    tpu.vector_store %arg8[%swap3A_117, %swap3A_118, %swap3A_119], %broadcast_in_dim3A_116 {strides = array<i32>} : memref<1x1x128xf32, #tpu.memory_space<vmem>>, vector<1x1x128xf32>,
    return
  }
  func.func @transform_0(%arg0: i32) -> (i32, i32) {
    %c0_i32 = arith.constant 0 : i32
    %c0_i32_0 = arith.constant 0 : i32
    return %arg0, %c0_i32 : i32, i32
  }
  func.func @transform_1(%arg0: i32) -> (i32, i32) {
    %c0_i32 = arith.constant 0 : i32
    %c0_i32_0 = arith.constant 0 : i32
    return %arg0, %c0_i32 : i32, i32
  }
  func.func @transform_2(%arg0: i32) -> (i32, i32) {
    %c0_i32 = arith.constant 0 : i32
    %c0_i32_0 = arith.constant 0 : i32
    %c0_i32_1 = arith.constant 0 : i32
    return %c0_i32, %c0_i32_0 : i32, i32
  }
  func.func @transform_3(%arg0: i32) -> (i32, i32) {
    %c0_i32 = arith.constant 0 : i32
    %c0_i32_0 = arith.constant 0 : i32
    %c0_i32_1 = arith.constant 0 : i32
    return %c0_i32, %c0_i32_0 : i32, i32
  }
  func.func @transform_4(%arg0: i32) -> (i32, i32) {
    %c0_i32 = arith.constant 0 : i32
    %c0_i32_0 = arith.constant 0 : i32
    return %arg0, %c0_i32 : i32, i32
  }
  func.func @transform_5(%arg0: i32) -> (i32, i32) {
    %c0_i32 = arith.constant 0 : i32
    %c0_i32_0 = arith.constant 0 : i32
    return %arg0, %c0_i32 : i32, i32
  }
  func.func @transform_6(%arg0: i32) -> (i32, i32) {
    %c0_i32 = arith.constant 0 : i32
    %c0_i32_0 = arith.constant 0 : i32
    return %c0_i32, %arg0 : i32, i32
  }
  func.func @transform_7(%arg0: i32) -> (i32, i32, i32) {
    %c0_i32 = arith.constant 0 : i32
    %c0_i32_0 = arith.constant 0 : i32
    %c0_i32_1 = arith.constant 0 : i32
    return %arg0, %c0_i32, %c0_i32_0 : i32, i32, i32
  }
}

module attributes {stable_mosaic.version = 14 : i64} {
  func.func @_lvl2_body(%arg0: i32, %arg1: memref<256x1024xf32, #tpu.memory_space<vmem>>, %arg2: memref<256x1024xf32, #tpu.memory_space<vmem>>, %arg3: memref<256x1024xf32, #tpu.memory_space<vmem>>, %arg4: memref<1024x1024xf32, #tpu.memory_space<vmem>>, %arg5: memref<1x1024xf32, #tpu.memory_space<vmem>>, %arg6: memref<256x1024xf32, #tpu.memory_space<vmem>>, %arg7: memref<256x1024xf32, #tpu.memory_space<vmem>>, %arg8: memref<8x256xi32, #tpu.memory_space<vmem>>, %arg9: memref<1x1x128xf32, #tpu.memory_space<vmem>>, %arg10: memref<256x1024xf32, #tpu.memory_space<vmem>>) attributes {dimension_semantics = [#tpu.dimension_semantics<parallel>], iteration_bounds = array<i64: 32>, scalar_prefetch = 0 : i64, scratch_operands = 1 : i64, tpu.core_type = #tpu.core_type<tc>, window_params = [{transform_indices = @transform_0, window_bounds = array<i64: 256, 1024>}, {transform_indices = @transform_1, window_bounds = array<i64: 256, 1024>}, {transform_indices = @transform_2, window_bounds = array<i64: 256, 1024>}, {pipeline_mode = #tpu.pipeline_mode<synchronous>, transform_indices = @transform_3, window_bounds = array<i64: 1024, 1024>}, {pipeline_mode = #tpu.pipeline_mode<synchronous>, transform_indices = @transform_4, window_bounds = array<i64: 1, 1024>}, {transform_indices = @transform_5, window_bounds = array<i64: 256, 1024>}, {transform_indices = @transform_6, window_bounds = array<i64: 256, 1024>}, {transform_indices = @transform_7, window_bounds = array<i64: 8, 256>}, {transform_indices = @transform_8, window_bounds = array<i64: 1, 1, 128>}]} {
    %get3A = arith.constant 0 : index
    %get3A_0 = arith.constant 0 : index
    %get3A_1 = vector.load %arg1[%get3A, %get3A_0] : memref<256x1024xf32, #tpu.memory_space<vmem>>, vector<256x1024xf32>
    %get3A_2 = arith.constant 0 : index
    %get3A_3 = arith.constant 0 : index
    %get3A_4 = vector.load %arg2[%get3A_2, %get3A_3] : memref<256x1024xf32, #tpu.memory_space<vmem>>, vector<256x1024xf32>
    %sub3A = arith.subf %get3A_4, %get3A_1 : vector<256x1024xf32>
    %add3A = arith.addf %get3A_1, %sub3A : vector<256x1024xf32>
    %get3A_5 = arith.constant 0 : index
    %get3A_6 = arith.constant 0 : index
    %get3A_7 = vector.load %arg3[%get3A_5, %get3A_6] : memref<256x1024xf32, #tpu.memory_space<vmem>>, vector<256x1024xf32>
    %add3A_8 = arith.addf %get3A_7, %add3A : vector<256x1024xf32>
    %swap3A = arith.constant 0 : index
    %swap3A_9 = arith.constant 0 : index
    %swap3A_10 = vector.load %arg7[%swap3A, %swap3A_9] : memref<256x1024xf32, #tpu.memory_space<vmem>>, vector<256x1024xf32>
    tpu.vector_store %arg7[%swap3A, %swap3A_9], %add3A_8 {strides = array<i32>} : memref<256x1024xf32, #tpu.memory_space<vmem>>, vector<256x1024xf32>,
    %sub3A_11 = arith.subf %get3A_1, %add3A : vector<256x1024xf32>
    %swap3A_12 = arith.constant 0 : index
    %swap3A_13 = arith.constant 0 : index
    %swap3A_14 = vector.load %arg6[%swap3A_12, %swap3A_13] : memref<256x1024xf32, #tpu.memory_space<vmem>>, vector<256x1024xf32>
    tpu.vector_store %arg6[%swap3A_12, %swap3A_13], %sub3A_11 {strides = array<i32>} : memref<256x1024xf32, #tpu.memory_space<vmem>>, vector<256x1024xf32>,
    %mul3A = arith.mulf %sub3A_11, %sub3A_11 : vector<256x1024xf32>
    %reduce_sum3A = arith.constant dense<0.000000e+00> : vector<256xf32>
    %reduce_sum3A_15 = vector.multi_reduction <add>, %mul3A, %reduce_sum3A [1] : vector<256x1024xf32> to vector<256xf32>
    %broadcast_in_dim3A = vector.shape_cast %reduce_sum3A_15 : vector<256xf32> to vector<256x1xf32>
    %get3A_16 = arith.constant 0 : index
    %get3A_17 = arith.constant 0 : index
    %get3A_18 = vector.load %arg4[%get3A_16, %get3A_17] : memref<1024x1024xf32, #tpu.memory_space<vmem>>, vector<256x1024xf32>
    %dot_general3A = arith.constant dense<0.000000e+00> : vector<256x256xf32>
    %dot_general3A_19 = tpu.matmul %sub3A_11, %get3A_18, %dot_general3A {dimension_numbers = #tpu.dot_dimension_numbers<[1], [1], [0], [0], [0, 0, 1, 0], [], []>, transpose_lhs_hint = false} : vector<256x1024xf32>, vector<256x1024xf32>, vector<256x256xf32> -> vector<256x256xf32>
    %mul3A_20 = arith.constant 2.000000e+00 : f32
    %mul3A_21 = vector.broadcast %mul3A_20 : f32 to vector<256x256xf32>
    %mul3A_22 = arith.mulf %mul3A_21, %dot_general3A_19 : vector<256x256xf32>
    %sub3A_23 = vector.broadcast %broadcast_in_dim3A : vector<256x1xf32> to vector<256x256xf32>
    %sub3A_24 = arith.subf %sub3A_23, %mul3A_22 : vector<256x256xf32>
    %get3A_25 = arith.constant 0 : index
    %get3A_26 = arith.constant 0 : index
    %get3A_27 = vector.load %arg5[%get3A_25, %get3A_26] : memref<1x1024xf32, #tpu.memory_space<vmem>>, vector<1x256xf32>
    %get3A_28 = vector.shape_cast %get3A_27 : vector<1x256xf32> to vector<256xf32>
    %broadcast_in_dim3A_29 = vector.shape_cast %get3A_28 : vector<256xf32> to vector<1x256xf32>
    %add3A_30 = vector.broadcast %broadcast_in_dim3A_29 : vector<1x256xf32> to vector<256x256xf32>
    %add3A_31 = arith.addf %sub3A_24, %add3A_30 : vector<256x256xf32>
    %swap3A_32 = arith.constant 0 : index
    %swap3A_33 = arith.constant 0 : index
    %swap3A_34 = vector.load %arg10[%swap3A_32, %swap3A_33] : memref<256x1024xf32, #tpu.memory_space<vmem>>, vector<256x256xf32>
    tpu.vector_store %arg10[%swap3A_32, %swap3A_33], %add3A_31 {strides = array<i32>} : memref<256x1024xf32, #tpu.memory_space<vmem>>, vector<256x256xf32>,
    %get3A_35 = arith.constant 256 : index
    %get3A_36 = arith.constant 0 : index
    %get3A_37 = vector.load %arg4[%get3A_35, %get3A_36] : memref<1024x1024xf32, #tpu.memory_space<vmem>>, vector<256x1024xf32>
    %dot_general3A_38 = arith.constant dense<0.000000e+00> : vector<256x256xf32>
    %dot_general3A_39 = tpu.matmul %sub3A_11, %get3A_37, %dot_general3A_38 {dimension_numbers = #tpu.dot_dimension_numbers<[1], [1], [0], [0], [0, 0, 1, 0], [], []>, transpose_lhs_hint = false} : vector<256x1024xf32>, vector<256x1024xf32>, vector<256x256xf32> -> vector<256x256xf32>
    %mul3A_40 = arith.constant 2.000000e+00 : f32
    %mul3A_41 = vector.broadcast %mul3A_40 : f32 to vector<256x256xf32>
    %mul3A_42 = arith.mulf %mul3A_41, %dot_general3A_39 : vector<256x256xf32>
    %sub3A_43 = vector.broadcast %broadcast_in_dim3A : vector<256x1xf32> to vector<256x256xf32>
    %sub3A_44 = arith.subf %sub3A_43, %mul3A_42 : vector<256x256xf32>
    %get3A_45 = arith.constant 0 : index
    %get3A_46 = arith.constant 256 : index
    %get3A_47 = vector.load %arg5[%get3A_45, %get3A_46] : memref<1x1024xf32, #tpu.memory_space<vmem>>, vector<1x256xf32>
    %get3A_48 = vector.shape_cast %get3A_47 : vector<1x256xf32> to vector<256xf32>
    %broadcast_in_dim3A_49 = vector.shape_cast %get3A_48 : vector<256xf32> to vector<1x256xf32>
    %add3A_50 = vector.broadcast %broadcast_in_dim3A_49 : vector<1x256xf32> to vector<256x256xf32>
    %add3A_51 = arith.addf %sub3A_44, %add3A_50 : vector<256x256xf32>
    %swap3A_52 = arith.constant 0 : index
    %swap3A_53 = arith.constant 256 : index
    %swap3A_54 = vector.load %arg10[%swap3A_52, %swap3A_53] : memref<256x1024xf32, #tpu.memory_space<vmem>>, vector<256x256xf32>
    tpu.vector_store %arg10[%swap3A_52, %swap3A_53], %add3A_51 {strides = array<i32>} : memref<256x1024xf32, #tpu.memory_space<vmem>>, vector<256x256xf32>,
    %get3A_55 = arith.constant 512 : index
    %get3A_56 = arith.constant 0 : index
    %get3A_57 = vector.load %arg4[%get3A_55, %get3A_56] : memref<1024x1024xf32, #tpu.memory_space<vmem>>, vector<256x1024xf32>
    %dot_general3A_58 = arith.constant dense<0.000000e+00> : vector<256x256xf32>
    %dot_general3A_59 = tpu.matmul %sub3A_11, %get3A_57, %dot_general3A_58 {dimension_numbers = #tpu.dot_dimension_numbers<[1], [1], [0], [0], [0, 0, 1, 0], [], []>, transpose_lhs_hint = false} : vector<256x1024xf32>, vector<256x1024xf32>, vector<256x256xf32> -> vector<256x256xf32>
    %mul3A_60 = arith.constant 2.000000e+00 : f32
    %mul3A_61 = vector.broadcast %mul3A_60 : f32 to vector<256x256xf32>
    %mul3A_62 = arith.mulf %mul3A_61, %dot_general3A_59 : vector<256x256xf32>
    %sub3A_63 = vector.broadcast %broadcast_in_dim3A : vector<256x1xf32> to vector<256x256xf32>
    %sub3A_64 = arith.subf %sub3A_63, %mul3A_62 : vector<256x256xf32>
    %get3A_65 = arith.constant 0 : index
    %get3A_66 = arith.constant 512 : index
    %get3A_67 = vector.load %arg5[%get3A_65, %get3A_66] : memref<1x1024xf32, #tpu.memory_space<vmem>>, vector<1x256xf32>
    %get3A_68 = vector.shape_cast %get3A_67 : vector<1x256xf32> to vector<256xf32>
    %broadcast_in_dim3A_69 = vector.shape_cast %get3A_68 : vector<256xf32> to vector<1x256xf32>
    %add3A_70 = vector.broadcast %broadcast_in_dim3A_69 : vector<1x256xf32> to vector<256x256xf32>
    %add3A_71 = arith.addf %sub3A_64, %add3A_70 : vector<256x256xf32>
    %swap3A_72 = arith.constant 0 : index
    %swap3A_73 = arith.constant 512 : index
    %swap3A_74 = vector.load %arg10[%swap3A_72, %swap3A_73] : memref<256x1024xf32, #tpu.memory_space<vmem>>, vector<256x256xf32>
    tpu.vector_store %arg10[%swap3A_72, %swap3A_73], %add3A_71 {strides = array<i32>} : memref<256x1024xf32, #tpu.memory_space<vmem>>, vector<256x256xf32>,
    %get3A_75 = arith.constant 768 : index
    %get3A_76 = arith.constant 0 : index
    %get3A_77 = vector.load %arg4[%get3A_75, %get3A_76] : memref<1024x1024xf32, #tpu.memory_space<vmem>>, vector<256x1024xf32>
    %dot_general3A_78 = arith.constant dense<0.000000e+00> : vector<256x256xf32>
    %dot_general3A_79 = tpu.matmul %sub3A_11, %get3A_77, %dot_general3A_78 {dimension_numbers = #tpu.dot_dimension_numbers<[1], [1], [0], [0], [0, 0, 1, 0], [], []>, transpose_lhs_hint = false} : vector<256x1024xf32>, vector<256x1024xf32>, vector<256x256xf32> -> vector<256x256xf32>
    %mul3A_80 = arith.constant 2.000000e+00 : f32
    %mul3A_81 = vector.broadcast %mul3A_80 : f32 to vector<256x256xf32>
    %mul3A_82 = arith.mulf %mul3A_81, %dot_general3A_79 : vector<256x256xf32>
    %sub3A_83 = vector.broadcast %broadcast_in_dim3A : vector<256x1xf32> to vector<256x256xf32>
    %sub3A_84 = arith.subf %sub3A_83, %mul3A_82 : vector<256x256xf32>
    %get3A_85 = arith.constant 0 : index
    %get3A_86 = arith.constant 768 : index
    %get3A_87 = vector.load %arg5[%get3A_85, %get3A_86] : memref<1x1024xf32, #tpu.memory_space<vmem>>, vector<1x256xf32>
    %get3A_88 = vector.shape_cast %get3A_87 : vector<1x256xf32> to vector<256xf32>
    %broadcast_in_dim3A_89 = vector.shape_cast %get3A_88 : vector<256xf32> to vector<1x256xf32>
    %add3A_90 = vector.broadcast %broadcast_in_dim3A_89 : vector<1x256xf32> to vector<256x256xf32>
    %add3A_91 = arith.addf %sub3A_84, %add3A_90 : vector<256x256xf32>
    %swap3A_92 = arith.constant 0 : index
    %swap3A_93 = arith.constant 768 : index
    %swap3A_94 = vector.load %arg10[%swap3A_92, %swap3A_93] : memref<256x1024xf32, #tpu.memory_space<vmem>>, vector<256x256xf32>
    tpu.vector_store %arg10[%swap3A_92, %swap3A_93], %add3A_91 {strides = array<i32>} : memref<256x1024xf32, #tpu.memory_space<vmem>>, vector<256x256xf32>,
    %get3A_95 = arith.constant 0 : index
    %get3A_96 = arith.constant 0 : index
    %get3A_97 = vector.load %arg10[%get3A_95, %get3A_96] : memref<256x1024xf32, #tpu.memory_space<vmem>>, vector<256x1024xf32>
    %reduce_min3A = arith.constant dense<0x7F800000> : vector<256xf32>
    %reduce_min3A_98 = vector.multi_reduction <minimumf>, %get3A_97, %reduce_min3A [1] : vector<256x1024xf32> to vector<256xf32>
    %iota3A = tpu.iota {dimensions = array<i32: 1>} : vector<256x1024xi32>
    %broadcast_in_dim3A_99 = vector.shape_cast %reduce_min3A_98 : vector<256xf32> to vector<256x1xf32>
    %eq3A = vector.broadcast %broadcast_in_dim3A_99 : vector<256x1xf32> to vector<256x1024xf32>
    %eq3A_100 = arith.cmpf oeq, %get3A_97, %eq3A : vector<256x1024xf32>
    %jit3A = arith.constant 1024 : i32
    %broadcast_in_dim3A_101 = vector.broadcast %jit3A : i32 to vector<256x1024xi32>
    %select_n3A = arith.select %eq3A_100, %iota3A, %broadcast_in_dim3A_101 : vector<256x1024xi1>, vector<256x1024xi32>
    %reduce_min3A_102 = arith.constant dense<2147483647> : vector<256xi32>
    %reduce_min3A_103 = vector.multi_reduction <minsi>, %select_n3A, %reduce_min3A_102 [1] : vector<256x1024xi32> to vector<256xi32>
    %stack3A = vector.shape_cast %reduce_min3A_103 : vector<256xi32> to vector<1x256xi32>
    %stack3A_104 = vector.shape_cast %reduce_min3A_103 : vector<256xi32> to vector<1x256xi32>
    %stack3A_105 = vector.shape_cast %reduce_min3A_103 : vector<256xi32> to vector<1x256xi32>
    %stack3A_106 = vector.shape_cast %reduce_min3A_103 : vector<256xi32> to vector<1x256xi32>
    %stack3A_107 = vector.shape_cast %reduce_min3A_103 : vector<256xi32> to vector<1x256xi32>
    %stack3A_108 = vector.shape_cast %reduce_min3A_103 : vector<256xi32> to vector<1x256xi32>
    %stack3A_109 = vector.shape_cast %reduce_min3A_103 : vector<256xi32> to vector<1x256xi32>
    %stack3A_110 = vector.shape_cast %reduce_min3A_103 : vector<256xi32> to vector<1x256xi32>
    %stack3A_111 = tpu.concatenate %stack3A, %stack3A_104, %stack3A_105, %stack3A_106, %stack3A_107, %stack3A_108, %stack3A_109, %stack3A_110 in 0 : vector<1x256xi32>, vector<1x256xi32>, vector<1x256xi32>, vector<1x256xi32>, vector<1x256xi32>, vector<1x256xi32>, vector<1x256xi32>, vector<1x256xi32> -> vector<8x256xi32>
    %swap3A_112 = arith.constant 0 : index
    %swap3A_113 = arith.constant 0 : index
    %swap3A_114 = vector.load %arg8[%swap3A_112, %swap3A_113] : memref<8x256xi32, #tpu.memory_space<vmem>>, vector<8x256xi32>
    tpu.vector_store %arg8[%swap3A_112, %swap3A_113], %stack3A_111 {strides = array<i32>} : memref<8x256xi32, #tpu.memory_space<vmem>>, vector<8x256xi32>,
    %reduce_sum3A_115 = vector.shape_cast %reduce_min3A_98 : vector<256xf32> to vector<1x256xf32>
    %reduce_sum3A_116 = arith.constant dense<0.000000e+00> : vector<1xf32>
    %reduce_sum3A_117 = vector.multi_reduction <add>, %reduce_sum3A_115, %reduce_sum3A_116 [1] : vector<1x256xf32> to vector<1xf32>
    %reduce_sum3A_118 = vector.shape_cast %reduce_sum3A_117 : vector<1xf32> to vector<1x1xf32>
    %reduce_sum3A_119 = vector.extract %reduce_sum3A_118[0, 0] : f32 from vector<1x1xf32>
    %broadcast_in_dim3A_120 = vector.broadcast %reduce_sum3A_119 : f32 to vector<1x1x128xf32>
    %swap3A_121 = arith.constant 0 : index
    %swap3A_122 = arith.constant 0 : index
    %swap3A_123 = arith.constant 0 : index
    %swap3A_124 = vector.load %arg9[%swap3A_121, %swap3A_122, %swap3A_123] : memref<1x1x128xf32, #tpu.memory_space<vmem>>, vector<1x1x128xf32>
    tpu.vector_store %arg9[%swap3A_121, %swap3A_122, %swap3A_123], %broadcast_in_dim3A_120 {strides = array<i32>} : memref<1x1x128xf32, #tpu.memory_space<vmem>>, vector<1x1x128xf32>,
    return
  }
  func.func @transform_0(%arg0: i32) -> (i32, i32) {
    %c0_i32 = arith.constant 0 : i32
    %c0_i32_0 = arith.constant 0 : i32
    return %arg0, %c0_i32 : i32, i32
  }
  func.func @transform_1(%arg0: i32) -> (i32, i32) {
    %c0_i32 = arith.constant 0 : i32
    %c0_i32_0 = arith.constant 0 : i32
    return %arg0, %c0_i32 : i32, i32
  }
  func.func @transform_2(%arg0: i32) -> (i32, i32) {
    %c0_i32 = arith.constant 0 : i32
    %c0_i32_0 = arith.constant 0 : i32
    return %arg0, %c0_i32 : i32, i32
  }
  func.func @transform_3(%arg0: i32) -> (i32, i32) {
    %c0_i32 = arith.constant 0 : i32
    %c0_i32_0 = arith.constant 0 : i32
    %c0_i32_1 = arith.constant 0 : i32
    return %c0_i32, %c0_i32_0 : i32, i32
  }
  func.func @transform_4(%arg0: i32) -> (i32, i32) {
    %c0_i32 = arith.constant 0 : i32
    %c0_i32_0 = arith.constant 0 : i32
    %c0_i32_1 = arith.constant 0 : i32
    return %c0_i32, %c0_i32_0 : i32, i32
  }
  func.func @transform_5(%arg0: i32) -> (i32, i32) {
    %c0_i32 = arith.constant 0 : i32
    %c0_i32_0 = arith.constant 0 : i32
    return %arg0, %c0_i32 : i32, i32
  }
  func.func @transform_6(%arg0: i32) -> (i32, i32) {
    %c0_i32 = arith.constant 0 : i32
    %c0_i32_0 = arith.constant 0 : i32
    return %arg0, %c0_i32 : i32, i32
  }
  func.func @transform_7(%arg0: i32) -> (i32, i32) {
    %c0_i32 = arith.constant 0 : i32
    %c0_i32_0 = arith.constant 0 : i32
    return %c0_i32, %arg0 : i32, i32
  }
  func.func @transform_8(%arg0: i32) -> (i32, i32, i32) {
    %c0_i32 = arith.constant 0 : i32
    %c0_i32_0 = arith.constant 0 : i32
    %c0_i32_1 = arith.constant 0 : i32
    return %arg0, %c0_i32, %c0_i32_0 : i32, i32, i32
  }
}

module attributes {stable_mosaic.version = 14 : i64} {
  func.func @_final_body(%arg0: i32, %arg1: memref<256x1024xf32, #tpu.memory_space<vmem>>, %arg2: memref<256x1024xf32, #tpu.memory_space<vmem>>, %arg3: memref<256x1024xf32, #tpu.memory_space<vmem>>, %arg4: memref<256x1024xf32, #tpu.memory_space<vmem>>) attributes {dimension_semantics = [#tpu.dimension_semantics<parallel>], iteration_bounds = array<i64: 32>, scalar_prefetch = 0 : i64, scratch_operands = 0 : i64, tpu.core_type = #tpu.core_type<tc>, window_params = [{transform_indices = @transform_0, window_bounds = array<i64: 256, 1024>}, {transform_indices = @transform_1, window_bounds = array<i64: 256, 1024>}, {transform_indices = @transform_2, window_bounds = array<i64: 256, 1024>}, {transform_indices = @transform_3, window_bounds = array<i64: 256, 1024>}]} {
    %get3A = arith.constant 0 : index
    %get3A_0 = arith.constant 0 : index
    %get3A_1 = vector.load %arg1[%get3A, %get3A_0] : memref<256x1024xf32, #tpu.memory_space<vmem>>, vector<256x1024xf32>
    %get3A_2 = arith.constant 0 : index
    %get3A_3 = arith.constant 0 : index
    %get3A_4 = vector.load %arg2[%get3A_2, %get3A_3] : memref<256x1024xf32, #tpu.memory_space<vmem>>, vector<256x1024xf32>
    %get3A_5 = arith.constant 0 : index
    %get3A_6 = arith.constant 0 : index
    %get3A_7 = vector.load %arg3[%get3A_5, %get3A_6] : memref<256x1024xf32, #tpu.memory_space<vmem>>, vector<256x1024xf32>
    %sub3A = arith.subf %get3A_4, %get3A_1 : vector<256x1024xf32>
    %add3A = arith.addf %get3A_1, %sub3A : vector<256x1024xf32>
    %add3A_8 = arith.addf %get3A_7, %add3A : vector<256x1024xf32>
    %swap3A = arith.constant 0 : index
    %swap3A_9 = arith.constant 0 : index
    %swap3A_10 = vector.load %arg4[%swap3A, %swap3A_9] : memref<256x1024xf32, #tpu.memory_space<vmem>>, vector<256x1024xf32>
    tpu.vector_store %arg4[%swap3A, %swap3A_9], %add3A_8 {strides = array<i32>} : memref<256x1024xf32, #tpu.memory_space<vmem>>, vector<256x1024xf32>,
    return
  }
  func.func @transform_0(%arg0: i32) -> (i32, i32) {
    %c0_i32 = arith.constant 0 : i32
    %c0_i32_0 = arith.constant 0 : i32
    return %arg0, %c0_i32 : i32, i32
  }
  func.func @transform_1(%arg0: i32) -> (i32, i32) {
    %c0_i32 = arith.constant 0 : i32
    %c0_i32_0 = arith.constant 0 : i32
    return %arg0, %c0_i32 : i32, i32
  }
  func.func @transform_2(%arg0: i32) -> (i32, i32) {
    %c0_i32 = arith.constant 0 : i32
    %c0_i32_0 = arith.constant 0 : i32
    return %arg0, %c0_i32 : i32, i32
  }
  func.func @transform_3(%arg0: i32) -> (i32, i32) {
    %c0_i32 = arith.constant 0 : i32
    %c0_i32_0 = arith.constant 0 : i32
    return %arg0, %c0_i32 : i32, i32
  }
}

</mosaic_0001>

<sc_bundles>
// kernel: kernel.12.cloned.1.call-start
scs
__scs_entry_jumppad:
0x0: {  	(pc) =	sbr.rel $0x88, $3  }
0x1: {  	(tag) =	ssettag $0x0;
	lr =	simm.s32 $0x1  }
0x2: {  	[smem:$0x3F9D] =	sst lr;
	_ =	strace $0xD0000000  }
0x3: {  	_ = 	snop  }
0x4: {  	_ = 	snop  }
0x5: {  	_ = 	snop  }
0x6: {  	_ = 	snop  }
0x7: {  	_ = 	snop  }
__scs_overlays_trampoline_lowered:
0x8: {  	[smem:$0x3FAC] =	sst s0  }
0x9: {  	[smem:$0x3FAD] =	sst s1  }
0xa: {  	[smem:$0x3FAE] =	sst s2  }
0xb: {  	[smem:$0x3FAF] =	sst s3  }
0xc: {  	[smem:$0x3FB0] =	sst s4  }
0xd: {  	[smem:$0x3FB1] =	sst s5  }
0xe: {  	[smem:$0x3FB2] =	sst s6  }
0xf: {  	[smem:$0x3FB3] =	sst s7  }
0x10: {  	[smem:$0x3FB4] =	sst s8  }
0x11: {  	[smem:$0x3FB5] =	sst s9;
	s0 =	simm.s32 @!p0 $0x0  }
0x12: {  	s1 =	sld [smem:$0x3F9B];
	s0 =	simm.s32 @p0 $0x1  }
0x13: {  	[smem:$0x3FB6] =	sst s0;
	s0 =	simm.s32 @!p1 $0x0  }
0x14: {  	s2 =	sld [smem:$0x3F9A];
	s0 =	simm.s32 @p1 $0x1  }
0x15: {  	[smem:$0x3FB7] =	sst s0;
	s0 =	simm.s32 @!p2 $0x0  }
0x16: {  	s3 =	sld [smem:$0x3FDB];
	s0 =	simm.s32 @p2 $0x1  }
0x17: {  	s4 =	simm.s32 $0x1BF5;
	[smem:$0x3FB9] =	sst s0  }
0x18: {  	s0 =	sld [smem:$0x3F9C];
	_ =	swait.ge [sflag:s4], $0x0  }
0x19: {  	s7 =	sld [smem:$0x3F9D]  }
0x1a: {  	s8 =	sadd.s32 $0xFFFFE003, lr  }
0x1b: {  	s9 =	sadd.s32 $0xFFFFFEF7, lr;
	s5 =	simm.s32 $0xFFFFFFFF;
	p2 =	slt.u32 s8, $0xFFFFF086  }
0x1c: {  	p1 =	slt.u32 s9, $0xF7A;
	s5 =	simm.s32 @!p2 $0x0  }
0x1d: {  	s5 =	simm.s32 @p1 $0x1;
	p0 =	seq.s32 s7, s2  }
0x1e: {  	s7 =	smul.u32 @!p0 $0xF7A, s2;
	p2 =	seq.s32 @!p0 s5, $0x0  }
0x1f: {  	s9 =	smul.u32 $0xF7A, s1;
	s8 =	simm.s32 @!p0 $0x1BF5;
	p2 =	por !p2, p0  }
0x20: {  	[sflag:s8] =	ssyncset.s32 @!p0 $0xFFFFF086;
	s6 =	sadd.s32 @!p0 s3, s7;
	s7 =	simm.s32 @!p0 $0x108  }
0x21: {  	s3 =	sadd.s32 s3, s9;
	s6 =	sadd.s32 @!p0 $0x88, s6;
	s7 =	simm.s32 @p2 $0x1082  }
0x22: {  	[simem:s7], [sflag:s8] =	dma.local @!p0 [hbm:s6], $0xF7A  }
0x23: {  	s9 =	sor.u32 $0xD0000000, s2;
	s6 =	simm.s32 $0x108;
	_ =	swait.ge @!p0 [sflag:s8], $0x0  }
0x24: {  	s3 =	sadd.s32 $0x88, s3;
	s6 =	simm.s32 @!p1 $0x1082;
	[sflag:s4] =	ssyncset.s32 $0xFFFFF086  }
0x25: {  	[simem:s6], [sflag:s4] =	dma.local [hbm:s3], $0xF7A  }
0x26: {  	[smem:$0x3F9D] =	sst s1;
	(tag) =	ssettag s2;
	_ =	strace s9  }
0x27: {  	s1 =	sld [smem:$0x3FAD]  }
0x28: {  	s2 =	sld [smem:$0x3FAE]  }
0x29: {  	s4 =	sld [smem:$0x3FB0]  }
0x2a: {  	p0 =	seq.s32 s5, $0x0;
	s5 =	sld [smem:$0x3FB1]  }
0x2b: {  	s6 =	sld [smem:$0x3FB2]  }
0x2c: {  	s7 =	sld [smem:$0x3FB3]  }
0x2d: {  	s3 =	simm.s32 $0x108;
	s8 =	sld [smem:$0x3FB4]  }
0x2e: {  	s3 =	simm.s32 @!p0 $0x1082;
	s9 =	sld [smem:$0x3FB5]  }
0x2f: {  	lr =	sadd.s32 s0, s3;
	s0 =	sld [smem:$0x3FAC]  }
0x30: {  	s3 =	sld [smem:$0x3FAF]  }
0x31: {  	[smem:$0x3FB8] =	sst s10  }
0x32: {  	s10 =	sld [smem:$0x3FB6];
	_ =	sdelay $0x3  }
0x33: {  	p0 =	seq.s32 s10, $0x1;
	s10 =	sld [smem:$0x3FB8];
	_ =	sdelay $0x3  }
0x34: {  	[smem:$0x3FB8] =	sst s10  }
0x35: {  	s10 =	sld [smem:$0x3FB7];
	_ =	sdelay $0x3  }
0x36: {  	p1 =	seq.s32 s10, $0x1;
	s10 =	sld [smem:$0x3FB8];
	_ =	sdelay $0x3  }
0x37: {  	[smem:$0x3FB8] =	sst s10  }
0x38: {  	s10 =	sld [smem:$0x3FB9]  }
0x39: {  	_ = 	snop;
	(pc) =	sbr.ind lr, $3  }
0x3a: {  	_ = 	snop  }
0x3b: {  	_ = 	snop  }
0x3c: {  	p2 =	seq.s32 s10, $0x1;
	s10 =	sld [smem:$0x3FB8]  }
0x3d: {  	_ =	shalt  }
0x3e: {  	_ =	shalt  }
0x3f: {  	_ =	shalt  }
0x40: {  	_ =	shalt  }
0x41: {  	_ =	shalt  }
0x42: {  	_ =	shalt  }
0x43: {  	_ =	shalt  }
0x44: {  	_ =	shalt  }
0x45: {  	_ =	shalt  }
0x46: {  	_ =	shalt  }
0x47: {  	_ =	shalt  }
0x48: {  	_ =	shalt  }
0x49: {  	_ =	shalt  }
0x4a: {  	_ =	shalt  }
0x4b: {  	_ =	shalt  }
0x4c: {  	_ =	shalt  }
0x4d: {  	_ =	shalt  }
0x4e: {  	_ =	shalt  }
0x4f: {  	_ =	shalt  }
0x50: {  	_ =	shalt  }
0x51: {  	_ =	shalt  }
0x52: {  	_ =	shalt  }
0x53: {  	_ =	shalt  }
0x54: {  	_ =	shalt  }
0x55: {  	_ =	shalt  }
0x56: {  	_ =	shalt  }
0x57: {  	_ =	shalt  }
0x58: {  	_ =	shalt  }
0x59: {  	_ =	shalt  }
0x5a: {  	_ =	shalt  }
0x5b: {  	_ =	shalt  }
0x5c: {  	_ =	shalt  }
0x5d: {  	_ =	shalt  }
0x5e: {  	_ =	shalt  }
0x5f: {  	_ =	shalt  }
0x60: {  	_ =	shalt  }
0x61: {  	_ =	shalt  }
0x62: {  	_ =	shalt  }
0x63: {  	_ =	shalt  }
0x64: {  	_ =	shalt  }
0x65: {  	_ =	shalt  }
0x66: {  	_ =	shalt  }
0x67: {  	_ =	shalt  }
0x68: {  	_ =	shalt  }
0x69: {  	_ =	shalt  }
0x6a: {  	_ =	shalt  }
0x6b: {  	_ =	shalt  }
0x6c: {  	_ =	shalt  }
0x6d: {  	_ =	shalt  }
0x6e: {  	_ =	shalt  }
0x6f: {  	_ =	shalt  }
0x70: {  	_ =	shalt  }
0x71: {  	_ =	shalt  }
0x72: {  	_ =	shalt  }
0x73: {  	_ =	shalt  }
0x74: {  	_ =	shalt  }
0x75: {  	_ =	shalt  }
0x76: {  	_ =	shalt  }
0x77: {  	_ =	shalt  }
0x78: {  	_ =	shalt  }
0x79: {  	_ =	shalt  }
0x7a: {  	_ =	shalt  }
0x7b: {  	_ =	shalt  }
0x7c: {  	_ =	shalt  }
0x7d: {  	_ =	shalt  }
0x7e: {  	_ =	shalt  }
0x7f: {  	_ =	shalt  }
0x80: {  	_ =	shalt  }
0x81: {  	_ =	shalt  }
0x82: {  	_ =	shalt  }
0x83: {  	_ =	shalt  }
0x84: {  	_ =	shalt  }
0x85: {  	_ =	shalt  }
0x86: {  	_ =	shalt  }
0x87: {  	_ =	shalt  }
.Lfunc_end0:
.L_simem_size_0:
called_computation.1_lowered:
.L_overlay_start_0:
0x88: {  	s2 =	sld [smem:$0x3FD9]  }
0x89: {  	s3 =	sld [smem:$0x3FFE];
	_ =	sdelay $0x1  }
0x8a: {  	s1 =	srdreg.scid  }
0x8b: {  	s0 =	sand.u32 $0x1, s1  }
0x8c: {  	s17 =	sshll.u32 s0, $0xA;
	s2 =	sadd.s32 s3, s2  }
0x8d: {  	s2 =	sadd.s32 s2, s17  }
0x8e: {  	[smem:$0x3FC4] =	sst s2  }
0x8f: {  	_ = 	snop  }
0x90: {  	s2 =	sld [smem:$0x3FC7];
	(tm) =	ssettm $0x1  }
0x91: {  	s18 =	sld [smem:$0x3FFB];
	_ =	sdelay $0x3  }
0x92: {  	_ =	strace s18  }
0x93: {  	s3 =	sld [smem:$0x3FFC];
	_ =	sdelay $0x3  }
0x94: {  	_ =	strace s3  }
0x95: {  	s3 =	sld [smem:$0x3FFD];
	_ =	sdelay $0x3  }
0x96: {  	_ =	strace s3  }
0x97: {  	_ =	strace $0x8FFFFFFF  }
0x98: {  	s19 =	sld [smem:$0x3FDB];
	_ =	sdelay $0x1  }
0x99: {  	s4 =	simm.s32 $_scs_section_size  }
0x9a: {  	s5 =	simm.s32 $_size__tile_overlayer_lowered;
	s6 =	simm.s32 $_tile_overlayer_lowered  }
0x9b: {  	s22 =	simm.s32 $0x1BFF;
	s21 =	sshll.u32 s6, $0x1;
	s3 =	sadd.s32 s4, s19  }
0x9c: {  	s7 =	simm.s32 $0x0;
	s20 =	sshll.u32 s5, $0x1;
	s5 =	sadd.s32 s21, s3  }
0x9d: {  	[timem:s7], [sflag:s22] =	dma.local [hbm:s5], s20  }
0x9e: {  	_ =	swait.ge [sflag:s22], s20  }
0x9f: {  	s4 =	ssub.s32 $0x0, s20;
	[sflag:s22] =	ssyncset.done $0x0  }
0xa0: {  	[sflag:s22] =	ssyncadd.s32 s4;
	_ =	sdelay $0x1  }
0xa1: {  	s23 =	simm.s32 $0x1B8B  }
0xa2: {  	_ =	swait.ge [sflag:s23], $0x1  }
0xa3: {  	[sflag:s23] =	ssyncset.done $0x0  }
0xa4: {  	s25 =	simm.s32 $0x1B8E;
	s24 =	sld [smem:$0x3FFE];
	[sflag:s23] =	ssyncadd.s32 $0xFFFFFFFF  }
0xa5: {  	s26 =	simm.s32 $execute0_lowered;
	[smem:$0x3FD2] =	sst s25  }
0xa6: {  	s5 =	sshll.u32 s26, $0x1;
	_ =	strace $0x80000049;
	[dreg:$0x1] =	wrdreg $0xFFFFFFFF  }
0xa7: {  	s28 =	simm.s32 $_size_execute0_lowered;
	s3 =	sadd.s32 s3, s5;
	[dreg:$0x0] =	wrdreg $0x0  }
0xa8: {  	s5 =	sshll.u32 s28, $0x1;
	[dreg:$0x2] =	wrdreg s3  }
0xa9: {  	[dreg:$0x3] =	wrdreg s5  }
0xaa: {  	[dreg:$0x4] =	wrdreg $0xC0  }
0xab: {  	_ =	task [dreg:s7], $0x5FFFF  }
0xac: {  	[dreg:$0x1] =	wrdreg $0xFFFFFFFF  }
0xad: {  	[dreg:$0x0] =	wrdreg $0x60  }
0xae: {  	[dreg:$0x2] =	wrdreg s2  }
0xaf: {  	[dreg:$0x3] =	wrdreg s24  }
0xb0: {  	[dreg:$0x4] =	wrdreg $0x9  }
0xb1: {  	_ =	task.clear_ibuf [dreg:s7], $0x5FFFF;
	_ =	strace $0x90000049  }
0xb2: {  	s29 =	simm.s32 $0x9;
	_ =	strace $0x8000004B  }
0xb3: {  	_ =	swait.ge [sflag:s29], $0x1  }
0xb4: {  	[sflag:s29] =	ssyncadd.s32 $0xFFFFFFFF  }
0xb5: {  	_ =	strace $0x9000004B  }
0xb6: {  	_ =	sfence  }
0xb7: {  	s30 =	sld [smem:$0x0];
	_ =	sdelay $0x2  }
0xb8: {  	s31 =	sshll.u32 s1, $0xD;
	s1 =	sshrl.u32 s1, $0x2  }
0xb9: {  	s3 =	sand.u32 $0x4000, s31;
	s1 =	sadd.s32 s1, s30  }
0xba: {  	s0 =	sor.u32 s3, s0;
	s1 =	sshll.u32 s1, $0x11  }
0xbb: {  	s0 =	sor.u32 s1, s0  }
0xbc: {  	s0 =	sadd.s32 $0x8F2B, s0  }
0xbd: {  	[sflag:s0] =	ssyncadd.remote.s32 $0x1  }
0xbe: {  	_ =	sfence.sel $0xFFFF  }
0xbf: {  	[dreg:$0x0] =	wrdreg $0xFFFFFFFF;
	(pc) =	sbr.abs _section_cstart, $3  }
0xc0: {  	[dreg:$0x1] =	wrdreg $0xFFFFFFFF  }
0xc1: {  	_ =	task.clear_ibuf [dreg:s7], $0x2FFFF;
	_ =	strace $0x9FFFFFFF  }
0xc2: {  	(tm) =	ssettm $0x7FFFFFFF  }
0xc3: {  	_ =	shalt  }
tec
execute0_lowered:
.L_overlay_start_1:
0x0: {  	(tag) =	ssettag $0x1  }
0x1: {  	s0 =	srdreg.scid  }
0x2: {  	s1 =	stileid.u32;
	s0 =	sand.u32 $0x1, s0  }
0x3: {  	s1 =	sshll.u32 s1, $0x9;
	s3 =	sshll.u32 s0, $0x8  }
0x4: {  	s2 =	rddreg [dreg:$0x0];
	s1 =	sor.u32 s3, s1  }
0x5: {  	s4 =	rddreg [dreg:$0x1];
	s5 =	sshrl.u32 s1, $0x3  }
0x6: {  	s3 =	simm.s32 $0x0;
	s1 =	sshll.u32 s1, $0x7;
	s5 =	sadd.s32 s5, s4  }
0x7: {  	[smem:$0x7FF] =	sst s3;
	s1 =	sadd.s32 s1, s4;
	s24 =	sadd.s32 $0x600, s5  }
0x8: {  	_ =	strace $0x8000004A;
	s25 =	sadd.s32 $0x200600, s1;
	[dreg:$0x3] =	wrdreg s24  }
0x9: {  	s18 =	simm.s32 $0x2;
	s26 =	sadd.s32 $0x201600, s1;
	[dreg:$0x4] =	wrdreg s25  }
0xa: {  	s19 =	simm.s32 $0x3;
	s28 =	sadd.s32 $0x202600, s1;
	[dreg:$0x5] =	wrdreg s26  }
0xb: {  	s20 =	simm.s32 $0x4;
	s30 =	sadd.s32 $0x203600, s1;
	[dreg:$0x6] =	wrdreg s28  }
0xc: {  	s0 =	ssub.s32 $0x2, s0;
	s31 =	sadd.s32 $0x204600, s1;
	[dreg:$0x7] =	wrdreg s30  }
0xd: {  	s29 =	sshrl.u32 s0, $0x1;
	s6 =	sadd.s32 $0x205600, s1;
	[dreg:$0x8] =	wrdreg s31  }
0xe: {  	s0 =	ssub.s32 s0, s29;
	s7 =	sadd.s32 $0x206600, s1;
	[dreg:$0x9] =	wrdreg s6  }
0xf: {  	v2 =	vlaneseq.u32;
	s4 =	sadd.s32 $0x100, s2;
	s1 =	sadd.s32 $0x207600, s1;
	[dreg:$0xa] =	wrdreg s7  }
0x10: {  	vm0 =	vmmov $0xffff;
	v1 =	vshrl.u32 v2, $0x3;
	s5 =	sadd.s32 $0x200, s2;
	s6 =	sadd.s32 $0x300, s2;
	[dreg:$0xb] =	wrdreg s1  }
0x11: {  	v0 =	vand.u32 $0x7, v2;
	v2 =	vor.u32 $0x8, v2;
	v1 =	vmul.u32 $0x8, v1;
	s7 =	smax.u32 s0, $0x1;
	s25 =	simm.s32 $0x1;
	s1 =	simm.s32 $0x8100  }
.LBB2_1:
0x12: {  	s21 =	rddreg [dreg:$0x3];
	s8 =	simm.s32 $0x5  }
0x13: {  	[tilespmem:s3], [sflag:$0x5] =	stream.linear.gather [hbm4b:s21+s3], $0x100, $0x38;
	[tilespmem:$0x10100] =	vst v63  }
0x14: {  	_ =	swait.ge [sflag:s8], $0x100  }
0x15: {  	[sflag:s8] =	ssyncset.done $0x0  }
0x16: {  	[sflag:s8] =	ssyncadd.s32 $0xFFFFFF00  }
0x17: {  	v3 =	vld [tilespmem:$0x0];
	_ =	sdelay $0x4  }
0x18: {  	v4 =	vshll.u32 v3, $0x3  }
0x19: {  	v3 =	vand.u32 $0x7, v3;
	v4 =	vand.u32 $0xFFFFFFC0, v4  }
0x1a: {  	v3 =	vor.u32 v3, v4  }
0x1b: {  	v4 =	vperm.xlane v3, v0;
	_ =	sdelay $0x1  }
0x1c: {  	v4 =	vadd.s32 v1, v4;
	_ =	sdelay $0x3  }
0x1d: {  	s0 =	simm.s32 $0x100  }
0x1e: {  	[tilespmem:s0], [sflag:$0x1] =	stream.indirect_vreg.gather [hbm4b:s2+s3], $0x80, v4, vm0, $0xb8;
	[tilespmem:$0x10100] =	vst v63  }
0x1f: {  	s9 =	simm.s32 $0x900;
	v3 =	vperm.xlane v3, v2  }
0x20: {  	[tilespmem:s9], [sflag:$0x1] =	stream.indirect_vreg.gather [hbm4b:s4+s3], $0x80, v4, vm0, $0xb8;
	[tilespmem:$0x10100] =	vst v63  }
0x21: {  	s10 =	simm.s32 $0x1100;
	v3 =	vadd.s32 v1, v3  }
0x22: {  	[tilespmem:s10], [sflag:$0x1] =	stream.indirect_vreg.gather [hbm4b:s5+s3], $0x80, v4, vm0, $0xb8;
	[tilespmem:$0x10100] =	vst v63  }
0x23: {  	s11 =	simm.s32 $0x1900  }
0x24: {  	[tilespmem:s11], [sflag:$0x1] =	stream.indirect_vreg.gather [hbm4b:s6+s3], $0x80, v4, vm0, $0xb8;
	[tilespmem:$0x10100] =	vst v63  }
0x25: {  	s12 =	simm.s32 $0x2100  }
0x26: {  	[tilespmem:s12], [sflag:$0x1] =	stream.indirect_vreg.gather [hbm4b:s2+s3], $0x80, v3, vm0, $0xb8;
	[tilespmem:$0x10100] =	vst v63  }
0x27: {  	s13 =	simm.s32 $0x2900  }
0x28: {  	[tilespmem:s13], [sflag:$0x1] =	stream.indirect_vreg.gather [hbm4b:s4+s3], $0x80, v3, vm0, $0xb8;
	[tilespmem:$0x10100] =	vst v63  }
0x29: {  	s15 =	simm.s32 $0x3100  }
0x2a: {  	[tilespmem:s15], [sflag:$0x1] =	stream.indirect_vreg.gather [hbm4b:s5+s3], $0x80, v3, vm0, $0xb8;
	[tilespmem:$0x10100] =	vst v63  }
0x2b: {  	s16 =	simm.s32 $0x3900  }
0x2c: {  	[tilespmem:s16], [sflag:$0x1] =	stream.indirect_vreg.gather [hbm4b:s6+s3], $0x80, v3, vm0, $0xb8;
	[tilespmem:$0x10100] =	vst v63  }
0x2d: {  	v3 =	vld [tilespmem:$0x10];
	_ =	sdelay $0x4  }
0x2e: {  	v49 =	vshll.u32 v3, $0x3  }
0x2f: {  	v3 =	vand.u32 $0x7, v3;
	v4 =	vand.u32 $0xFFFFFFC0, v49  }
0x30: {  	v3 =	vor.u32 v3, v4  }
0x31: {  	v4 =	vperm.xlane v3, v0;
	_ =	sdelay $0x1  }
0x32: {  	v4 =	vadd.s32 v1, v4;
	_ =	sdelay $0x3  }
0x33: {  	s17 =	simm.s32 $0x4100  }
0x34: {  	[tilespmem:s17], [sflag:$0x1] =	stream.indirect_vreg.gather [hbm4b:s2+s3], $0x80, v4, vm0, $0xb8;
	[tilespmem:$0x10100] =	vst v63  }
0x35: {  	s21 =	simm.s32 $0x4900;
	v3 =	vperm.xlane v3, v2  }
0x36: {  	[tilespmem:s21], [sflag:$0x1] =	stream.indirect_vreg.gather [hbm4b:s4+s3], $0x80, v4, vm0, $0xb8;
	[tilespmem:$0x10100] =	vst v63  }
0x37: {  	s23 =	simm.s32 $0x5100;
	v3 =	vadd.s32 v1, v3  }
0x38: {  	[tilespmem:s23], [sflag:$0x1] =	stream.indirect_vreg.gather [hbm4b:s5+s3], $0x80, v4, vm0, $0xb8;
	[tilespmem:$0x10100] =	vst v63  }
0x39: {  	s24 =	simm.s32 $0x5900  }
0x3a: {  	[tilespmem:s24], [sflag:$0x1] =	stream.indirect_vreg.gather [hbm4b:s6+s3], $0x80, v4, vm0, $0xb8;
	[tilespmem:$0x10100] =	vst v63  }
0x3b: {  	s26 =	simm.s32 $0x6100  }
0x3c: {  	[tilespmem:s26], [sflag:$0x1] =	stream.indirect_vreg.gather [hbm4b:s2+s3], $0x80, v3, vm0, $0xb8;
	[tilespmem:$0x10100] =	vst v63  }
0x3d: {  	s28 =	simm.s32 $0x6900  }
0x3e: {  	[tilespmem:s28], [sflag:$0x1] =	stream.indirect_vreg.gather [hbm4b:s4+s3], $0x80, v3, vm0, $0xb8;
	[tilespmem:$0x10100] =	vst v63  }
0x3f: {  	s29 =	simm.s32 $0x7100  }
0x40: {  	[tilespmem:s29], [sflag:$0x1] =	stream.indirect_vreg.gather [hbm4b:s5+s3], $0x80, v3, vm0, $0xb8;
	[tilespmem:$0x10100] =	vst v63  }
0x41: {  	s30 =	simm.s32 $0x7900  }
0x42: {  	[tilespmem:s30], [sflag:$0x1] =	stream.indirect_vreg.gather [hbm4b:s6+s3], $0x80, v3, vm0, $0xb8;
	[tilespmem:$0x10100] =	vst v63  }
0x43: {  	_ =	swait.ge [sflag:s25], $0x8000  }
0x44: {  	[sflag:s25] =	ssyncset.done $0x0  }
0x45: {  	[sflag:s25] =	ssyncadd.s32 $0xFFFF8000  }
0x46: {  	v3 =	vld [tilespmem:$0x20];
	_ =	sdelay $0x4  }
0x47: {  	v50 =	vshll.u32 v3, $0x3  }
0x48: {  	v3 =	vand.u32 $0x7, v3;
	v4 =	vand.u32 $0xFFFFFFC0, v50  }
0x49: {  	v3 =	vor.u32 v3, v4  }
0x4a: {  	v4 =	vperm.xlane v3, v0;
	_ =	sdelay $0x1  }
0x4b: {  	v4 =	vadd.s32 v1, v4;
	_ =	sdelay $0x4  }
0x4c: {  	[tilespmem:s1], [sflag:$0x2] =	stream.indirect_vreg.gather [hbm4b:s2+s3], $0x80, v4, vm0, $0xb8;
	[tilespmem:$0x10100] =	vst v63  }
0x4d: {  	s15 =	simm.s32 $0x8900;
	v3 =	vperm.xlane v3, v2  }
0x4e: {  	[tilespmem:s15], [sflag:$0x2] =	stream.indirect_vreg.gather [hbm4b:s4+s3], $0x80, v4, vm0, $0xb8;
	[tilespmem:$0x10100] =	vst v63  }
0x4f: {  	s31 =	simm.s32 $0x9100;
	v3 =	vadd.s32 v1, v3  }
0x50: {  	[tilespmem:s31], [sflag:$0x2] =	stream.indirect_vreg.gather [hbm4b:s5+s3], $0x80, v4, vm0, $0xb8;
	[tilespmem:$0x10100] =	vst v63  }
0x51: {  	s8 =	simm.s32 $0x9900  }
0x52: {  	[tilespmem:s8], [sflag:$0x2] =	stream.indirect_vreg.gather [hbm4b:s6+s3], $0x80, v4, vm0, $0xb8;
	[tilespmem:$0x10100] =	vst v63  }
0x53: {  	s9 =	simm.s32 $0xA100  }
0x54: {  	[tilespmem:s9], [sflag:$0x2] =	stream.indirect_vreg.gather [hbm4b:s2+s3], $0x80, v3, vm0, $0xb8;
	[tilespmem:$0x10100] =	vst v63  }
0x55: {  	s10 =	simm.s32 $0xA900  }
0x56: {  	[tilespmem:s10], [sflag:$0x2] =	stream.indirect_vreg.gather [hbm4b:s4+s3], $0x80, v3, vm0, $0xb8;
	[tilespmem:$0x10100] =	vst v63  }
0x57: {  	s15 =	simm.s32 $0xB100  }
0x58: {  	[tilespmem:s15], [sflag:$0x2] =	stream.indirect_vreg.gather [hbm4b:s5+s3], $0x80, v3, vm0, $0xb8;
	[tilespmem:$0x10100] =	vst v63  }
0x59: {  	s23 =	simm.s32 $0xB900  }
0x5a: {  	[tilespmem:s23], [sflag:$0x2] =	stream.indirect_vreg.gather [hbm4b:s6+s3], $0x80, v3, vm0, $0xb8;
	[tilespmem:$0x10100] =	vst v63  }
0x5b: {  	v3 =	vld [tilespmem:$0x30];
	_ =	sdelay $0x4  }
0x5c: {  	v51 =	vshll.u32 v3, $0x3  }
0x5d: {  	v3 =	vand.u32 $0x7, v3;
	v4 =	vand.u32 $0xFFFFFFC0, v51  }
0x5e: {  	v3 =	vor.u32 v3, v4  }
0x5f: {  	v4 =	vperm.xlane v3, v0;
	_ =	sdelay $0x1  }
0x60: {  	v4 =	vadd.s32 v1, v4;
	_ =	sdelay $0x3  }
0x61: {  	s24 =	simm.s32 $0xC100  }
0x62: {  	[tilespmem:s24], [sflag:$0x2] =	stream.indirect_vreg.gather [hbm4b:s2+s3], $0x80, v4, vm0, $0xb8;
	[tilespmem:$0x10100] =	vst v63  }
0x63: {  	s28 =	simm.s32 $0xC900;
	v3 =	vperm.xlane v3, v2  }
0x64: {  	[tilespmem:s28], [sflag:$0x2] =	stream.indirect_vreg.gather [hbm4b:s4+s3], $0x80, v4, vm0, $0xb8;
	[tilespmem:$0x10100] =	vst v63  }
0x65: {  	s29 =	simm.s32 $0xD100;
	v3 =	vadd.s32 v1, v3  }
0x66: {  	[tilespmem:s29], [sflag:$0x2] =	stream.indirect_vreg.gather [hbm4b:s5+s3], $0x80, v4, vm0, $0xb8;
	[tilespmem:$0x10100] =	vst v63  }
0x67: {  	s30 =	simm.s32 $0xD900  }
0x68: {  	[tilespmem:s30], [sflag:$0x2] =	stream.indirect_vreg.gather [hbm4b:s6+s3], $0x80, v4, vm0, $0xb8;
	[tilespmem:$0x10100] =	vst v63  }
0x69: {  	s31 =	simm.s32 $0xE100  }
0x6a: {  	[tilespmem:s31], [sflag:$0x2] =	stream.indirect_vreg.gather [hbm4b:s2+s3], $0x80, v3, vm0, $0xb8;
	[tilespmem:$0x10100] =	vst v63  }
0x6b: {  	s15 =	simm.s32 $0xE900  }
0x6c: {  	[tilespmem:s15], [sflag:$0x2] =	stream.indirect_vreg.gather [hbm4b:s4+s3], $0x80, v3, vm0, $0xb8;
	[tilespmem:$0x10100] =	vst v63  }
0x6d: {  	s23 =	simm.s32 $0xF100  }
0x6e: {  	[tilespmem:s23], [sflag:$0x2] =	stream.indirect_vreg.gather [hbm4b:s5+s3], $0x80, v3, vm0, $0xb8;
	[tilespmem:$0x10100] =	vst v63  }
0x6f: {  	s28 =	simm.s32 $0xF900  }
0x70: {  	[tilespmem:s28], [sflag:$0x2] =	stream.indirect_vreg.gather [hbm4b:s6+s3], $0x80, v3, vm0, $0xb8;
	[tilespmem:$0x10100] =	vst v63  }
0x71: {  	s22 =	simm.s32 $0x100;
	s24 =	rddreg [dreg:$0x4]  }
0x72: {  	[hbm4b:s24+s3] =	stream.linear.scatter [tilespmem:s22], [sflag:$0x3], $0x8000, $0x38;
	[tilespmem:$0x10100] =	vst v63  }
0x73: {  	_ =	swait.ge [sflag:s18], $0x8000  }
0x74: {  	[sflag:s18] =	ssyncset.done $0x0  }
0x75: {  	[sflag:s18] =	ssyncadd.s32 $0xFFFF8000  }
0x76: {  	_ =	swait.ge [sflag:s19], $0x8000  }
0x77: {  	[sflag:s19] =	ssyncset.done $0x0  }
0x78: {  	[sflag:s19] =	ssyncadd.s32 $0xFFFF8000  }
0x79: {  	v3 =	vld [tilespmem:$0x40];
	_ =	sdelay $0x4  }
0x7a: {  	v52 =	vshll.u32 v3, $0x3  }
0x7b: {  	v3 =	vand.u32 $0x7, v3;
	v4 =	vand.u32 $0xFFFFFFC0, v52  }
0x7c: {  	v3 =	vor.u32 v3, v4  }
0x7d: {  	v4 =	vperm.xlane v3, v0;
	_ =	sdelay $0x1  }
0x7e: {  	v4 =	vadd.s32 v1, v4;
	_ =	sdelay $0x4  }
0x7f: {  	[tilespmem:s22], [sflag:$0x1] =	stream.indirect_vreg.gather [hbm4b:s2+s3], $0x80, v4, vm0, $0xb8;
	[tilespmem:$0x10100] =	vst v63  }
0x80: {  	v3 =	vperm.xlane v3, v2;
	s22 =	simm.s32 $0x900  }
0x81: {  	[tilespmem:s22], [sflag:$0x1] =	stream.indirect_vreg.gather [hbm4b:s4+s3], $0x80, v4, vm0, $0xb8;
	[tilespmem:$0x10100] =	vst v63  }
0x82: {  	s14 =	simm.s32 $0x1100;
	v3 =	vadd.s32 v1, v3  }
0x83: {  	[tilespmem:s14], [sflag:$0x1] =	stream.indirect_vreg.gather [hbm4b:s5+s3], $0x80, v4, vm0, $0xb8;
	[tilespmem:$0x10100] =	vst v63  }
0x84: {  	s24 =	simm.s32 $0x1900  }
0x85: {  	[tilespmem:s24], [sflag:$0x1] =	stream.indirect_vreg.gather [hbm4b:s6+s3], $0x80, v4, vm0, $0xb8;
	[tilespmem:$0x10100] =	vst v63  }
0x86: {  	s23 =	simm.s32 $0x2100  }
0x87: {  	[tilespmem:s23], [sflag:$0x1] =	stream.indirect_vreg.gather [hbm4b:s2+s3], $0x80, v3, vm0, $0xb8;
	[tilespmem:$0x10100] =	vst v63  }
0x88: {  	s28 =	simm.s32 $0x2900  }
0x89: {  	[tilespmem:s28], [sflag:$0x1] =	stream.indirect_vreg.gather [hbm4b:s4+s3], $0x80, v3, vm0, $0xb8;
	[tilespmem:$0x10100] =	vst v63  }
0x8a: {  	s30 =	simm.s32 $0x3100  }
0x8b: {  	[tilespmem:s30], [sflag:$0x1] =	stream.indirect_vreg.gather [hbm4b:s5+s3], $0x80, v3, vm0, $0xb8;
	[tilespmem:$0x10100] =	vst v63  }
0x8c: {  	s31 =	simm.s32 $0x3900  }
0x8d: {  	[tilespmem:s31], [sflag:$0x1] =	stream.indirect_vreg.gather [hbm4b:s6+s3], $0x80, v3, vm0, $0xb8;
	[tilespmem:$0x10100] =	vst v63  }
0x8e: {  	v3 =	vld [tilespmem:$0x50];
	_ =	sdelay $0x4  }
0x8f: {  	v53 =	vshll.u32 v3, $0x3  }
0x90: {  	v3 =	vand.u32 $0x7, v3;
	v4 =	vand.u32 $0xFFFFFFC0, v53  }
0x91: {  	v3 =	vor.u32 v3, v4  }
0x92: {  	v4 =	vperm.xlane v3, v0;
	_ =	sdelay $0x1  }
0x93: {  	v4 =	vadd.s32 v1, v4;
	_ =	sdelay $0x3  }
0x94: {  	s17 =	simm.s32 $0x4100  }
0x95: {  	[tilespmem:s17], [sflag:$0x1] =	stream.indirect_vreg.gather [hbm4b:s2+s3], $0x80, v4, vm0, $0xb8;
	[tilespmem:$0x10100] =	vst v63  }
0x96: {  	s16 =	simm.s32 $0x4900;
	v3 =	vperm.xlane v3, v2  }
0x97: {  	[tilespmem:s16], [sflag:$0x1] =	stream.indirect_vreg.gather [hbm4b:s4+s3], $0x80, v4, vm0, $0xb8;
	[tilespmem:$0x10100] =	vst v63  }
0x98: {  	s13 =	simm.s32 $0x5100;
	v3 =	vadd.s32 v1, v3  }
0x99: {  	[tilespmem:s13], [sflag:$0x1] =	stream.indirect_vreg.gather [hbm4b:s5+s3], $0x80, v4, vm0, $0xb8;
	[tilespmem:$0x10100] =	vst v63  }
0x9a: {  	s13 =	simm.s32 $0x5900  }
0x9b: {  	[tilespmem:s13], [sflag:$0x1] =	stream.indirect_vreg.gather [hbm4b:s6+s3], $0x80, v4, vm0, $0xb8;
	[tilespmem:$0x10100] =	vst v63  }
0x9c: {  	s14 =	simm.s32 $0x6100  }
0x9d: {  	[tilespmem:s14], [sflag:$0x1] =	stream.indirect_vreg.gather [hbm4b:s2+s3], $0x80, v3, vm0, $0xb8;
	[tilespmem:$0x10100] =	vst v63  }
0x9e: {  	s16 =	simm.s32 $0x6900  }
0x9f: {  	[tilespmem:s16], [sflag:$0x1] =	stream.indirect_vreg.gather [hbm4b:s4+s3], $0x80, v3, vm0, $0xb8;
	[tilespmem:$0x10100] =	vst v63  }
0xa0: {  	s17 =	simm.s32 $0x7100  }
0xa1: {  	[tilespmem:s17], [sflag:$0x1] =	stream.indirect_vreg.gather [hbm4b:s5+s3], $0x80, v3, vm0, $0xb8;
	[tilespmem:$0x10100] =	vst v63  }
0xa2: {  	s12 =	simm.s32 $0x7900  }
0xa3: {  	[tilespmem:s12], [sflag:$0x1] =	stream.indirect_vreg.gather [hbm4b:s6+s3], $0x80, v3, vm0, $0xb8;
	[tilespmem:$0x10100] =	vst v63  }
0xa4: {  	s29 =	rddreg [dreg:$0x5]  }
0xa5: {  	[hbm4b:s29+s3] =	stream.linear.scatter [tilespmem:s1], [sflag:$0x4], $0x8000, $0x38;
	[tilespmem:$0x10100] =	vst v63  }
0xa6: {  	_ =	swait.ge [sflag:s25], $0x8000  }
0xa7: {  	[sflag:s25] =	ssyncset.done $0x0  }
0xa8: {  	[sflag:s25] =	ssyncadd.s32 $0xFFFF8000  }
0xa9: {  	_ =	swait.ge [sflag:s20], $0x8000  }
0xaa: {  	[sflag:s20] =	ssyncset.done $0x0  }
0xab: {  	[sflag:s20] =	ssyncadd.s32 $0xFFFF8000  }
0xac: {  	v3 =	vld [tilespmem:$0x60];
	_ =	sdelay $0x4  }
0xad: {  	v54 =	vshll.u32 v3, $0x3  }
0xae: {  	v3 =	vand.u32 $0x7, v3;
	v4 =	vand.u32 $0xFFFFFFC0, v54  }
0xaf: {  	v3 =	vor.u32 v3, v4  }
0xb0: {  	v4 =	vperm.xlane v3, v0;
	_ =	sdelay $0x1  }
0xb1: {  	v4 =	vadd.s32 v1, v4;
	_ =	sdelay $0x4  }
0xb2: {  	[tilespmem:s1], [sflag:$0x2] =	stream.indirect_vreg.gather [hbm4b:s2+s3], $0x80, v4, vm0, $0xb8;
	[tilespmem:$0x10100] =	vst v63  }
0xb3: {  	s11 =	simm.s32 $0x8900;
	v3 =	vperm.xlane v3, v2  }
0xb4: {  	[tilespmem:s11], [sflag:$0x2] =	stream.indirect_vreg.gather [hbm4b:s4+s3], $0x80, v4, vm0, $0xb8;
	[tilespmem:$0x10100] =	vst v63  }
0xb5: {  	s26 =	simm.s32 $0x9100;
	v3 =	vadd.s32 v1, v3  }
0xb6: {  	[tilespmem:s26], [sflag:$0x2] =	stream.indirect_vreg.gather [hbm4b:s5+s3], $0x80, v4, vm0, $0xb8;
	[tilespmem:$0x10100] =	vst v63  }
0xb7: {  	s0 =	simm.s32 $0x9900  }
0xb8: {  	[tilespmem:s0], [sflag:$0x2] =	stream.indirect_vreg.gather [hbm4b:s6+s3], $0x80, v4, vm0, $0xb8;
	[tilespmem:$0x10100] =	vst v63  }
0xb9: {  	s15 =	simm.s32 $0xA100  }
0xba: {  	[tilespmem:s15], [sflag:$0x2] =	stream.indirect_vreg.gather [hbm4b:s2+s3], $0x80, v3, vm0, $0xb8;
	[tilespmem:$0x10100] =	vst v63  }
0xbb: {  	s0 =	simm.s32 $0xA900  }
0xbc: {  	[tilespmem:s0], [sflag:$0x2] =	stream.indirect_vreg.gather [hbm4b:s4+s3], $0x80, v3, vm0, $0xb8;
	[tilespmem:$0x10100] =	vst v63  }
0xbd: {  	s26 =	simm.s32 $0xB100  }
0xbe: {  	[tilespmem:s26], [sflag:$0x2] =	stream.indirect_vreg.gather [hbm4b:s5+s3], $0x80, v3, vm0, $0xb8;
	[tilespmem:$0x10100] =	vst v63  }
0xbf: {  	s8 =	simm.s32 $0xB900  }
0xc0: {  	[tilespmem:s8], [sflag:$0x2] =	stream.indirect_vreg.gather [hbm4b:s6+s3], $0x80, v3, vm0, $0xb8;
	[tilespmem:$0x10100] =	vst v63  }
0xc1: {  	v3 =	vld [tilespmem:$0x70];
	_ =	sdelay $0x4  }
0xc2: {  	v55 =	vshll.u32 v3, $0x3  }
0xc3: {  	v3 =	vand.u32 $0x7, v3;
	v4 =	vand.u32 $0xFFFFFFC0, v55  }
0xc4: {  	v3 =	vor.u32 v3, v4  }
0xc5: {  	v4 =	vperm.xlane v3, v0;
	_ =	sdelay $0x1  }
0xc6: {  	v4 =	vadd.s32 v1, v4;
	_ =	sdelay $0x3  }
0xc7: {  	s9 =	simm.s32 $0xC100  }
0xc8: {  	[tilespmem:s9], [sflag:$0x2] =	stream.indirect_vreg.gather [hbm4b:s2+s3], $0x80, v4, vm0, $0xb8;
	[tilespmem:$0x10100] =	vst v63  }
0xc9: {  	s10 =	simm.s32 $0xC900;
	v3 =	vperm.xlane v3, v2  }
0xca: {  	[tilespmem:s10], [sflag:$0x2] =	stream.indirect_vreg.gather [hbm4b:s4+s3], $0x80, v4, vm0, $0xb8;
	[tilespmem:$0x10100] =	vst v63  }
0xcb: {  	s8 =	simm.s32 $0xD100;
	v3 =	vadd.s32 v1, v3  }
0xcc: {  	[tilespmem:s8], [sflag:$0x2] =	stream.indirect_vreg.gather [hbm4b:s5+s3], $0x80, v4, vm0, $0xb8;
	[tilespmem:$0x10100] =	vst v63  }
0xcd: {  	s9 =	simm.s32 $0xD900  }
0xce: {  	[tilespmem:s9], [sflag:$0x2] =	stream.indirect_vreg.gather [hbm4b:s6+s3], $0x80, v4, vm0, $0xb8;
	[tilespmem:$0x10100] =	vst v63  }
0xcf: {  	s10 =	simm.s32 $0xE100  }
0xd0: {  	[tilespmem:s10], [sflag:$0x2] =	stream.indirect_vreg.gather [hbm4b:s2+s3], $0x80, v3, vm0, $0xb8;
	[tilespmem:$0x10100] =	vst v63  }
0xd1: {  	s11 =	simm.s32 $0xE900  }
0xd2: {  	[tilespmem:s11], [sflag:$0x2] =	stream.indirect_vreg.gather [hbm4b:s4+s3], $0x80, v3, vm0, $0xb8;
	[tilespmem:$0x10100] =	vst v63  }
0xd3: {  	s12 =	simm.s32 $0xF100  }
0xd4: {  	[tilespmem:s12], [sflag:$0x2] =	stream.indirect_vreg.gather [hbm4b:s5+s3], $0x80, v3, vm0, $0xb8;
	[tilespmem:$0x10100] =	vst v63  }
0xd5: {  	s29 =	simm.s32 $0xF900  }
0xd6: {  	[tilespmem:s29], [sflag:$0x2] =	stream.indirect_vreg.gather [hbm4b:s6+s3], $0x80, v3, vm0, $0xb8;
	[tilespmem:$0x10100] =	vst v63  }
0xd7: {  	s21 =	rddreg [dreg:$0x6];
	s29 =	simm.s32 $0x100  }
0xd8: {  	[hbm4b:s21+s3] =	stream.linear.scatter [tilespmem:s29], [sflag:$0x3], $0x8000, $0x38;
	[tilespmem:$0x10100] =	vst v63  }
0xd9: {  	_ =	swait.ge [sflag:s18], $0x8000  }
0xda: {  	[sflag:s18] =	ssyncset.done $0x0  }
0xdb: {  	[sflag:s18] =	ssyncadd.s32 $0xFFFF8000  }
0xdc: {  	_ =	swait.ge [sflag:s19], $0x8000  }
0xdd: {  	[sflag:s19] =	ssyncset.done $0x0  }
0xde: {  	[sflag:s19] =	ssyncadd.s32 $0xFFFF8000  }
0xdf: {  	v3 =	vld [tilespmem:$0x80];
	_ =	sdelay $0x4  }
0xe0: {  	v56 =	vshll.u32 v3, $0x3  }
0xe1: {  	v3 =	vand.u32 $0x7, v3;
	v4 =	vand.u32 $0xFFFFFFC0, v56  }
0xe2: {  	v3 =	vor.u32 v3, v4  }
0xe3: {  	v4 =	vperm.xlane v3, v0;
	_ =	sdelay $0x1  }
0xe4: {  	v4 =	vadd.s32 v1, v4;
	_ =	sdelay $0x4  }
0xe5: {  	[tilespmem:s29], [sflag:$0x1] =	stream.indirect_vreg.gather [hbm4b:s2+s3], $0x80, v4, vm0, $0xb8;
	[tilespmem:$0x10100] =	vst v63  }
0xe6: {  	v3 =	vperm.xlane v3, v2  }
0xe7: {  	[tilespmem:s22], [sflag:$0x1] =	stream.indirect_vreg.gather [hbm4b:s4+s3], $0x80, v4, vm0, $0xb8;
	[tilespmem:$0x10100] =	vst v63  }
0xe8: {  	s21 =	simm.s32 $0x1100;
	v3 =	vadd.s32 v1, v3  }
0xe9: {  	[tilespmem:s21], [sflag:$0x1] =	stream.indirect_vreg.gather [hbm4b:s5+s3], $0x80, v4, vm0, $0xb8;
	[tilespmem:$0x10100] =	vst v63  }
0xea: {  	_ = 	snop  }
0xeb: {  	[tilespmem:s24], [sflag:$0x1] =	stream.indirect_vreg.gather [hbm4b:s6+s3], $0x80, v4, vm0, $0xb8;
	[tilespmem:$0x10100] =	vst v63  }
0xec: {  	_ = 	snop  }
0xed: {  	[tilespmem:s23], [sflag:$0x1] =	stream.indirect_vreg.gather [hbm4b:s2+s3], $0x80, v3, vm0, $0xb8;
	[tilespmem:$0x10100] =	vst v63  }
0xee: {  	_ = 	snop  }
0xef: {  	[tilespmem:s28], [sflag:$0x1] =	stream.indirect_vreg.gather [hbm4b:s4+s3], $0x80, v3, vm0, $0xb8;
	[tilespmem:$0x10100] =	vst v63  }
0xf0: {  	_ = 	snop  }
0xf1: {  	[tilespmem:s30], [sflag:$0x1] =	stream.indirect_vreg.gather [hbm4b:s5+s3], $0x80, v3, vm0, $0xb8;
	[tilespmem:$0x10100] =	vst v63  }
0xf2: {  	_ = 	snop  }
0xf3: {  	[tilespmem:s31], [sflag:$0x1] =	stream.indirect_vreg.gather [hbm4b:s6+s3], $0x80, v3, vm0, $0xb8;
	[tilespmem:$0x10100] =	vst v63  }
0xf4: {  	v3 =	vld [tilespmem:$0x90];
	_ =	sdelay $0x4  }
0xf5: {  	v57 =	vshll.u32 v3, $0x3  }
0xf6: {  	v3 =	vand.u32 $0x7, v3;
	v4 =	vand.u32 $0xFFFFFFC0, v57  }
0xf7: {  	v3 =	vor.u32 v3, v4  }
0xf8: {  	v4 =	vperm.xlane v3, v0;
	_ =	sdelay $0x1  }
0xf9: {  	v4 =	vadd.s32 v1, v4;
	_ =	sdelay $0x3  }
0xfa: {  	s21 =	simm.s32 $0x4100  }
0xfb: {  	[tilespmem:s21], [sflag:$0x1] =	stream.indirect_vreg.gather [hbm4b:s2+s3], $0x80, v4, vm0, $0xb8;
	[tilespmem:$0x10100] =	vst v63  }
0xfc: {  	v3 =	vperm.xlane v3, v2;
	s21 =	simm.s32 $0x4900  }
0xfd: {  	[tilespmem:s21], [sflag:$0x1] =	stream.indirect_vreg.gather [hbm4b:s4+s3], $0x80, v4, vm0, $0xb8;
	[tilespmem:$0x10100] =	vst v63  }
0xfe: {  	v3 =	vadd.s32 v1, v3;
	s21 =	simm.s32 $0x5100  }
0xff: {  	[tilespmem:s21], [sflag:$0x1] =	stream.indirect_vreg.gather [hbm4b:s5+s3], $0x80, v4, vm0, $0xb8;
	[tilespmem:$0x10100] =	vst v63  }
0x100: {  	_ = 	snop  }
0x101: {  	[tilespmem:s13], [sflag:$0x1] =	stream.indirect_vreg.gather [hbm4b:s6+s3], $0x80, v4, vm0, $0xb8;
	[tilespmem:$0x10100] =	vst v63  }
0x102: {  	_ = 	snop  }
0x103: {  	[tilespmem:s14], [sflag:$0x1] =	stream.indirect_vreg.gather [hbm4b:s2+s3], $0x80, v3, vm0, $0xb8;
	[tilespmem:$0x10100] =	vst v63  }
0x104: {  	_ = 	snop  }
0x105: {  	[tilespmem:s16], [sflag:$0x1] =	stream.indirect_vreg.gather [hbm4b:s4+s3], $0x80, v3, vm0, $0xb8;
	[tilespmem:$0x10100] =	vst v63  }
0x106: {  	_ = 	snop  }
0x107: {  	[tilespmem:s17], [sflag:$0x1] =	stream.indirect_vreg.gather [hbm4b:s5+s3], $0x80, v3, vm0, $0xb8;
	[tilespmem:$0x10100] =	vst v63  }
0x108: {  	s13 =	simm.s32 $0x7900  }
0x109: {  	[tilespmem:s13], [sflag:$0x1] =	stream.indirect_vreg.gather [hbm4b:s6+s3], $0x80, v3, vm0, $0xb8;
	[tilespmem:$0x10100] =	vst v63  }
0x10a: {  	s21 =	rddreg [dreg:$0x7]  }
0x10b: {  	[hbm4b:s21+s3] =	stream.linear.scatter [tilespmem:s1], [sflag:$0x4], $0x8000, $0x38;
	[tilespmem:$0x10100] =	vst v63  }
0x10c: {  	_ =	swait.ge [sflag:s25], $0x8000  }
0x10d: {  	[sflag:s25] =	ssyncset.done $0x0  }
0x10e: {  	[sflag:s25] =	ssyncadd.s32 $0xFFFF8000  }
0x10f: {  	_ =	swait.ge [sflag:s20], $0x8000  }
0x110: {  	[sflag:s20] =	ssyncset.done $0x0  }
0x111: {  	[sflag:s20] =	ssyncadd.s32 $0xFFFF8000  }
0x112: {  	v3 =	vld [tilespmem:$0xA0];
	_ =	sdelay $0x4  }
0x113: {  	v58 =	vshll.u32 v3, $0x3  }
0x114: {  	v3 =	vand.u32 $0x7, v3;
	v4 =	vand.u32 $0xFFFFFFC0, v58  }
0x115: {  	v3 =	vor.u32 v3, v4  }
0x116: {  	v4 =	vperm.xlane v3, v0;
	_ =	sdelay $0x1  }
0x117: {  	v4 =	vadd.s32 v1, v4;
	_ =	sdelay $0x4  }
0x118: {  	[tilespmem:s1], [sflag:$0x2] =	stream.indirect_vreg.gather [hbm4b:s2+s3], $0x80, v4, vm0, $0xb8;
	[tilespmem:$0x10100] =	vst v63  }
0x119: {  	s13 =	simm.s32 $0x8900;
	v3 =	vperm.xlane v3, v2  }
0x11a: {  	[tilespmem:s13], [sflag:$0x2] =	stream.indirect_vreg.gather [hbm4b:s4+s3], $0x80, v4, vm0, $0xb8;
	[tilespmem:$0x10100] =	vst v63  }
0x11b: {  	v3 =	vadd.s32 v1, v3;
	s13 =	simm.s32 $0x9100  }
0x11c: {  	[tilespmem:s13], [sflag:$0x2] =	stream.indirect_vreg.gather [hbm4b:s5+s3], $0x80, v4, vm0, $0xb8;
	[tilespmem:$0x10100] =	vst v63  }
0x11d: {  	s21 =	simm.s32 $0x9900  }
0x11e: {  	[tilespmem:s21], [sflag:$0x2] =	stream.indirect_vreg.gather [hbm4b:s6+s3], $0x80, v4, vm0, $0xb8;
	[tilespmem:$0x10100] =	vst v63  }
0x11f: {  	_ = 	snop  }
0x120: {  	[tilespmem:s15], [sflag:$0x2] =	stream.indirect_vreg.gather [hbm4b:s2+s3], $0x80, v3, vm0, $0xb8;
	[tilespmem:$0x10100] =	vst v63  }
0x121: {  	_ = 	snop  }
0x122: {  	[tilespmem:s0], [sflag:$0x2] =	stream.indirect_vreg.gather [hbm4b:s4+s3], $0x80, v3, vm0, $0xb8;
	[tilespmem:$0x10100] =	vst v63  }
0x123: {  	_ = 	snop  }
0x124: {  	[tilespmem:s26], [sflag:$0x2] =	stream.indirect_vreg.gather [hbm4b:s5+s3], $0x80, v3, vm0, $0xb8;
	[tilespmem:$0x10100] =	vst v63  }
0x125: {  	s0 =	simm.s32 $0xB900  }
0x126: {  	[tilespmem:s0], [sflag:$0x2] =	stream.indirect_vreg.gather [hbm4b:s6+s3], $0x80, v3, vm0, $0xb8;
	[tilespmem:$0x10100] =	vst v63  }
0x127: {  	v3 =	vld [tilespmem:$0xB0];
	_ =	sdelay $0x4  }
0x128: {  	v59 =	vshll.u32 v3, $0x3  }
0x129: {  	v3 =	vand.u32 $0x7, v3;
	v4 =	vand.u32 $0xFFFFFFC0, v59  }
0x12a: {  	v3 =	vor.u32 v3, v4  }
0x12b: {  	v4 =	vperm.xlane v3, v0;
	_ =	sdelay $0x1  }
0x12c: {  	v4 =	vadd.s32 v1, v4;
	_ =	sdelay $0x3  }
0x12d: {  	s0 =	simm.s32 $0xC100  }
0x12e: {  	[tilespmem:s0], [sflag:$0x2] =	stream.indirect_vreg.gather [hbm4b:s2+s3], $0x80, v4, vm0, $0xb8;
	[tilespmem:$0x10100] =	vst v63  }
0x12f: {  	v3 =	vperm.xlane v3, v2;
	s0 =	simm.s32 $0xC900  }
0x130: {  	[tilespmem:s0], [sflag:$0x2] =	stream.indirect_vreg.gather [hbm4b:s4+s3], $0x80, v4, vm0, $0xb8;
	[tilespmem:$0x10100] =	vst v63  }
0x131: {  	v3 =	vadd.s32 v1, v3  }
0x132: {  	[tilespmem:s8], [sflag:$0x2] =	stream.indirect_vreg.gather [hbm4b:s5+s3], $0x80, v4, vm0, $0xb8;
	[tilespmem:$0x10100] =	vst v63  }
0x133: {  	_ = 	snop  }
0x134: {  	[tilespmem:s9], [sflag:$0x2] =	stream.indirect_vreg.gather [hbm4b:s6+s3], $0x80, v4, vm0, $0xb8;
	[tilespmem:$0x10100] =	vst v63  }
0x135: {  	_ = 	snop  }
0x136: {  	[tilespmem:s10], [sflag:$0x2] =	stream.indirect_vreg.gather [hbm4b:s2+s3], $0x80, v3, vm0, $0xb8;
	[tilespmem:$0x10100] =	vst v63  }
0x137: {  	_ = 	snop  }
0x138: {  	[tilespmem:s11], [sflag:$0x2] =	stream.indirect_vreg.gather [hbm4b:s4+s3], $0x80, v3, vm0, $0xb8;
	[tilespmem:$0x10100] =	vst v63  }
0x139: {  	_ = 	snop  }
0x13a: {  	[tilespmem:s12], [sflag:$0x2] =	stream.indirect_vreg.gather [hbm4b:s5+s3], $0x80, v3, vm0, $0xb8;
	[tilespmem:$0x10100] =	vst v63  }
0x13b: {  	s0 =	simm.s32 $0xF900  }
0x13c: {  	[tilespmem:s0], [sflag:$0x2] =	stream.indirect_vreg.gather [hbm4b:s6+s3], $0x80, v3, vm0, $0xb8;
	[tilespmem:$0x10100] =	vst v63  }
0x13d: {  	s29 =	simm.s32 $0x100;
	s21 =	rddreg [dreg:$0x8]  }
0x13e: {  	[hbm4b:s21+s3] =	stream.linear.scatter [tilespmem:s29], [sflag:$0x3], $0x8000, $0x38;
	[tilespmem:$0x10100] =	vst v63  }
0x13f: {  	_ =	swait.ge [sflag:s18], $0x8000  }
0x140: {  	[sflag:s18] =	ssyncset.done $0x0  }
0x141: {  	[sflag:s18] =	ssyncadd.s32 $0xFFFF8000  }
0x142: {  	_ =	swait.ge [sflag:s19], $0x8000  }
0x143: {  	[sflag:s19] =	ssyncset.done $0x0  }
0x144: {  	[sflag:s19] =	ssyncadd.s32 $0xFFFF8000  }
0x145: {  	v3 =	vld [tilespmem:$0xC0];
	_ =	sdelay $0x4  }
0x146: {  	v60 =	vshll.u32 v3, $0x3  }
0x147: {  	v3 =	vand.u32 $0x7, v3;
	v4 =	vand.u32 $0xFFFFFFC0, v60  }
0x148: {  	v3 =	vor.u32 v3, v4  }
0x149: {  	v4 =	vperm.xlane v3, v0;
	_ =	sdelay $0x1  }
0x14a: {  	v4 =	vadd.s32 v1, v4;
	_ =	sdelay $0x4  }
0x14b: {  	[tilespmem:s29], [sflag:$0x1] =	stream.indirect_vreg.gather [hbm4b:s2+s3], $0x80, v4, vm0, $0xb8;
	[tilespmem:$0x10100] =	vst v63  }
0x14c: {  	s22 =	simm.s32 $0x900;
	v3 =	vperm.xlane v3, v2  }
0x14d: {  	[tilespmem:s22], [sflag:$0x1] =	stream.indirect_vreg.gather [hbm4b:s4+s3], $0x80, v4, vm0, $0xb8;
	[tilespmem:$0x10100] =	vst v63  }
0x14e: {  	v3 =	vadd.s32 v1, v3;
	s22 =	simm.s32 $0x1100  }
0x14f: {  	[tilespmem:s22], [sflag:$0x1] =	stream.indirect_vreg.gather [hbm4b:s5+s3], $0x80, v4, vm0, $0xb8;
	[tilespmem:$0x10100] =	vst v63  }
0x150: {  	s24 =	simm.s32 $0x1900  }
0x151: {  	[tilespmem:s24], [sflag:$0x1] =	stream.indirect_vreg.gather [hbm4b:s6+s3], $0x80, v4, vm0, $0xb8;
	[tilespmem:$0x10100] =	vst v63  }
0x152: {  	s23 =	simm.s32 $0x2100  }
0x153: {  	[tilespmem:s23], [sflag:$0x1] =	stream.indirect_vreg.gather [hbm4b:s2+s3], $0x80, v3, vm0, $0xb8;
	[tilespmem:$0x10100] =	vst v63  }
0x154: {  	s28 =	simm.s32 $0x2900  }
0x155: {  	[tilespmem:s28], [sflag:$0x1] =	stream.indirect_vreg.gather [hbm4b:s4+s3], $0x80, v3, vm0, $0xb8;
	[tilespmem:$0x10100] =	vst v63  }
0x156: {  	s30 =	simm.s32 $0x3100  }
0x157: {  	[tilespmem:s30], [sflag:$0x1] =	stream.indirect_vreg.gather [hbm4b:s5+s3], $0x80, v3, vm0, $0xb8;
	[tilespmem:$0x10100] =	vst v63  }
0x158: {  	s31 =	simm.s32 $0x3900  }
0x159: {  	[tilespmem:s31], [sflag:$0x1] =	stream.indirect_vreg.gather [hbm4b:s6+s3], $0x80, v3, vm0, $0xb8;
	[tilespmem:$0x10100] =	vst v63  }
0x15a: {  	v3 =	vld [tilespmem:$0xD0];
	_ =	sdelay $0x4  }
0x15b: {  	v61 =	vshll.u32 v3, $0x3  }
0x15c: {  	v3 =	vand.u32 $0x7, v3;
	v4 =	vand.u32 $0xFFFFFFC0, v61  }
0x15d: {  	v3 =	vor.u32 v3, v4  }
0x15e: {  	v4 =	vperm.xlane v3, v0;
	_ =	sdelay $0x1  }
0x15f: {  	v4 =	vadd.s32 v1, v4;
	_ =	sdelay $0x3  }
0x160: {  	s24 =	simm.s32 $0x4100  }
0x161: {  	[tilespmem:s24], [sflag:$0x1] =	stream.indirect_vreg.gather [hbm4b:s2+s3], $0x80, v4, vm0, $0xb8;
	[tilespmem:$0x10100] =	vst v63  }
0x162: {  	s28 =	simm.s32 $0x4900;
	v3 =	vperm.xlane v3, v2  }
0x163: {  	[tilespmem:s28], [sflag:$0x1] =	stream.indirect_vreg.gather [hbm4b:s4+s3], $0x80, v4, vm0, $0xb8;
	[tilespmem:$0x10100] =	vst v63  }
0x164: {  	s30 =	simm.s32 $0x5100;
	v3 =	vadd.s32 v1, v3  }
0x165: {  	[tilespmem:s30], [sflag:$0x1] =	stream.indirect_vreg.gather [hbm4b:s5+s3], $0x80, v4, vm0, $0xb8;
	[tilespmem:$0x10100] =	vst v63  }
0x166: {  	s31 =	simm.s32 $0x5900  }
0x167: {  	[tilespmem:s31], [sflag:$0x1] =	stream.indirect_vreg.gather [hbm4b:s6+s3], $0x80, v4, vm0, $0xb8;
	[tilespmem:$0x10100] =	vst v63  }
0x168: {  	s14 =	simm.s32 $0x6100  }
0x169: {  	[tilespmem:s14], [sflag:$0x1] =	stream.indirect_vreg.gather [hbm4b:s2+s3], $0x80, v3, vm0, $0xb8;
	[tilespmem:$0x10100] =	vst v63  }
0x16a: {  	s16 =	simm.s32 $0x6900  }
0x16b: {  	[tilespmem:s16], [sflag:$0x1] =	stream.indirect_vreg.gather [hbm4b:s4+s3], $0x80, v3, vm0, $0xb8;
	[tilespmem:$0x10100] =	vst v63  }
0x16c: {  	s17 =	simm.s32 $0x7100  }
0x16d: {  	[tilespmem:s17], [sflag:$0x1] =	stream.indirect_vreg.gather [hbm4b:s5+s3], $0x80, v3, vm0, $0xb8;
	[tilespmem:$0x10100] =	vst v63  }
0x16e: {  	s16 =	simm.s32 $0x7900  }
0x16f: {  	[tilespmem:s16], [sflag:$0x1] =	stream.indirect_vreg.gather [hbm4b:s6+s3], $0x80, v3, vm0, $0xb8;
	[tilespmem:$0x10100] =	vst v63  }
0x170: {  	s14 =	rddreg [dreg:$0x9]  }
0x171: {  	[hbm4b:s14+s3] =	stream.linear.scatter [tilespmem:s1], [sflag:$0x4], $0x8000, $0x38;
	[tilespmem:$0x10100] =	vst v63  }
0x172: {  	_ =	swait.ge [sflag:s25], $0x8000  }
0x173: {  	[sflag:s25] =	ssyncset.done $0x0  }
0x174: {  	[sflag:s25] =	ssyncadd.s32 $0xFFFF8000  }
0x175: {  	_ =	swait.ge [sflag:s20], $0x8000  }
0x176: {  	[sflag:s20] =	ssyncset.done $0x0  }
0x177: {  	[sflag:s20] =	ssyncadd.s32 $0xFFFF8000  }
0x178: {  	v3 =	vld [tilespmem:$0xE0];
	_ =	sdelay $0x4  }
0x179: {  	v62 =	vshll.u32 v3, $0x3  }
0x17a: {  	v3 =	vand.u32 $0x7, v3;
	v4 =	vand.u32 $0xFFFFFFC0, v62  }
0x17b: {  	v3 =	vor.u32 v3, v4  }
0x17c: {  	v4 =	vperm.xlane v3, v0;
	_ =	sdelay $0x1  }
0x17d: {  	v4 =	vadd.s32 v1, v4;
	_ =	sdelay $0x4  }
0x17e: {  	[tilespmem:s1], [sflag:$0x2] =	stream.indirect_vreg.gather [hbm4b:s2+s3], $0x80, v4, vm0, $0xb8;
	[tilespmem:$0x10100] =	vst v63  }
0x17f: {  	s17 =	simm.s32 $0x8900;
	v3 =	vperm.xlane v3, v2  }
0x180: {  	[tilespmem:s17], [sflag:$0x2] =	stream.indirect_vreg.gather [hbm4b:s4+s3], $0x80, v4, vm0, $0xb8;
	[tilespmem:$0x10100] =	vst v63  }
0x181: {  	s13 =	simm.s32 $0x9100;
	v3 =	vadd.s32 v1, v3  }
0x182: {  	[tilespmem:s13], [sflag:$0x2] =	stream.indirect_vreg.gather [hbm4b:s5+s3], $0x80, v4, vm0, $0xb8;
	[tilespmem:$0x10100] =	vst v63  }
0x183: {  	s21 =	simm.s32 $0x9900  }
0x184: {  	[tilespmem:s21], [sflag:$0x2] =	stream.indirect_vreg.gather [hbm4b:s6+s3], $0x80, v4, vm0, $0xb8;
	[tilespmem:$0x10100] =	vst v63  }
0x185: {  	s15 =	simm.s32 $0xA100  }
0x186: {  	[tilespmem:s15], [sflag:$0x2] =	stream.indirect_vreg.gather [hbm4b:s2+s3], $0x80, v3, vm0, $0xb8;
	[tilespmem:$0x10100] =	vst v63  }
0x187: {  	s22 =	simm.s32 $0xA900  }
0x188: {  	[tilespmem:s22], [sflag:$0x2] =	stream.indirect_vreg.gather [hbm4b:s4+s3], $0x80, v3, vm0, $0xb8;
	[tilespmem:$0x10100] =	vst v63  }
0x189: {  	s26 =	simm.s32 $0xB100  }
0x18a: {  	[tilespmem:s26], [sflag:$0x2] =	stream.indirect_vreg.gather [hbm4b:s5+s3], $0x80, v3, vm0, $0xb8;
	[tilespmem:$0x10100] =	vst v63  }
0x18b: {  	s23 =	simm.s32 $0xB900  }
0x18c: {  	[tilespmem:s23], [sflag:$0x2] =	stream.indirect_vreg.gather [hbm4b:s6+s3], $0x80, v3, vm0, $0xb8;
	[tilespmem:$0x10100] =	vst v63  }
0x18d: {  	v3 =	vld [tilespmem:$0xF0];
	_ =	sdelay $0x4  }
0x18e: {  	v63 =	vshll.u32 v3, $0x3  }
0x18f: {  	v3 =	vand.u32 $0x7, v3;
	v4 =	vand.u32 $0xFFFFFFC0, v63  }
0x190: {  	v3 =	vor.u32 v3, v4  }
0x191: {  	v4 =	vperm.xlane v3, v0;
	_ =	sdelay $0x1  }
0x192: {  	v4 =	vadd.s32 v1, v4;
	_ =	sdelay $0x3  }
0x193: {  	s24 =	simm.s32 $0xC100  }
0x194: {  	[tilespmem:s24], [sflag:$0x2] =	stream.indirect_vreg.gather [hbm4b:s2+s3], $0x80, v4, vm0, $0xb8;
	[tilespmem:$0x10100] =	vst v63  }
0x195: {  	s26 =	simm.s32 $0xC900;
	v3 =	vperm.xlane v3, v2  }
0x196: {  	[tilespmem:s26], [sflag:$0x2] =	stream.indirect_vreg.gather [hbm4b:s4+s3], $0x80, v4, vm0, $0xb8;
	[tilespmem:$0x10100] =	vst v63  }
0x197: {  	s8 =	simm.s32 $0xD100;
	v3 =	vadd.s32 v1, v3  }
0x198: {  	[tilespmem:s8], [sflag:$0x2] =	stream.indirect_vreg.gather [hbm4b:s5+s3], $0x80, v4, vm0, $0xb8;
	[tilespmem:$0x10100] =	vst v63  }
0x199: {  	s9 =	simm.s32 $0xD900  }
0x19a: {  	[tilespmem:s9], [sflag:$0x2] =	stream.indirect_vreg.gather [hbm4b:s6+s3], $0x80, v4, vm0, $0xb8;
	[tilespmem:$0x10100] =	vst v63  }
0x19b: {  	s10 =	simm.s32 $0xE100  }
0x19c: {  	[tilespmem:s10], [sflag:$0x2] =	stream.indirect_vreg.gather [hbm4b:s2+s3], $0x80, v3, vm0, $0xb8;
	[tilespmem:$0x10100] =	vst v63  }
0x19d: {  	s11 =	simm.s32 $0xE900  }
0x19e: {  	[tilespmem:s11], [sflag:$0x2] =	stream.indirect_vreg.gather [hbm4b:s4+s3], $0x80, v3, vm0, $0xb8;
	[tilespmem:$0x10100] =	vst v63  }
0x19f: {  	s12 =	simm.s32 $0xF100  }
0x1a0: {  	[tilespmem:s12], [sflag:$0x2] =	stream.indirect_vreg.gather [hbm4b:s5+s3], $0x80, v3, vm0, $0xb8;
	[tilespmem:$0x10100] =	vst v63  }
0x1a1: {  	s30 =	simm.s32 $0xF900  }
0x1a2: {  	[tilespmem:s30], [sflag:$0x2] =	stream.indirect_vreg.gather [hbm4b:s6+s3], $0x80, v3, vm0, $0xb8;
	[tilespmem:$0x10100] =	vst v63  }
0x1a3: {  	s28 =	rddreg [dreg:$0xa]  }
0x1a4: {  	[hbm4b:s28+s3] =	stream.linear.scatter [tilespmem:s29], [sflag:$0x3], $0x8000, $0x38;
	[tilespmem:$0x10100] =	vst v63  }
0x1a5: {  	_ =	swait.ge [sflag:s18], $0x8000  }
0x1a6: {  	[sflag:s18] =	ssyncset.done $0x0  }
0x1a7: {  	s31 =	rddreg [dreg:$0xb];
	[sflag:s18] =	ssyncadd.s32 $0xFFFF8000  }
0x1a8: {  	[hbm4b:s31+s3] =	stream.linear.scatter [tilespmem:s1], [sflag:$0x4], $0x8000, $0x38;
	[tilespmem:$0x10100] =	vst v63  }
0x1a9: {  	p0 =	sne.s32 s7, $0x1;
	_ =	swait.ge [sflag:s19], $0x8000  }
.Ltmp0:
0x1aa: {  	[sflag:s19] =	ssyncset.done $0x0;
	(pc) =	sbr.rel @p0 .LBB2_1-.Ltmp0, $4  }
0x1ab: {  	[sflag:s19] =	ssyncadd.s32 $0xFFFF8000  }
0x1ac: {  	_ =	swait.ge [sflag:s20], $0x8000  }
0x1ad: {  	[sflag:s20] =	ssyncset.done $0x0  }
0x1ae: {  	s7 =	sadd.s32 $0xFFFFFFFF, s7;
	[sflag:s20] =	ssyncadd.s32 $0xFFFF8000  }
0x1af: {  	_ =	sfence.sel $0x180000  }
0x1b0: {  	[bflag:$0x0] =	sbarrier.arrive $0xFFFF  }
0x1b1: {  	_ =	strace $0x9000004A  }
0x1b2: {  	s0 =	stileid.u32;
	[bflag:$0x2] =	sbarrier.arrive $0xFFFF  }
0x1b3: {  	p0 =	sne.s32 s0, $0x0;
	s0 =	rddreg [dreg:$0x2]  }
0x1b4: {  	s0 =	sadd.s32 @!p0 $0x100000, s0  }
0x1b5: {  	[sflag:s0] =	ssyncadd.tile.s32 @!p0 $0x1;
	_ =	shalt  }
.Lfunc_end2:
_tile_overlayer_lowered:
.L_overlay_start_2:
0x1b6: {  	(tag) =	ssettag $0x2  }
0x1b7: {  	s0 =	rddreg [dreg:$0x0];
	s2 =	stileid.u32  }
0x1b8: {  	s1 =	rddreg [dreg:$0x1];
	p0 =	sne.s32 s2, $0x0  }
0x1b9: {  	s3 =	rddreg [dreg:$0x2];
	[bflag:$0x3] =	sbarrier.arrive $0xFFFF;
	s2 =	simm.s32 @!p0 $0x1C05  }
0x1ba: {  	[timem:s3], [sflag:s2] =	dma.local @!p0 [hbm:s0], s1  }
0x1bb: {  	s0 =	simm.s32 @!p0 $0x5  }
0x1bc: {  	_ =	swait.ge @!p0 [sflag:s0], s1  }
0x1bd: {  	s1 =	ssub.s32 @!p0 $0x0, s1;
	[sflag:s0] =	ssyncset.done @!p0 $0x0  }
0x1be: {  	[sflag:s0] =	ssyncadd.s32 @!p0 s1  }
0x1bf: {  	[bflag:$0x3] =	sbarrier.arrive $0xFFFF  }
0x1c0: {  	_ =	shalt  }

// kernel: kernel.15.cloned.1.call-start
scs
__scs_entry_jumppad:
0x0: {  	(pc) =	sbr.rel $0x88, $3  }
0x1: {  	(tag) =	ssettag $0x0;
	lr =	simm.s32 $0x1  }
0x2: {  	[smem:$0x3F9D] =	sst lr;
	_ =	strace $0xD0000000  }
0x3: {  	_ = 	snop  }
0x4: {  	_ = 	snop  }
0x5: {  	_ = 	snop  }
0x6: {  	_ = 	snop  }
0x7: {  	_ = 	snop  }
__scs_overlays_trampoline_lowered:
0x8: {  	[smem:$0x3FAC] =	sst s0  }
0x9: {  	[smem:$0x3FAD] =	sst s1  }
0xa: {  	[smem:$0x3FAE] =	sst s2  }
0xb: {  	[smem:$0x3FAF] =	sst s3  }
0xc: {  	[smem:$0x3FB0] =	sst s4  }
0xd: {  	[smem:$0x3FB1] =	sst s5  }
0xe: {  	[smem:$0x3FB2] =	sst s6  }
0xf: {  	[smem:$0x3FB3] =	sst s7  }
0x10: {  	[smem:$0x3FB4] =	sst s8  }
0x11: {  	[smem:$0x3FB5] =	sst s9;
	s0 =	simm.s32 @!p0 $0x0  }
0x12: {  	s1 =	sld [smem:$0x3F9B];
	s0 =	simm.s32 @p0 $0x1  }
0x13: {  	[smem:$0x3FB6] =	sst s0;
	s0 =	simm.s32 @!p1 $0x0  }
0x14: {  	s2 =	sld [smem:$0x3F9A];
	s0 =	simm.s32 @p1 $0x1  }
0x15: {  	[smem:$0x3FB7] =	sst s0;
	s0 =	simm.s32 @!p2 $0x0  }
0x16: {  	s3 =	sld [smem:$0x3FDB];
	s0 =	simm.s32 @p2 $0x1  }
0x17: {  	s4 =	simm.s32 $0x1BF5;
	[smem:$0x3FB9] =	sst s0  }
0x18: {  	s0 =	sld [smem:$0x3F9C];
	_ =	swait.ge [sflag:s4], $0x0  }
0x19: {  	s7 =	sld [smem:$0x3F9D]  }
0x1a: {  	s8 =	sadd.s32 $0xFFFFE003, lr  }
0x1b: {  	s9 =	sadd.s32 $0xFFFFFEF7, lr;
	s5 =	simm.s32 $0xFFFFFFFF;
	p2 =	slt.u32 s8, $0xFFFFF086  }
0x1c: {  	p1 =	slt.u32 s9, $0xF7A;
	s5 =	simm.s32 @!p2 $0x0  }
0x1d: {  	s5 =	simm.s32 @p1 $0x1;
	p0 =	seq.s32 s7, s2  }
0x1e: {  	s7 =	smul.u32 @!p0 $0xF7A, s2;
	p2 =	seq.s32 @!p0 s5, $0x0  }
0x1f: {  	s9 =	smul.u32 $0xF7A, s1;
	s8 =	simm.s32 @!p0 $0x1BF5;
	p2 =	por !p2, p0  }
0x20: {  	[sflag:s8] =	ssyncset.s32 @!p0 $0xFFFFF086;
	s6 =	sadd.s32 @!p0 s3, s7;
	s7 =	simm.s32 @!p0 $0x108  }
0x21: {  	s3 =	sadd.s32 s3, s9;
	s6 =	sadd.s32 @!p0 $0x88, s6;
	s7 =	simm.s32 @p2 $0x1082  }
0x22: {  	[simem:s7], [sflag:s8] =	dma.local @!p0 [hbm:s6], $0xF7A  }
0x23: {  	s9 =	sor.u32 $0xD0000000, s2;
	s6 =	simm.s32 $0x108;
	_ =	swait.ge @!p0 [sflag:s8], $0x0  }
0x24: {  	s3 =	sadd.s32 $0x88, s3;
	s6 =	simm.s32 @!p1 $0x1082;
	[sflag:s4] =	ssyncset.s32 $0xFFFFF086  }
0x25: {  	[simem:s6], [sflag:s4] =	dma.local [hbm:s3], $0xF7A  }
0x26: {  	[smem:$0x3F9D] =	sst s1;
	(tag) =	ssettag s2;
	_ =	strace s9  }
0x27: {  	s1 =	sld [smem:$0x3FAD]  }
0x28: {  	s2 =	sld [smem:$0x3FAE]  }
0x29: {  	s4 =	sld [smem:$0x3FB0]  }
0x2a: {  	p0 =	seq.s32 s5, $0x0;
	s5 =	sld [smem:$0x3FB1]  }
0x2b: {  	s6 =	sld [smem:$0x3FB2]  }
0x2c: {  	s7 =	sld [smem:$0x3FB3]  }
0x2d: {  	s3 =	simm.s32 $0x108;
	s8 =	sld [smem:$0x3FB4]  }
0x2e: {  	s3 =	simm.s32 @!p0 $0x1082;
	s9 =	sld [smem:$0x3FB5]  }
0x2f: {  	lr =	sadd.s32 s0, s3;
	s0 =	sld [smem:$0x3FAC]  }
0x30: {  	s3 =	sld [smem:$0x3FAF]  }
0x31: {  	[smem:$0x3FB8] =	sst s10  }
0x32: {  	s10 =	sld [smem:$0x3FB6];
	_ =	sdelay $0x3  }
0x33: {  	p0 =	seq.s32 s10, $0x1;
	s10 =	sld [smem:$0x3FB8];
	_ =	sdelay $0x3  }
0x34: {  	[smem:$0x3FB8] =	sst s10  }
0x35: {  	s10 =	sld [smem:$0x3FB7];
	_ =	sdelay $0x3  }
0x36: {  	p1 =	seq.s32 s10, $0x1;
	s10 =	sld [smem:$0x3FB8];
	_ =	sdelay $0x3  }
0x37: {  	[smem:$0x3FB8] =	sst s10  }
0x38: {  	s10 =	sld [smem:$0x3FB9]  }
0x39: {  	_ = 	snop;
	(pc) =	sbr.ind lr, $3  }
0x3a: {  	_ = 	snop  }
0x3b: {  	_ = 	snop  }
0x3c: {  	p2 =	seq.s32 s10, $0x1;
	s10 =	sld [smem:$0x3FB8]  }
0x3d: {  	_ =	shalt  }
0x3e: {  	_ =	shalt  }
0x3f: {  	_ =	shalt  }
0x40: {  	_ =	shalt  }
0x41: {  	_ =	shalt  }
0x42: {  	_ =	shalt  }
0x43: {  	_ =	shalt  }
0x44: {  	_ =	shalt  }
0x45: {  	_ =	shalt  }
0x46: {  	_ =	shalt  }
0x47: {  	_ =	shalt  }
0x48: {  	_ =	shalt  }
0x49: {  	_ =	shalt  }
0x4a: {  	_ =	shalt  }
0x4b: {  	_ =	shalt  }
0x4c: {  	_ =	shalt  }
0x4d: {  	_ =	shalt  }
0x4e: {  	_ =	shalt  }
0x4f: {  	_ =	shalt  }
0x50: {  	_ =	shalt  }
0x51: {  	_ =	shalt  }
0x52: {  	_ =	shalt  }
0x53: {  	_ =	shalt  }
0x54: {  	_ =	shalt  }
0x55: {  	_ =	shalt  }
0x56: {  	_ =	shalt  }
0x57: {  	_ =	shalt  }
0x58: {  	_ =	shalt  }
0x59: {  	_ =	shalt  }
0x5a: {  	_ =	shalt  }
0x5b: {  	_ =	shalt  }
0x5c: {  	_ =	shalt  }
0x5d: {  	_ =	shalt  }
0x5e: {  	_ =	shalt  }
0x5f: {  	_ =	shalt  }
0x60: {  	_ =	shalt  }
0x61: {  	_ =	shalt  }
0x62: {  	_ =	shalt  }
0x63: {  	_ =	shalt  }
0x64: {  	_ =	shalt  }
0x65: {  	_ =	shalt  }
0x66: {  	_ =	shalt  }
0x67: {  	_ =	shalt  }
0x68: {  	_ =	shalt  }
0x69: {  	_ =	shalt  }
0x6a: {  	_ =	shalt  }
0x6b: {  	_ =	shalt  }
0x6c: {  	_ =	shalt  }
0x6d: {  	_ =	shalt  }
0x6e: {  	_ =	shalt  }
0x6f: {  	_ =	shalt  }
0x70: {  	_ =	shalt  }
0x71: {  	_ =	shalt  }
0x72: {  	_ =	shalt  }
0x73: {  	_ =	shalt  }
0x74: {  	_ =	shalt  }
0x75: {  	_ =	shalt  }
0x76: {  	_ =	shalt  }
0x77: {  	_ =	shalt  }
0x78: {  	_ =	shalt  }
0x79: {  	_ =	shalt  }
0x7a: {  	_ =	shalt  }
0x7b: {  	_ =	shalt  }
0x7c: {  	_ =	shalt  }
0x7d: {  	_ =	shalt  }
0x7e: {  	_ =	shalt  }
0x7f: {  	_ =	shalt  }
0x80: {  	_ =	shalt  }
0x81: {  	_ =	shalt  }
0x82: {  	_ =	shalt  }
0x83: {  	_ =	shalt  }
0x84: {  	_ =	shalt  }
0x85: {  	_ =	shalt  }
0x86: {  	_ =	shalt  }
0x87: {  	_ =	shalt  }
.Lfunc_end0:
.L_simem_size_0:
called_computation.2_lowered:
.L_overlay_start_0:
0x88: {  	s2 =	sld [smem:$0x3FD9]  }
0x89: {  	s3 =	sld [smem:$0x3FFE];
	_ =	sdelay $0x1  }
0x8a: {  	s1 =	srdreg.scid  }
0x8b: {  	s0 =	sand.u32 $0x1, s1  }
0x8c: {  	s14 =	sshll.u32 s0, $0xA;
	s2 =	sadd.s32 s3, s2  }
0x8d: {  	s2 =	sadd.s32 s2, s14  }
0x8e: {  	[smem:$0x3FC4] =	sst s2  }
0x8f: {  	_ = 	snop  }
0x90: {  	s2 =	sld [smem:$0x3FD0];
	_ =	sdelay $0x2  }
0x91: {  	s4 =	simm.s32 $0xA;
	s5 =	simm.s32 $0x10;
	s15 =	sld [smem:$0x3FC6]  }
0x92: {  	[smem:s5], [sflag:s4] =	dma.local [hbm:s2], $0x1  }
0x93: {  	_ =	swait.eq [sflag:s4], $0x1  }
0x94: {  	[sflag:s4] =	ssyncset.done $0x0  }
0x95: {  	[sflag:s4] =	ssyncadd.s32 $0xFFFFFFFF  }
0x96: {  	s16 =	sld [smem:$0x10];
	(tm) =	ssettm $0x1  }
0x97: {  	s17 =	sld [smem:$0x3FFB];
	_ =	sdelay $0x3  }
0x98: {  	_ =	strace s17  }
0x99: {  	s4 =	sld [smem:$0x3FFC];
	_ =	sdelay $0x3  }
0x9a: {  	_ =	strace s4  }
0x9b: {  	s4 =	sld [smem:$0x3FFD];
	_ =	sdelay $0x3  }
0x9c: {  	_ =	strace s4  }
0x9d: {  	_ =	strace $0x8FFFFFFF  }
0x9e: {  	s18 =	sld [smem:$0x3FDB];
	_ =	sdelay $0x1  }
0x9f: {  	s19 =	simm.s32 $_scs_section_size  }
0xa0: {  	s6 =	simm.s32 $_size__tile_overlayer_lowered;
	s7 =	simm.s32 $_tile_overlayer_lowered  }
0xa1: {  	s22 =	simm.s32 $0x1BFF;
	s21 =	sshll.u32 s7, $0x1;
	s4 =	sadd.s32 s19, s18  }
0xa2: {  	s8 =	simm.s32 $0x0;
	s20 =	sshll.u32 s6, $0x1;
	s6 =	sadd.s32 s21, s4  }
0xa3: {  	[timem:s8], [sflag:s22] =	dma.local [hbm:s6], s20  }
0xa4: {  	_ =	swait.ge [sflag:s22], s20  }
0xa5: {  	s5 =	ssub.s32 $0x0, s20;
	[sflag:s22] =	ssyncset.done $0x0  }
0xa6: {  	[sflag:s22] =	ssyncadd.s32 s5;
	_ =	sdelay $0x1  }
0xa7: {  	s23 =	simm.s32 $0x1B8B  }
0xa8: {  	_ =	swait.ge [sflag:s23], $0x1  }
0xa9: {  	[sflag:s23] =	ssyncset.done $0x0  }
0xaa: {  	s25 =	simm.s32 $0x1B8E;
	s24 =	sld [smem:$0x3FFE];
	[sflag:s23] =	ssyncadd.s32 $0xFFFFFFFF  }
0xab: {  	s26 =	simm.s32 $execute0_lowered;
	[smem:$0x3FD2] =	sst s25  }
0xac: {  	s6 =	sshll.u32 s26, $0x1;
	_ =	strace $0x8000004C;
	[dreg:$0x1] =	wrdreg $0xFFFFFFFF  }
0xad: {  	s28 =	simm.s32 $_size_execute0_lowered;
	s4 =	sadd.s32 s4, s6;
	[dreg:$0x0] =	wrdreg $0x0  }
0xae: {  	s6 =	sshll.u32 s28, $0x1;
	[dreg:$0x2] =	wrdreg s4  }
0xaf: {  	[dreg:$0x3] =	wrdreg s6  }
0xb0: {  	[dreg:$0x4] =	wrdreg $0xC0  }
0xb1: {  	_ =	task [dreg:s8], $0x5FFFF  }
0xb2: {  	[dreg:$0x1] =	wrdreg $0xFFFFFFFF  }
0xb3: {  	[dreg:$0x0] =	wrdreg $0x60  }
0xb4: {  	[dreg:$0x2] =	wrdreg s15  }
0xb5: {  	[dreg:$0x3] =	wrdreg s16  }
0xb6: {  	[dreg:$0x4] =	wrdreg s24  }
0xb7: {  	[dreg:$0x5] =	wrdreg $0x9  }
0xb8: {  	_ =	task.clear_ibuf [dreg:s8], $0x6FFFF;
	_ =	strace $0x9000004C  }
0xb9: {  	s29 =	simm.s32 $0x9;
	_ =	strace $0x8000004E  }
0xba: {  	_ =	swait.ge [sflag:s29], $0x1  }
0xbb: {  	[sflag:s29] =	ssyncadd.s32 $0xFFFFFFFF  }
0xbc: {  	_ =	strace $0x9000004E  }
0xbd: {  	_ =	sfence  }
0xbe: {  	s30 =	sld [smem:$0x0];
	_ =	sdelay $0x2  }
0xbf: {  	s31 =	sshll.u32 s1, $0xD;
	s1 =	sshrl.u32 s1, $0x2  }
0xc0: {  	s3 =	sand.u32 $0x4000, s31;
	s1 =	sadd.s32 s1, s30  }
0xc1: {  	s0 =	sor.u32 s3, s0;
	s1 =	sshll.u32 s1, $0x11  }
0xc2: {  	s0 =	sor.u32 s1, s0  }
0xc3: {  	s0 =	sadd.s32 $0x8F2B, s0  }
0xc4: {  	[sflag:s0] =	ssyncadd.remote.s32 $0x1  }
0xc5: {  	_ =	sfence.sel $0xFFFF  }
0xc6: {  	[dreg:$0x0] =	wrdreg $0xFFFFFFFF;
	(pc) =	sbr.abs _section_cstart, $3  }
0xc7: {  	[dreg:$0x1] =	wrdreg $0xFFFFFFFF  }
0xc8: {  	_ =	task.clear_ibuf [dreg:s8], $0x2FFFF;
	_ =	strace $0x9FFFFFFF  }
0xc9: {  	(tm) =	ssettm $0x7FFFFFFF  }
tec
execute0_lowered:
.L_overlay_start_1:
0x0: {  	(tag) =	ssettag $0x1  }
0x1: {  	s1 =	rddreg [dreg:$0x0]  }
0x2: {  	s0 =	srdreg.scid;
	s2 =	rddreg [dreg:$0x1]  }
0x3: {  	s3 =	stileid.u32;
	s4 =	rddreg [dreg:$0x2];
	s0 =	sand.u32 $0x1, s0  }
0x4: {  	s18 =	simm.s32 $0x2;
	s5 =	sshll.u32 s3, $0x9;
	s6 =	sshll.u32 s0, $0x8  }
0x5: {  	s19 =	simm.s32 $0x3;
	s20 =	simm.s32 $0x4;
	s5 =	sor.u32 s6, s5  }
0x6: {  	s3 =	simm.s32 $0x0;
	s6 =	sshll.u32 s5, $0x7;
	s5 =	sshrl.u32 s5, $0x3  }
0x7: {  	[smem:$0x7FF] =	sst s3;
	s7 =	sadd.s32 s6, s4;
	s2 =	sadd.s32 s2, s5  }
0x8: {  	_ =	strace $0x8000004D;
	[dreg:$0x4] =	wrdreg s2;
	s22 =	sadd.s32 $0x100600, s7  }
0x9: {  	s0 =	ssub.s32 $0x2, s0;
	s23 =	sadd.s32 $0x101600, s7;
	[dreg:$0x5] =	wrdreg s22  }
0xa: {  	s25 =	sshrl.u32 s0, $0x1;
	s24 =	sadd.s32 $0x102600, s7;
	[dreg:$0x6] =	wrdreg s23  }
0xb: {  	s0 =	ssub.s32 s0, s25;
	s26 =	sadd.s32 $0x103600, s7;
	[dreg:$0x7] =	wrdreg s24  }
0xc: {  	s25 =	simm.s32 $0x1;
	s28 =	sadd.s32 $0x104600, s7;
	[dreg:$0x8] =	wrdreg s26  }
0xd: {  	s4 =	sadd.s32 $0x100, s1;
	s29 =	sadd.s32 $0x105600, s7;
	[dreg:$0x9] =	wrdreg s28  }
0xe: {  	v2 =	vlaneseq.u32;
	s5 =	sadd.s32 $0x200, s1;
	s30 =	sadd.s32 $0x106600, s7;
	[dreg:$0xa] =	wrdreg s29  }
0xf: {  	vm0 =	vmmov $0xffff;
	v1 =	vshrl.u32 v2, $0x3;
	s6 =	sadd.s32 $0x300, s1;
	s31 =	sadd.s32 $0x107600, s7;
	[dreg:$0xb] =	wrdreg s30  }
0x10: {  	v0 =	vand.u32 $0x7, v2;
	v2 =	vor.u32 $0x8, v2;
	v1 =	vmul.u32 $0x8, v1;
	s7 =	smax.u32 s0, $0x1;
	s2 =	simm.s32 $0x8100;
	[dreg:$0xc] =	wrdreg s31  }
.LBB2_1:
0x11: {  	s21 =	rddreg [dreg:$0x4];
	s8 =	simm.s32 $0x5  }
0x12: {  	[tilespmem:s3], [sflag:$0x5] =	stream.linear.gather [hbm4b:s21+s3], $0x100, $0x38;
	[tilespmem:$0x10100] =	vst v63  }
0x13: {  	_ =	swait.ge [sflag:s8], $0x100  }
0x14: {  	[sflag:s8] =	ssyncset.done $0x0  }
0x15: {  	[sflag:s8] =	ssyncadd.s32 $0xFFFFFF00  }
0x16: {  	v3 =	vld [tilespmem:$0x0];
	_ =	sdelay $0x4  }
0x17: {  	v4 =	vshll.u32 v3, $0x3  }
0x18: {  	v3 =	vand.u32 $0x7, v3;
	v4 =	vand.u32 $0xFFFFFFC0, v4  }
0x19: {  	v3 =	vor.u32 v3, v4  }
0x1a: {  	v4 =	vperm.xlane v3, v0;
	_ =	sdelay $0x1  }
0x1b: {  	v4 =	vadd.s32 v1, v4;
	_ =	sdelay $0x3  }
0x1c: {  	s0 =	simm.s32 $0x100  }
0x1d: {  	[tilespmem:s0], [sflag:$0x1] =	stream.indirect_vreg.gather [hbm4b:s1+s3], $0x80, v4, vm0, $0xb8;
	[tilespmem:$0x10100] =	vst v63  }
0x1e: {  	s9 =	simm.s32 $0x900;
	v3 =	vperm.xlane v3, v2  }
0x1f: {  	[tilespmem:s9], [sflag:$0x1] =	stream.indirect_vreg.gather [hbm4b:s4+s3], $0x80, v4, vm0, $0xb8;
	[tilespmem:$0x10100] =	vst v63  }
0x20: {  	s10 =	simm.s32 $0x1100;
	v3 =	vadd.s32 v1, v3  }
0x21: {  	[tilespmem:s10], [sflag:$0x1] =	stream.indirect_vreg.gather [hbm4b:s5+s3], $0x80, v4, vm0, $0xb8;
	[tilespmem:$0x10100] =	vst v63  }
0x22: {  	s11 =	simm.s32 $0x1900  }
0x23: {  	[tilespmem:s11], [sflag:$0x1] =	stream.indirect_vreg.gather [hbm4b:s6+s3], $0x80, v4, vm0, $0xb8;
	[tilespmem:$0x10100] =	vst v63  }
0x24: {  	s12 =	simm.s32 $0x2100  }
0x25: {  	[tilespmem:s12], [sflag:$0x1] =	stream.indirect_vreg.gather [hbm4b:s1+s3], $0x80, v3, vm0, $0xb8;
	[tilespmem:$0x10100] =	vst v63  }
0x26: {  	s13 =	simm.s32 $0x2900  }
0x27: {  	[tilespmem:s13], [sflag:$0x1] =	stream.indirect_vreg.gather [hbm4b:s4+s3], $0x80, v3, vm0, $0xb8;
	[tilespmem:$0x10100] =	vst v63  }
0x28: {  	s15 =	simm.s32 $0x3100  }
0x29: {  	[tilespmem:s15], [sflag:$0x1] =	stream.indirect_vreg.gather [hbm4b:s5+s3], $0x80, v3, vm0, $0xb8;
	[tilespmem:$0x10100] =	vst v63  }
0x2a: {  	s16 =	simm.s32 $0x3900  }
0x2b: {  	[tilespmem:s16], [sflag:$0x1] =	stream.indirect_vreg.gather [hbm4b:s6+s3], $0x80, v3, vm0, $0xb8;
	[tilespmem:$0x10100] =	vst v63  }
0x2c: {  	v3 =	vld [tilespmem:$0x10];
	_ =	sdelay $0x4  }
0x2d: {  	v49 =	vshll.u32 v3, $0x3  }
0x2e: {  	v3 =	vand.u32 $0x7, v3;
	v4 =	vand.u32 $0xFFFFFFC0, v49  }
0x2f: {  	v3 =	vor.u32 v3, v4  }
0x30: {  	v4 =	vperm.xlane v3, v0;
	_ =	sdelay $0x1  }
0x31: {  	v4 =	vadd.s32 v1, v4;
	_ =	sdelay $0x3  }
0x32: {  	s17 =	simm.s32 $0x4100  }
0x33: {  	[tilespmem:s17], [sflag:$0x1] =	stream.indirect_vreg.gather [hbm4b:s1+s3], $0x80, v4, vm0, $0xb8;
	[tilespmem:$0x10100] =	vst v63  }
0x34: {  	s21 =	simm.s32 $0x4900;
	v3 =	vperm.xlane v3, v2  }
0x35: {  	[tilespmem:s21], [sflag:$0x1] =	stream.indirect_vreg.gather [hbm4b:s4+s3], $0x80, v4, vm0, $0xb8;
	[tilespmem:$0x10100] =	vst v63  }
0x36: {  	s23 =	simm.s32 $0x5100;
	v3 =	vadd.s32 v1, v3  }
0x37: {  	[tilespmem:s23], [sflag:$0x1] =	stream.indirect_vreg.gather [hbm4b:s5+s3], $0x80, v4, vm0, $0xb8;
	[tilespmem:$0x10100] =	vst v63  }
0x38: {  	s24 =	simm.s32 $0x5900  }
0x39: {  	[tilespmem:s24], [sflag:$0x1] =	stream.indirect_vreg.gather [hbm4b:s6+s3], $0x80, v4, vm0, $0xb8;
	[tilespmem:$0x10100] =	vst v63  }
0x3a: {  	s26 =	simm.s32 $0x6100  }
0x3b: {  	[tilespmem:s26], [sflag:$0x1] =	stream.indirect_vreg.gather [hbm4b:s1+s3], $0x80, v3, vm0, $0xb8;
	[tilespmem:$0x10100] =	vst v63  }
0x3c: {  	s28 =	simm.s32 $0x6900  }
0x3d: {  	[tilespmem:s28], [sflag:$0x1] =	stream.indirect_vreg.gather [hbm4b:s4+s3], $0x80, v3, vm0, $0xb8;
	[tilespmem:$0x10100] =	vst v63  }
0x3e: {  	s29 =	simm.s32 $0x7100  }
0x3f: {  	[tilespmem:s29], [sflag:$0x1] =	stream.indirect_vreg.gather [hbm4b:s5+s3], $0x80, v3, vm0, $0xb8;
	[tilespmem:$0x10100] =	vst v63  }
0x40: {  	s30 =	simm.s32 $0x7900  }
0x41: {  	[tilespmem:s30], [sflag:$0x1] =	stream.indirect_vreg.gather [hbm4b:s6+s3], $0x80, v3, vm0, $0xb8;
	[tilespmem:$0x10100] =	vst v63  }
0x42: {  	_ =	swait.ge [sflag:s25], $0x8000  }
0x43: {  	[sflag:s25] =	ssyncset.done $0x0  }
0x44: {  	[sflag:s25] =	ssyncadd.s32 $0xFFFF8000  }
0x45: {  	v3 =	vld [tilespmem:$0x20];
	_ =	sdelay $0x4  }
0x46: {  	v50 =	vshll.u32 v3, $0x3  }
0x47: {  	v3 =	vand.u32 $0x7, v3;
	v4 =	vand.u32 $0xFFFFFFC0, v50  }
0x48: {  	v3 =	vor.u32 v3, v4  }
0x49: {  	v4 =	vperm.xlane v3, v0;
	_ =	sdelay $0x1  }
0x4a: {  	v4 =	vadd.s32 v1, v4;
	_ =	sdelay $0x4  }
0x4b: {  	[tilespmem:s2], [sflag:$0x2] =	stream.indirect_vreg.gather [hbm4b:s1+s3], $0x80, v4, vm0, $0xb8;
	[tilespmem:$0x10100] =	vst v63  }
0x4c: {  	s15 =	simm.s32 $0x8900;
	v3 =	vperm.xlane v3, v2  }
0x4d: {  	[tilespmem:s15], [sflag:$0x2] =	stream.indirect_vreg.gather [hbm4b:s4+s3], $0x80, v4, vm0, $0xb8;
	[tilespmem:$0x10100] =	vst v63  }
0x4e: {  	s31 =	simm.s32 $0x9100;
	v3 =	vadd.s32 v1, v3  }
0x4f: {  	[tilespmem:s31], [sflag:$0x2] =	stream.indirect_vreg.gather [hbm4b:s5+s3], $0x80, v4, vm0, $0xb8;
	[tilespmem:$0x10100] =	vst v63  }
0x50: {  	s8 =	simm.s32 $0x9900  }
0x51: {  	[tilespmem:s8], [sflag:$0x2] =	stream.indirect_vreg.gather [hbm4b:s6+s3], $0x80, v4, vm0, $0xb8;
	[tilespmem:$0x10100] =	vst v63  }
0x52: {  	s9 =	simm.s32 $0xA100  }
0x53: {  	[tilespmem:s9], [sflag:$0x2] =	stream.indirect_vreg.gather [hbm4b:s1+s3], $0x80, v3, vm0, $0xb8;
	[tilespmem:$0x10100] =	vst v63  }
0x54: {  	s10 =	simm.s32 $0xA900  }
0x55: {  	[tilespmem:s10], [sflag:$0x2] =	stream.indirect_vreg.gather [hbm4b:s4+s3], $0x80, v3, vm0, $0xb8;
	[tilespmem:$0x10100] =	vst v63  }
0x56: {  	s15 =	simm.s32 $0xB100  }
0x57: {  	[tilespmem:s15], [sflag:$0x2] =	stream.indirect_vreg.gather [hbm4b:s5+s3], $0x80, v3, vm0, $0xb8;
	[tilespmem:$0x10100] =	vst v63  }
0x58: {  	s23 =	simm.s32 $0xB900  }
0x59: {  	[tilespmem:s23], [sflag:$0x2] =	stream.indirect_vreg.gather [hbm4b:s6+s3], $0x80, v3, vm0, $0xb8;
	[tilespmem:$0x10100] =	vst v63  }
0x5a: {  	v3 =	vld [tilespmem:$0x30];
	_ =	sdelay $0x4  }
0x5b: {  	v51 =	vshll.u32 v3, $0x3  }
0x5c: {  	v3 =	vand.u32 $0x7, v3;
	v4 =	vand.u32 $0xFFFFFFC0, v51  }
0x5d: {  	v3 =	vor.u32 v3, v4  }
0x5e: {  	v4 =	vperm.xlane v3, v0;
	_ =	sdelay $0x1  }
0x5f: {  	v4 =	vadd.s32 v1, v4;
	_ =	sdelay $0x3  }
0x60: {  	s24 =	simm.s32 $0xC100  }
0x61: {  	[tilespmem:s24], [sflag:$0x2] =	stream.indirect_vreg.gather [hbm4b:s1+s3], $0x80, v4, vm0, $0xb8;
	[tilespmem:$0x10100] =	vst v63  }
0x62: {  	s28 =	simm.s32 $0xC900;
	v3 =	vperm.xlane v3, v2  }
0x63: {  	[tilespmem:s28], [sflag:$0x2] =	stream.indirect_vreg.gather [hbm4b:s4+s3], $0x80, v4, vm0, $0xb8;
	[tilespmem:$0x10100] =	vst v63  }
0x64: {  	s29 =	simm.s32 $0xD100;
	v3 =	vadd.s32 v1, v3  }
0x65: {  	[tilespmem:s29], [sflag:$0x2] =	stream.indirect_vreg.gather [hbm4b:s5+s3], $0x80, v4, vm0, $0xb8;
	[tilespmem:$0x10100] =	vst v63  }
0x66: {  	s30 =	simm.s32 $0xD900  }
0x67: {  	[tilespmem:s30], [sflag:$0x2] =	stream.indirect_vreg.gather [hbm4b:s6+s3], $0x80, v4, vm0, $0xb8;
	[tilespmem:$0x10100] =	vst v63  }
0x68: {  	s31 =	simm.s32 $0xE100  }
0x69: {  	[tilespmem:s31], [sflag:$0x2] =	stream.indirect_vreg.gather [hbm4b:s1+s3], $0x80, v3, vm0, $0xb8;
	[tilespmem:$0x10100] =	vst v63  }
0x6a: {  	s15 =	simm.s32 $0xE900  }
0x6b: {  	[tilespmem:s15], [sflag:$0x2] =	stream.indirect_vreg.gather [hbm4b:s4+s3], $0x80, v3, vm0, $0xb8;
	[tilespmem:$0x10100] =	vst v63  }
0x6c: {  	s23 =	simm.s32 $0xF100  }
0x6d: {  	[tilespmem:s23], [sflag:$0x2] =	stream.indirect_vreg.gather [hbm4b:s5+s3], $0x80, v3, vm0, $0xb8;
	[tilespmem:$0x10100] =	vst v63  }
0x6e: {  	s28 =	simm.s32 $0xF900  }
0x6f: {  	[tilespmem:s28], [sflag:$0x2] =	stream.indirect_vreg.gather [hbm4b:s6+s3], $0x80, v3, vm0, $0xb8;
	[tilespmem:$0x10100] =	vst v63  }
0x70: {  	s22 =	simm.s32 $0x100;
	s24 =	rddreg [dreg:$0x5]  }
0x71: {  	[hbm4b:s24+s3] =	stream.linear.scatter [tilespmem:s22], [sflag:$0x3], $0x8000, $0x38;
	[tilespmem:$0x10100] =	vst v63  }
0x72: {  	_ =	swait.ge [sflag:s18], $0x8000  }
0x73: {  	[sflag:s18] =	ssyncset.done $0x0  }
0x74: {  	[sflag:s18] =	ssyncadd.s32 $0xFFFF8000  }
0x75: {  	_ =	swait.ge [sflag:s19], $0x8000  }
0x76: {  	[sflag:s19] =	ssyncset.done $0x0  }
0x77: {  	[sflag:s19] =	ssyncadd.s32 $0xFFFF8000  }
0x78: {  	v3 =	vld [tilespmem:$0x40];
	_ =	sdelay $0x4  }
0x79: {  	v52 =	vshll.u32 v3, $0x3  }
0x7a: {  	v3 =	vand.u32 $0x7, v3;
	v4 =	vand.u32 $0xFFFFFFC0, v52  }
0x7b: {  	v3 =	vor.u32 v3, v4  }
0x7c: {  	v4 =	vperm.xlane v3, v0;
	_ =	sdelay $0x1  }
0x7d: {  	v4 =	vadd.s32 v1, v4;
	_ =	sdelay $0x4  }
0x7e: {  	[tilespmem:s22], [sflag:$0x1] =	stream.indirect_vreg.gather [hbm4b:s1+s3], $0x80, v4, vm0, $0xb8;
	[tilespmem:$0x10100] =	vst v63  }
0x7f: {  	v3 =	vperm.xlane v3, v2;
	s22 =	simm.s32 $0x900  }
0x80: {  	[tilespmem:s22], [sflag:$0x1] =	stream.indirect_vreg.gather [hbm4b:s4+s3], $0x80, v4, vm0, $0xb8;
	[tilespmem:$0x10100] =	vst v63  }
0x81: {  	s14 =	simm.s32 $0x1100;
	v3 =	vadd.s32 v1, v3  }
0x82: {  	[tilespmem:s14], [sflag:$0x1] =	stream.indirect_vreg.gather [hbm4b:s5+s3], $0x80, v4, vm0, $0xb8;
	[tilespmem:$0x10100] =	vst v63  }
0x83: {  	s24 =	simm.s32 $0x1900  }
0x84: {  	[tilespmem:s24], [sflag:$0x1] =	stream.indirect_vreg.gather [hbm4b:s6+s3], $0x80, v4, vm0, $0xb8;
	[tilespmem:$0x10100] =	vst v63  }
0x85: {  	s23 =	simm.s32 $0x2100  }
0x86: {  	[tilespmem:s23], [sflag:$0x1] =	stream.indirect_vreg.gather [hbm4b:s1+s3], $0x80, v3, vm0, $0xb8;
	[tilespmem:$0x10100] =	vst v63  }
0x87: {  	s28 =	simm.s32 $0x2900  }
0x88: {  	[tilespmem:s28], [sflag:$0x1] =	stream.indirect_vreg.gather [hbm4b:s4+s3], $0x80, v3, vm0, $0xb8;
	[tilespmem:$0x10100] =	vst v63  }
0x89: {  	s30 =	simm.s32 $0x3100  }
0x8a: {  	[tilespmem:s30], [sflag:$0x1] =	stream.indirect_vreg.gather [hbm4b:s5+s3], $0x80, v3, vm0, $0xb8;
	[tilespmem:$0x10100] =	vst v63  }
0x8b: {  	s31 =	simm.s32 $0x3900  }
0x8c: {  	[tilespmem:s31], [sflag:$0x1] =	stream.indirect_vreg.gather [hbm4b:s6+s3], $0x80, v3, vm0, $0xb8;
	[tilespmem:$0x10100] =	vst v63  }
0x8d: {  	v3 =	vld [tilespmem:$0x50];
	_ =	sdelay $0x4  }
0x8e: {  	v53 =	vshll.u32 v3, $0x3  }
0x8f: {  	v3 =	vand.u32 $0x7, v3;
	v4 =	vand.u32 $0xFFFFFFC0, v53  }
0x90: {  	v3 =	vor.u32 v3, v4  }
0x91: {  	v4 =	vperm.xlane v3, v0;
	_ =	sdelay $0x1  }
0x92: {  	v4 =	vadd.s32 v1, v4;
	_ =	sdelay $0x3  }
0x93: {  	s17 =	simm.s32 $0x4100  }
0x94: {  	[tilespmem:s17], [sflag:$0x1] =	stream.indirect_vreg.gather [hbm4b:s1+s3], $0x80, v4, vm0, $0xb8;
	[tilespmem:$0x10100] =	vst v63  }
0x95: {  	s16 =	simm.s32 $0x4900;
	v3 =	vperm.xlane v3, v2  }
0x96: {  	[tilespmem:s16], [sflag:$0x1] =	stream.indirect_vreg.gather [hbm4b:s4+s3], $0x80, v4, vm0, $0xb8;
	[tilespmem:$0x10100] =	vst v63  }
0x97: {  	s13 =	simm.s32 $0x5100;
	v3 =	vadd.s32 v1, v3  }
0x98: {  	[tilespmem:s13], [sflag:$0x1] =	stream.indirect_vreg.gather [hbm4b:s5+s3], $0x80, v4, vm0, $0xb8;
	[tilespmem:$0x10100] =	vst v63  }
0x99: {  	s13 =	simm.s32 $0x5900  }
0x9a: {  	[tilespmem:s13], [sflag:$0x1] =	stream.indirect_vreg.gather [hbm4b:s6+s3], $0x80, v4, vm0, $0xb8;
	[tilespmem:$0x10100] =	vst v63  }
0x9b: {  	s14 =	simm.s32 $0x6100  }
0x9c: {  	[tilespmem:s14], [sflag:$0x1] =	stream.indirect_vreg.gather [hbm4b:s1+s3], $0x80, v3, vm0, $0xb8;
	[tilespmem:$0x10100] =	vst v63  }
0x9d: {  	s16 =	simm.s32 $0x6900  }
0x9e: {  	[tilespmem:s16], [sflag:$0x1] =	stream.indirect_vreg.gather [hbm4b:s4+s3], $0x80, v3, vm0, $0xb8;
	[tilespmem:$0x10100] =	vst v63  }
0x9f: {  	s17 =	simm.s32 $0x7100  }
0xa0: {  	[tilespmem:s17], [sflag:$0x1] =	stream.indirect_vreg.gather [hbm4b:s5+s3], $0x80, v3, vm0, $0xb8;
	[tilespmem:$0x10100] =	vst v63  }
0xa1: {  	s12 =	simm.s32 $0x7900  }
0xa2: {  	[tilespmem:s12], [sflag:$0x1] =	stream.indirect_vreg.gather [hbm4b:s6+s3], $0x80, v3, vm0, $0xb8;
	[tilespmem:$0x10100] =	vst v63  }
0xa3: {  	s29 =	rddreg [dreg:$0x6]  }
0xa4: {  	[hbm4b:s29+s3] =	stream.linear.scatter [tilespmem:s2], [sflag:$0x4], $0x8000, $0x38;
	[tilespmem:$0x10100] =	vst v63  }
0xa5: {  	_ =	swait.ge [sflag:s25], $0x8000  }
0xa6: {  	[sflag:s25] =	ssyncset.done $0x0  }
0xa7: {  	[sflag:s25] =	ssyncadd.s32 $0xFFFF8000  }
0xa8: {  	_ =	swait.ge [sflag:s20], $0x8000  }
0xa9: {  	[sflag:s20] =	ssyncset.done $0x0  }
0xaa: {  	[sflag:s20] =	ssyncadd.s32 $0xFFFF8000  }
0xab: {  	v3 =	vld [tilespmem:$0x60];
	_ =	sdelay $0x4  }
0xac: {  	v54 =	vshll.u32 v3, $0x3  }
0xad: {  	v3 =	vand.u32 $0x7, v3;
	v4 =	vand.u32 $0xFFFFFFC0, v54  }
0xae: {  	v3 =	vor.u32 v3, v4  }
0xaf: {  	v4 =	vperm.xlane v3, v0;
	_ =	sdelay $0x1  }
0xb0: {  	v4 =	vadd.s32 v1, v4;
	_ =	sdelay $0x4  }
0xb1: {  	[tilespmem:s2], [sflag:$0x2] =	stream.indirect_vreg.gather [hbm4b:s1+s3], $0x80, v4, vm0, $0xb8;
	[tilespmem:$0x10100] =	vst v63  }
0xb2: {  	s11 =	simm.s32 $0x8900;
	v3 =	vperm.xlane v3, v2  }
0xb3: {  	[tilespmem:s11], [sflag:$0x2] =	stream.indirect_vreg.gather [hbm4b:s4+s3], $0x80, v4, vm0, $0xb8;
	[tilespmem:$0x10100] =	vst v63  }
0xb4: {  	s26 =	simm.s32 $0x9100;
	v3 =	vadd.s32 v1, v3  }
0xb5: {  	[tilespmem:s26], [sflag:$0x2] =	stream.indirect_vreg.gather [hbm4b:s5+s3], $0x80, v4, vm0, $0xb8;
	[tilespmem:$0x10100] =	vst v63  }
0xb6: {  	s0 =	simm.s32 $0x9900  }
0xb7: {  	[tilespmem:s0], [sflag:$0x2] =	stream.indirect_vreg.gather [hbm4b:s6+s3], $0x80, v4, vm0, $0xb8;
	[tilespmem:$0x10100] =	vst v63  }
0xb8: {  	s15 =	simm.s32 $0xA100  }
0xb9: {  	[tilespmem:s15], [sflag:$0x2] =	stream.indirect_vreg.gather [hbm4b:s1+s3], $0x80, v3, vm0, $0xb8;
	[tilespmem:$0x10100] =	vst v63  }
0xba: {  	s0 =	simm.s32 $0xA900  }
0xbb: {  	[tilespmem:s0], [sflag:$0x2] =	stream.indirect_vreg.gather [hbm4b:s4+s3], $0x80, v3, vm0, $0xb8;
	[tilespmem:$0x10100] =	vst v63  }
0xbc: {  	s26 =	simm.s32 $0xB100  }
0xbd: {  	[tilespmem:s26], [sflag:$0x2] =	stream.indirect_vreg.gather [hbm4b:s5+s3], $0x80, v3, vm0, $0xb8;
	[tilespmem:$0x10100] =	vst v63  }
0xbe: {  	s8 =	simm.s32 $0xB900  }
0xbf: {  	[tilespmem:s8], [sflag:$0x2] =	stream.indirect_vreg.gather [hbm4b:s6+s3], $0x80, v3, vm0, $0xb8;
	[tilespmem:$0x10100] =	vst v63  }
0xc0: {  	v3 =	vld [tilespmem:$0x70];
	_ =	sdelay $0x4  }
0xc1: {  	v55 =	vshll.u32 v3, $0x3  }
0xc2: {  	v3 =	vand.u32 $0x7, v3;
	v4 =	vand.u32 $0xFFFFFFC0, v55  }
0xc3: {  	v3 =	vor.u32 v3, v4  }
0xc4: {  	v4 =	vperm.xlane v3, v0;
	_ =	sdelay $0x1  }
0xc5: {  	v4 =	vadd.s32 v1, v4;
	_ =	sdelay $0x3  }
0xc6: {  	s9 =	simm.s32 $0xC100  }
0xc7: {  	[tilespmem:s9], [sflag:$0x2] =	stream.indirect_vreg.gather [hbm4b:s1+s3], $0x80, v4, vm0, $0xb8;
	[tilespmem:$0x10100] =	vst v63  }
0xc8: {  	s10 =	simm.s32 $0xC900;
	v3 =	vperm.xlane v3, v2  }
0xc9: {  	[tilespmem:s10], [sflag:$0x2] =	stream.indirect_vreg.gather [hbm4b:s4+s3], $0x80, v4, vm0, $0xb8;
	[tilespmem:$0x10100] =	vst v63  }
0xca: {  	s8 =	simm.s32 $0xD100;
	v3 =	vadd.s32 v1, v3  }
0xcb: {  	[tilespmem:s8], [sflag:$0x2] =	stream.indirect_vreg.gather [hbm4b:s5+s3], $0x80, v4, vm0, $0xb8;
	[tilespmem:$0x10100] =	vst v63  }
0xcc: {  	s9 =	simm.s32 $0xD900  }
0xcd: {  	[tilespmem:s9], [sflag:$0x2] =	stream.indirect_vreg.gather [hbm4b:s6+s3], $0x80, v4, vm0, $0xb8;
	[tilespmem:$0x10100] =	vst v63  }
0xce: {  	s10 =	simm.s32 $0xE100  }
0xcf: {  	[tilespmem:s10], [sflag:$0x2] =	stream.indirect_vreg.gather [hbm4b:s1+s3], $0x80, v3, vm0, $0xb8;
	[tilespmem:$0x10100] =	vst v63  }
0xd0: {  	s11 =	simm.s32 $0xE900  }
0xd1: {  	[tilespmem:s11], [sflag:$0x2] =	stream.indirect_vreg.gather [hbm4b:s4+s3], $0x80, v3, vm0, $0xb8;
	[tilespmem:$0x10100] =	vst v63  }
0xd2: {  	s12 =	simm.s32 $0xF100  }
0xd3: {  	[tilespmem:s12], [sflag:$0x2] =	stream.indirect_vreg.gather [hbm4b:s5+s3], $0x80, v3, vm0, $0xb8;
	[tilespmem:$0x10100] =	vst v63  }
0xd4: {  	s29 =	simm.s32 $0xF900  }
0xd5: {  	[tilespmem:s29], [sflag:$0x2] =	stream.indirect_vreg.gather [hbm4b:s6+s3], $0x80, v3, vm0, $0xb8;
	[tilespmem:$0x10100] =	vst v63  }
0xd6: {  	s21 =	rddreg [dreg:$0x7];
	s29 =	simm.s32 $0x100  }
0xd7: {  	[hbm4b:s21+s3] =	stream.linear.scatter [tilespmem:s29], [sflag:$0x3], $0x8000, $0x38;
	[tilespmem:$0x10100] =	vst v63  }
0xd8: {  	_ =	swait.ge [sflag:s18], $0x8000  }
0xd9: {  	[sflag:s18] =	ssyncset.done $0x0  }
0xda: {  	[sflag:s18] =	ssyncadd.s32 $0xFFFF8000  }
0xdb: {  	_ =	swait.ge [sflag:s19], $0x8000  }
0xdc: {  	[sflag:s19] =	ssyncset.done $0x0  }
0xdd: {  	[sflag:s19] =	ssyncadd.s32 $0xFFFF8000  }
0xde: {  	v3 =	vld [tilespmem:$0x80];
	_ =	sdelay $0x4  }
0xdf: {  	v56 =	vshll.u32 v3, $0x3  }
0xe0: {  	v3 =	vand.u32 $0x7, v3;
	v4 =	vand.u32 $0xFFFFFFC0, v56  }
0xe1: {  	v3 =	vor.u32 v3, v4  }
0xe2: {  	v4 =	vperm.xlane v3, v0;
	_ =	sdelay $0x1  }
0xe3: {  	v4 =	vadd.s32 v1, v4;
	_ =	sdelay $0x4  }
0xe4: {  	[tilespmem:s29], [sflag:$0x1] =	stream.indirect_vreg.gather [hbm4b:s1+s3], $0x80, v4, vm0, $0xb8;
	[tilespmem:$0x10100] =	vst v63  }
0xe5: {  	v3 =	vperm.xlane v3, v2  }
0xe6: {  	[tilespmem:s22], [sflag:$0x1] =	stream.indirect_vreg.gather [hbm4b:s4+s3], $0x80, v4, vm0, $0xb8;
	[tilespmem:$0x10100] =	vst v63  }
0xe7: {  	s21 =	simm.s32 $0x1100;
	v3 =	vadd.s32 v1, v3  }
0xe8: {  	[tilespmem:s21], [sflag:$0x1] =	stream.indirect_vreg.gather [hbm4b:s5+s3], $0x80, v4, vm0, $0xb8;
	[tilespmem:$0x10100] =	vst v63  }
0xe9: {  	_ = 	snop  }
0xea: {  	[tilespmem:s24], [sflag:$0x1] =	stream.indirect_vreg.gather [hbm4b:s6+s3], $0x80, v4, vm0, $0xb8;
	[tilespmem:$0x10100] =	vst v63  }
0xeb: {  	_ = 	snop  }
0xec: {  	[tilespmem:s23], [sflag:$0x1] =	stream.indirect_vreg.gather [hbm4b:s1+s3], $0x80, v3, vm0, $0xb8;
	[tilespmem:$0x10100] =	vst v63  }
0xed: {  	_ = 	snop  }
0xee: {  	[tilespmem:s28], [sflag:$0x1] =	stream.indirect_vreg.gather [hbm4b:s4+s3], $0x80, v3, vm0, $0xb8;
	[tilespmem:$0x10100] =	vst v63  }
0xef: {  	_ = 	snop  }
0xf0: {  	[tilespmem:s30], [sflag:$0x1] =	stream.indirect_vreg.gather [hbm4b:s5+s3], $0x80, v3, vm0, $0xb8;
	[tilespmem:$0x10100] =	vst v63  }
0xf1: {  	_ = 	snop  }
0xf2: {  	[tilespmem:s31], [sflag:$0x1] =	stream.indirect_vreg.gather [hbm4b:s6+s3], $0x80, v3, vm0, $0xb8;
	[tilespmem:$0x10100] =	vst v63  }
0xf3: {  	v3 =	vld [tilespmem:$0x90];
	_ =	sdelay $0x4  }
0xf4: {  	v57 =	vshll.u32 v3, $0x3  }
0xf5: {  	v3 =	vand.u32 $0x7, v3;
	v4 =	vand.u32 $0xFFFFFFC0, v57  }
0xf6: {  	v3 =	vor.u32 v3, v4  }
0xf7: {  	v4 =	vperm.xlane v3, v0;
	_ =	sdelay $0x1  }
0xf8: {  	v4 =	vadd.s32 v1, v4;
	_ =	sdelay $0x3  }
0xf9: {  	s21 =	simm.s32 $0x4100  }
0xfa: {  	[tilespmem:s21], [sflag:$0x1] =	stream.indirect_vreg.gather [hbm4b:s1+s3], $0x80, v4, vm0, $0xb8;
	[tilespmem:$0x10100] =	vst v63  }
0xfb: {  	v3 =	vperm.xlane v3, v2;
	s21 =	simm.s32 $0x4900  }
0xfc: {  	[tilespmem:s21], [sflag:$0x1] =	stream.indirect_vreg.gather [hbm4b:s4+s3], $0x80, v4, vm0, $0xb8;
	[tilespmem:$0x10100] =	vst v63  }
0xfd: {  	v3 =	vadd.s32 v1, v3;
	s21 =	simm.s32 $0x5100  }
0xfe: {  	[tilespmem:s21], [sflag:$0x1] =	stream.indirect_vreg.gather [hbm4b:s5+s3], $0x80, v4, vm0, $0xb8;
	[tilespmem:$0x10100] =	vst v63  }
0xff: {  	_ = 	snop  }
0x100: {  	[tilespmem:s13], [sflag:$0x1] =	stream.indirect_vreg.gather [hbm4b:s6+s3], $0x80, v4, vm0, $0xb8;
	[tilespmem:$0x10100] =	vst v63  }
0x101: {  	_ = 	snop  }
0x102: {  	[tilespmem:s14], [sflag:$0x1] =	stream.indirect_vreg.gather [hbm4b:s1+s3], $0x80, v3, vm0, $0xb8;
	[tilespmem:$0x10100] =	vst v63  }
0x103: {  	_ = 	snop  }
0x104: {  	[tilespmem:s16], [sflag:$0x1] =	stream.indirect_vreg.gather [hbm4b:s4+s3], $0x80, v3, vm0, $0xb8;
	[tilespmem:$0x10100] =	vst v63  }
0x105: {  	_ = 	snop  }
0x106: {  	[tilespmem:s17], [sflag:$0x1] =	stream.indirect_vreg.gather [hbm4b:s5+s3], $0x80, v3, vm0, $0xb8;
	[tilespmem:$0x10100] =	vst v63  }
0x107: {  	s13 =	simm.s32 $0x7900  }
0x108: {  	[tilespmem:s13], [sflag:$0x1] =	stream.indirect_vreg.gather [hbm4b:s6+s3], $0x80, v3, vm0, $0xb8;
	[tilespmem:$0x10100] =	vst v63  }
0x109: {  	s21 =	rddreg [dreg:$0x8]  }
0x10a: {  	[hbm4b:s21+s3] =	stream.linear.scatter [tilespmem:s2], [sflag:$0x4], $0x8000, $0x38;
	[tilespmem:$0x10100] =	vst v63  }
0x10b: {  	_ =	swait.ge [sflag:s25], $0x8000  }
0x10c: {  	[sflag:s25] =	ssyncset.done $0x0  }
0x10d: {  	[sflag:s25] =	ssyncadd.s32 $0xFFFF8000  }
0x10e: {  	_ =	swait.ge [sflag:s20], $0x8000  }
0x10f: {  	[sflag:s20] =	ssyncset.done $0x0  }
0x110: {  	[sflag:s20] =	ssyncadd.s32 $0xFFFF8000  }
0x111: {  	v3 =	vld [tilespmem:$0xA0];
	_ =	sdelay $0x4  }
0x112: {  	v58 =	vshll.u32 v3, $0x3  }
0x113: {  	v3 =	vand.u32 $0x7, v3;
	v4 =	vand.u32 $0xFFFFFFC0, v58  }
0x114: {  	v3 =	vor.u32 v3, v4  }
0x115: {  	v4 =	vperm.xlane v3, v0;
	_ =	sdelay $0x1  }
0x116: {  	v4 =	vadd.s32 v1, v4;
	_ =	sdelay $0x4  }
0x117: {  	[tilespmem:s2], [sflag:$0x2] =	stream.indirect_vreg.gather [hbm4b:s1+s3], $0x80, v4, vm0, $0xb8;
	[tilespmem:$0x10100] =	vst v63  }
0x118: {  	s13 =	simm.s32 $0x8900;
	v3 =	vperm.xlane v3, v2  }
0x119: {  	[tilespmem:s13], [sflag:$0x2] =	stream.indirect_vreg.gather [hbm4b:s4+s3], $0x80, v4, vm0, $0xb8;
	[tilespmem:$0x10100] =	vst v63  }
0x11a: {  	v3 =	vadd.s32 v1, v3;
	s13 =	simm.s32 $0x9100  }
0x11b: {  	[tilespmem:s13], [sflag:$0x2] =	stream.indirect_vreg.gather [hbm4b:s5+s3], $0x80, v4, vm0, $0xb8;
	[tilespmem:$0x10100] =	vst v63  }
0x11c: {  	s21 =	simm.s32 $0x9900  }
0x11d: {  	[tilespmem:s21], [sflag:$0x2] =	stream.indirect_vreg.gather [hbm4b:s6+s3], $0x80, v4, vm0, $0xb8;
	[tilespmem:$0x10100] =	vst v63  }
0x11e: {  	_ = 	snop  }
0x11f: {  	[tilespmem:s15], [sflag:$0x2] =	stream.indirect_vreg.gather [hbm4b:s1+s3], $0x80, v3, vm0, $0xb8;
	[tilespmem:$0x10100] =	vst v63  }
0x120: {  	_ = 	snop  }
0x121: {  	[tilespmem:s0], [sflag:$0x2] =	stream.indirect_vreg.gather [hbm4b:s4+s3], $0x80, v3, vm0, $0xb8;
	[tilespmem:$0x10100] =	vst v63  }
0x122: {  	_ = 	snop  }
0x123: {  	[tilespmem:s26], [sflag:$0x2] =	stream.indirect_vreg.gather [hbm4b:s5+s3], $0x80, v3, vm0, $0xb8;
	[tilespmem:$0x10100] =	vst v63  }
0x124: {  	s0 =	simm.s32 $0xB900  }
0x125: {  	[tilespmem:s0], [sflag:$0x2] =	stream.indirect_vreg.gather [hbm4b:s6+s3], $0x80, v3, vm0, $0xb8;
	[tilespmem:$0x10100] =	vst v63  }
0x126: {  	v3 =	vld [tilespmem:$0xB0];
	_ =	sdelay $0x4  }
0x127: {  	v59 =	vshll.u32 v3, $0x3  }
0x128: {  	v3 =	vand.u32 $0x7, v3;
	v4 =	vand.u32 $0xFFFFFFC0, v59  }
0x129: {  	v3 =	vor.u32 v3, v4  }
0x12a: {  	v4 =	vperm.xlane v3, v0;
	_ =	sdelay $0x1  }
0x12b: {  	v4 =	vadd.s32 v1, v4;
	_ =	sdelay $0x3  }
0x12c: {  	s0 =	simm.s32 $0xC100  }
0x12d: {  	[tilespmem:s0], [sflag:$0x2] =	stream.indirect_vreg.gather [hbm4b:s1+s3], $0x80, v4, vm0, $0xb8;
	[tilespmem:$0x10100] =	vst v63  }
0x12e: {  	v3 =	vperm.xlane v3, v2;
	s0 =	simm.s32 $0xC900  }
0x12f: {  	[tilespmem:s0], [sflag:$0x2] =	stream.indirect_vreg.gather [hbm4b:s4+s3], $0x80, v4, vm0, $0xb8;
	[tilespmem:$0x10100] =	vst v63  }
0x130: {  	v3 =	vadd.s32 v1, v3  }
0x131: {  	[tilespmem:s8], [sflag:$0x2] =	stream.indirect_vreg.gather [hbm4b:s5+s3], $0x80, v4, vm0, $0xb8;
	[tilespmem:$0x10100] =	vst v63  }
0x132: {  	_ = 	snop  }
0x133: {  	[tilespmem:s9], [sflag:$0x2] =	stream.indirect_vreg.gather [hbm4b:s6+s3], $0x80, v4, vm0, $0xb8;
	[tilespmem:$0x10100] =	vst v63  }
0x134: {  	_ = 	snop  }
0x135: {  	[tilespmem:s10], [sflag:$0x2] =	stream.indirect_vreg.gather [hbm4b:s1+s3], $0x80, v3, vm0, $0xb8;
	[tilespmem:$0x10100] =	vst v63  }
0x136: {  	_ = 	snop  }
0x137: {  	[tilespmem:s11], [sflag:$0x2] =	stream.indirect_vreg.gather [hbm4b:s4+s3], $0x80, v3, vm0, $0xb8;
	[tilespmem:$0x10100] =	vst v63  }
0x138: {  	_ = 	snop  }
0x139: {  	[tilespmem:s12], [sflag:$0x2] =	stream.indirect_vreg.gather [hbm4b:s5+s3], $0x80, v3, vm0, $0xb8;
	[tilespmem:$0x10100] =	vst v63  }
0x13a: {  	s0 =	simm.s32 $0xF900  }
0x13b: {  	[tilespmem:s0], [sflag:$0x2] =	stream.indirect_vreg.gather [hbm4b:s6+s3], $0x80, v3, vm0, $0xb8;
	[tilespmem:$0x10100] =	vst v63  }
0x13c: {  	s29 =	simm.s32 $0x100;
	s21 =	rddreg [dreg:$0x9]  }
0x13d: {  	[hbm4b:s21+s3] =	stream.linear.scatter [tilespmem:s29], [sflag:$0x3], $0x8000, $0x38;
	[tilespmem:$0x10100] =	vst v63  }
0x13e: {  	_ =	swait.ge [sflag:s18], $0x8000  }
0x13f: {  	[sflag:s18] =	ssyncset.done $0x0  }
0x140: {  	[sflag:s18] =	ssyncadd.s32 $0xFFFF8000  }
0x141: {  	_ =	swait.ge [sflag:s19], $0x8000  }
0x142: {  	[sflag:s19] =	ssyncset.done $0x0  }
0x143: {  	[sflag:s19] =	ssyncadd.s32 $0xFFFF8000  }
0x144: {  	v3 =	vld [tilespmem:$0xC0];
	_ =	sdelay $0x4  }
0x145: {  	v60 =	vshll.u32 v3, $0x3  }
0x146: {  	v3 =	vand.u32 $0x7, v3;
	v4 =	vand.u32 $0xFFFFFFC0, v60  }
0x147: {  	v3 =	vor.u32 v3, v4  }
0x148: {  	v4 =	vperm.xlane v3, v0;
	_ =	sdelay $0x1  }
0x149: {  	v4 =	vadd.s32 v1, v4;
	_ =	sdelay $0x4  }
0x14a: {  	[tilespmem:s29], [sflag:$0x1] =	stream.indirect_vreg.gather [hbm4b:s1+s3], $0x80, v4, vm0, $0xb8;
	[tilespmem:$0x10100] =	vst v63  }
0x14b: {  	s22 =	simm.s32 $0x900;
	v3 =	vperm.xlane v3, v2  }
0x14c: {  	[tilespmem:s22], [sflag:$0x1] =	stream.indirect_vreg.gather [hbm4b:s4+s3], $0x80, v4, vm0, $0xb8;
	[tilespmem:$0x10100] =	vst v63  }
0x14d: {  	v3 =	vadd.s32 v1, v3;
	s22 =	simm.s32 $0x1100  }
0x14e: {  	[tilespmem:s22], [sflag:$0x1] =	stream.indirect_vreg.gather [hbm4b:s5+s3], $0x80, v4, vm0, $0xb8;
	[tilespmem:$0x10100] =	vst v63  }
0x14f: {  	s24 =	simm.s32 $0x1900  }
0x150: {  	[tilespmem:s24], [sflag:$0x1] =	stream.indirect_vreg.gather [hbm4b:s6+s3], $0x80, v4, vm0, $0xb8;
	[tilespmem:$0x10100] =	vst v63  }
0x151: {  	s23 =	simm.s32 $0x2100  }
0x152: {  	[tilespmem:s23], [sflag:$0x1] =	stream.indirect_vreg.gather [hbm4b:s1+s3], $0x80, v3, vm0, $0xb8;
	[tilespmem:$0x10100] =	vst v63  }
0x153: {  	s28 =	simm.s32 $0x2900  }
0x154: {  	[tilespmem:s28], [sflag:$0x1] =	stream.indirect_vreg.gather [hbm4b:s4+s3], $0x80, v3, vm0, $0xb8;
	[tilespmem:$0x10100] =	vst v63  }
0x155: {  	s30 =	simm.s32 $0x3100  }
0x156: {  	[tilespmem:s30], [sflag:$0x1] =	stream.indirect_vreg.gather [hbm4b:s5+s3], $0x80, v3, vm0, $0xb8;
	[tilespmem:$0x10100] =	vst v63  }
0x157: {  	s31 =	simm.s32 $0x3900  }
0x158: {  	[tilespmem:s31], [sflag:$0x1] =	stream.indirect_vreg.gather [hbm4b:s6+s3], $0x80, v3, vm0, $0xb8;
	[tilespmem:$0x10100] =	vst v63  }
0x159: {  	v3 =	vld [tilespmem:$0xD0];
	_ =	sdelay $0x4  }
0x15a: {  	v61 =	vshll.u32 v3, $0x3  }
0x15b: {  	v3 =	vand.u32 $0x7, v3;
	v4 =	vand.u32 $0xFFFFFFC0, v61  }
0x15c: {  	v3 =	vor.u32 v3, v4  }
0x15d: {  	v4 =	vperm.xlane v3, v0;
	_ =	sdelay $0x1  }
0x15e: {  	v4 =	vadd.s32 v1, v4;
	_ =	sdelay $0x3  }
0x15f: {  	s24 =	simm.s32 $0x4100  }
0x160: {  	[tilespmem:s24], [sflag:$0x1] =	stream.indirect_vreg.gather [hbm4b:s1+s3], $0x80, v4, vm0, $0xb8;
	[tilespmem:$0x10100] =	vst v63  }
0x161: {  	s28 =	simm.s32 $0x4900;
	v3 =	vperm.xlane v3, v2  }
0x162: {  	[tilespmem:s28], [sflag:$0x1] =	stream.indirect_vreg.gather [hbm4b:s4+s3], $0x80, v4, vm0, $0xb8;
	[tilespmem:$0x10100] =	vst v63  }
0x163: {  	s30 =	simm.s32 $0x5100;
	v3 =	vadd.s32 v1, v3  }
0x164: {  	[tilespmem:s30], [sflag:$0x1] =	stream.indirect_vreg.gather [hbm4b:s5+s3], $0x80, v4, vm0, $0xb8;
	[tilespmem:$0x10100] =	vst v63  }
0x165: {  	s31 =	simm.s32 $0x5900  }
0x166: {  	[tilespmem:s31], [sflag:$0x1] =	stream.indirect_vreg.gather [hbm4b:s6+s3], $0x80, v4, vm0, $0xb8;
	[tilespmem:$0x10100] =	vst v63  }
0x167: {  	s14 =	simm.s32 $0x6100  }
0x168: {  	[tilespmem:s14], [sflag:$0x1] =	stream.indirect_vreg.gather [hbm4b:s1+s3], $0x80, v3, vm0, $0xb8;
	[tilespmem:$0x10100] =	vst v63  }
0x169: {  	s16 =	simm.s32 $0x6900  }
0x16a: {  	[tilespmem:s16], [sflag:$0x1] =	stream.indirect_vreg.gather [hbm4b:s4+s3], $0x80, v3, vm0, $0xb8;
	[tilespmem:$0x10100] =	vst v63  }
0x16b: {  	s17 =	simm.s32 $0x7100  }
0x16c: {  	[tilespmem:s17], [sflag:$0x1] =	stream.indirect_vreg.gather [hbm4b:s5+s3], $0x80, v3, vm0, $0xb8;
	[tilespmem:$0x10100] =	vst v63  }
0x16d: {  	s16 =	simm.s32 $0x7900  }
0x16e: {  	[tilespmem:s16], [sflag:$0x1] =	stream.indirect_vreg.gather [hbm4b:s6+s3], $0x80, v3, vm0, $0xb8;
	[tilespmem:$0x10100] =	vst v63  }
0x16f: {  	s14 =	rddreg [dreg:$0xa]  }
0x170: {  	[hbm4b:s14+s3] =	stream.linear.scatter [tilespmem:s2], [sflag:$0x4], $0x8000, $0x38;
	[tilespmem:$0x10100] =	vst v63  }
0x171: {  	_ =	swait.ge [sflag:s25], $0x8000  }
0x172: {  	[sflag:s25] =	ssyncset.done $0x0  }
0x173: {  	[sflag:s25] =	ssyncadd.s32 $0xFFFF8000  }
0x174: {  	_ =	swait.ge [sflag:s20], $0x8000  }
0x175: {  	[sflag:s20] =	ssyncset.done $0x0  }
0x176: {  	[sflag:s20] =	ssyncadd.s32 $0xFFFF8000  }
0x177: {  	v3 =	vld [tilespmem:$0xE0];
	_ =	sdelay $0x4  }
0x178: {  	v62 =	vshll.u32 v3, $0x3  }
0x179: {  	v3 =	vand.u32 $0x7, v3;
	v4 =	vand.u32 $0xFFFFFFC0, v62  }
0x17a: {  	v3 =	vor.u32 v3, v4  }
0x17b: {  	v4 =	vperm.xlane v3, v0;
	_ =	sdelay $0x1  }
0x17c: {  	v4 =	vadd.s32 v1, v4;
	_ =	sdelay $0x4  }
0x17d: {  	[tilespmem:s2], [sflag:$0x2] =	stream.indirect_vreg.gather [hbm4b:s1+s3], $0x80, v4, vm0, $0xb8;
	[tilespmem:$0x10100] =	vst v63  }
0x17e: {  	s17 =	simm.s32 $0x8900;
	v3 =	vperm.xlane v3, v2  }
0x17f: {  	[tilespmem:s17], [sflag:$0x2] =	stream.indirect_vreg.gather [hbm4b:s4+s3], $0x80, v4, vm0, $0xb8;
	[tilespmem:$0x10100] =	vst v63  }
0x180: {  	s13 =	simm.s32 $0x9100;
	v3 =	vadd.s32 v1, v3  }
0x181: {  	[tilespmem:s13], [sflag:$0x2] =	stream.indirect_vreg.gather [hbm4b:s5+s3], $0x80, v4, vm0, $0xb8;
	[tilespmem:$0x10100] =	vst v63  }
0x182: {  	s21 =	simm.s32 $0x9900  }
0x183: {  	[tilespmem:s21], [sflag:$0x2] =	stream.indirect_vreg.gather [hbm4b:s6+s3], $0x80, v4, vm0, $0xb8;
	[tilespmem:$0x10100] =	vst v63  }
0x184: {  	s15 =	simm.s32 $0xA100  }
0x185: {  	[tilespmem:s15], [sflag:$0x2] =	stream.indirect_vreg.gather [hbm4b:s1+s3], $0x80, v3, vm0, $0xb8;
	[tilespmem:$0x10100] =	vst v63  }
0x186: {  	s22 =	simm.s32 $0xA900  }
0x187: {  	[tilespmem:s22], [sflag:$0x2] =	stream.indirect_vreg.gather [hbm4b:s4+s3], $0x80, v3, vm0, $0xb8;
	[tilespmem:$0x10100] =	vst v63  }
0x188: {  	s26 =	simm.s32 $0xB100  }
0x189: {  	[tilespmem:s26], [sflag:$0x2] =	stream.indirect_vreg.gather [hbm4b:s5+s3], $0x80, v3, vm0, $0xb8;
	[tilespmem:$0x10100] =	vst v63  }
0x18a: {  	s23 =	simm.s32 $0xB900  }
0x18b: {  	[tilespmem:s23], [sflag:$0x2] =	stream.indirect_vreg.gather [hbm4b:s6+s3], $0x80, v3, vm0, $0xb8;
	[tilespmem:$0x10100] =	vst v63  }
0x18c: {  	v3 =	vld [tilespmem:$0xF0];
	_ =	sdelay $0x4  }
0x18d: {  	v63 =	vshll.u32 v3, $0x3  }
0x18e: {  	v3 =	vand.u32 $0x7, v3;
	v4 =	vand.u32 $0xFFFFFFC0, v63  }
0x18f: {  	v3 =	vor.u32 v3, v4  }
0x190: {  	v4 =	vperm.xlane v3, v0;
	_ =	sdelay $0x1  }
0x191: {  	v4 =	vadd.s32 v1, v4;
	_ =	sdelay $0x3  }
0x192: {  	s24 =	simm.s32 $0xC100  }
0x193: {  	[tilespmem:s24], [sflag:$0x2] =	stream.indirect_vreg.gather [hbm4b:s1+s3], $0x80, v4, vm0, $0xb8;
	[tilespmem:$0x10100] =	vst v63  }
0x194: {  	s26 =	simm.s32 $0xC900;
	v3 =	vperm.xlane v3, v2  }
0x195: {  	[tilespmem:s26], [sflag:$0x2] =	stream.indirect_vreg.gather [hbm4b:s4+s3], $0x80, v4, vm0, $0xb8;
	[tilespmem:$0x10100] =	vst v63  }
0x196: {  	s8 =	simm.s32 $0xD100;
	v3 =	vadd.s32 v1, v3  }
0x197: {  	[tilespmem:s8], [sflag:$0x2] =	stream.indirect_vreg.gather [hbm4b:s5+s3], $0x80, v4, vm0, $0xb8;
	[tilespmem:$0x10100] =	vst v63  }
0x198: {  	s9 =	simm.s32 $0xD900  }
0x199: {  	[tilespmem:s9], [sflag:$0x2] =	stream.indirect_vreg.gather [hbm4b:s6+s3], $0x80, v4, vm0, $0xb8;
	[tilespmem:$0x10100] =	vst v63  }
0x19a: {  	s10 =	simm.s32 $0xE100  }
0x19b: {  	[tilespmem:s10], [sflag:$0x2] =	stream.indirect_vreg.gather [hbm4b:s1+s3], $0x80, v3, vm0, $0xb8;
	[tilespmem:$0x10100] =	vst v63  }
0x19c: {  	s11 =	simm.s32 $0xE900  }
0x19d: {  	[tilespmem:s11], [sflag:$0x2] =	stream.indirect_vreg.gather [hbm4b:s4+s3], $0x80, v3, vm0, $0xb8;
	[tilespmem:$0x10100] =	vst v63  }
0x19e: {  	s12 =	simm.s32 $0xF100  }
0x19f: {  	[tilespmem:s12], [sflag:$0x2] =	stream.indirect_vreg.gather [hbm4b:s5+s3], $0x80, v3, vm0, $0xb8;
	[tilespmem:$0x10100] =	vst v63  }
0x1a0: {  	s30 =	simm.s32 $0xF900  }
0x1a1: {  	[tilespmem:s30], [sflag:$0x2] =	stream.indirect_vreg.gather [hbm4b:s6+s3], $0x80, v3, vm0, $0xb8;
	[tilespmem:$0x10100] =	vst v63  }
0x1a2: {  	s28 =	rddreg [dreg:$0xb]  }
0x1a3: {  	[hbm4b:s28+s3] =	stream.linear.scatter [tilespmem:s29], [sflag:$0x3], $0x8000, $0x38;
	[tilespmem:$0x10100] =	vst v63  }
0x1a4: {  	_ =	swait.ge [sflag:s18], $0x8000  }
0x1a5: {  	[sflag:s18] =	ssyncset.done $0x0  }
0x1a6: {  	s31 =	rddreg [dreg:$0xc];
	[sflag:s18] =	ssyncadd.s32 $0xFFFF8000  }
0x1a7: {  	[hbm4b:s31+s3] =	stream.linear.scatter [tilespmem:s2], [sflag:$0x4], $0x8000, $0x38;
	[tilespmem:$0x10100] =	vst v63  }
0x1a8: {  	p0 =	sne.s32 s7, $0x1;
	_ =	swait.ge [sflag:s19], $0x8000  }
.Ltmp0:
0x1a9: {  	[sflag:s19] =	ssyncset.done $0x0;
	(pc) =	sbr.rel @p0 .LBB2_1-.Ltmp0, $4  }
0x1aa: {  	[sflag:s19] =	ssyncadd.s32 $0xFFFF8000  }
0x1ab: {  	_ =	swait.ge [sflag:s20], $0x8000  }
0x1ac: {  	[sflag:s20] =	ssyncset.done $0x0  }
0x1ad: {  	s7 =	sadd.s32 $0xFFFFFFFF, s7;
	[sflag:s20] =	ssyncadd.s32 $0xFFFF8000  }
0x1ae: {  	_ =	sfence.sel $0x180000  }
0x1af: {  	[bflag:$0x0] =	sbarrier.arrive $0xFFFF  }
0x1b0: {  	_ =	strace $0x9000004D  }
0x1b1: {  	s0 =	stileid.u32;
	[bflag:$0x2] =	sbarrier.arrive $0xFFFF  }
0x1b2: {  	p0 =	sne.s32 s0, $0x0;
	s0 =	rddreg [dreg:$0x3]  }
0x1b3: {  	s0 =	sadd.s32 @!p0 $0x100000, s0  }
0x1b4: {  	[sflag:s0] =	ssyncadd.tile.s32 @!p0 $0x1;
	_ =	shalt  }
.Lfunc_end2:
_tile_overlayer_lowered:
.L_overlay_start_2:
0x1b5: {  	(tag) =	ssettag $0x2  }
0x1b6: {  	s0 =	rddreg [dreg:$0x0];
	s2 =	stileid.u32  }
0x1b7: {  	s1 =	rddreg [dreg:$0x1];
	p0 =	sne.s32 s2, $0x0  }
0x1b8: {  	s3 =	rddreg [dreg:$0x2];
	[bflag:$0x3] =	sbarrier.arrive $0xFFFF;
	s2 =	simm.s32 @!p0 $0x1C05  }
0x1b9: {  	[timem:s3], [sflag:s2] =	dma.local @!p0 [hbm:s0], s1  }
0x1ba: {  	s0 =	simm.s32 @!p0 $0x5  }
0x1bb: {  	_ =	swait.ge @!p0 [sflag:s0], s1  }
0x1bc: {  	s1 =	ssub.s32 @!p0 $0x0, s1;
	[sflag:s0] =	ssyncset.done @!p0 $0x0  }
0x1bd: {  	[sflag:s0] =	ssyncadd.s32 @!p0 s1  }
0x1be: {  	[bflag:$0x3] =	sbarrier.arrive $0xFFFF  }
0x1bf: {  	_ =	shalt  }

// kernel: kernel.9.cloned.1.call-start
scs
__scs_entry_jumppad:
0x0: {  	(pc) =	sbr.rel $0x88, $3  }
0x1: {  	(tag) =	ssettag $0x0;
	lr =	simm.s32 $0x1  }
0x2: {  	[smem:$0x3F9D] =	sst lr;
	_ =	strace $0xD0000000  }
0x3: {  	_ = 	snop  }
0x4: {  	_ = 	snop  }
0x5: {  	_ = 	snop  }
0x6: {  	_ = 	snop  }
0x7: {  	_ = 	snop  }
__scs_overlays_trampoline_lowered:
0x8: {  	[smem:$0x3FAC] =	sst s0  }
0x9: {  	[smem:$0x3FAD] =	sst s1  }
0xa: {  	[smem:$0x3FAE] =	sst s2  }
0xb: {  	[smem:$0x3FAF] =	sst s3  }
0xc: {  	[smem:$0x3FB0] =	sst s4  }
0xd: {  	[smem:$0x3FB1] =	sst s5  }
0xe: {  	[smem:$0x3FB2] =	sst s6  }
0xf: {  	[smem:$0x3FB3] =	sst s7  }
0x10: {  	[smem:$0x3FB4] =	sst s8  }
0x11: {  	[smem:$0x3FB5] =	sst s9;
	s0 =	simm.s32 @!p0 $0x0  }
0x12: {  	s1 =	sld [smem:$0x3F9B];
	s0 =	simm.s32 @p0 $0x1  }
0x13: {  	[smem:$0x3FB6] =	sst s0;
	s0 =	simm.s32 @!p1 $0x0  }
0x14: {  	s2 =	sld [smem:$0x3F9A];
	s0 =	simm.s32 @p1 $0x1  }
0x15: {  	[smem:$0x3FB7] =	sst s0;
	s0 =	simm.s32 @!p2 $0x0  }
0x16: {  	s3 =	sld [smem:$0x3FDB];
	s0 =	simm.s32 @p2 $0x1  }
0x17: {  	s4 =	simm.s32 $0x1BF5;
	[smem:$0x3FB9] =	sst s0  }
0x18: {  	s0 =	sld [smem:$0x3F9C];
	_ =	swait.ge [sflag:s4], $0x0  }
0x19: {  	s7 =	sld [smem:$0x3F9D]  }
0x1a: {  	s8 =	sadd.s32 $0xFFFFE003, lr  }
0x1b: {  	s9 =	sadd.s32 $0xFFFFFEF7, lr;
	s5 =	simm.s32 $0xFFFFFFFF;
	p2 =	slt.u32 s8, $0xFFFFF086  }
0x1c: {  	p1 =	slt.u32 s9, $0xF7A;
	s5 =	simm.s32 @!p2 $0x0  }
0x1d: {  	s5 =	simm.s32 @p1 $0x1;
	p0 =	seq.s32 s7, s2  }
0x1e: {  	s7 =	smul.u32 @!p0 $0xF7A, s2;
	p2 =	seq.s32 @!p0 s5, $0x0  }
0x1f: {  	s9 =	smul.u32 $0xF7A, s1;
	s8 =	simm.s32 @!p0 $0x1BF5;
	p2 =	por !p2, p0  }
0x20: {  	[sflag:s8] =	ssyncset.s32 @!p0 $0xFFFFF086;
	s6 =	sadd.s32 @!p0 s3, s7;
	s7 =	simm.s32 @!p0 $0x108  }
0x21: {  	s3 =	sadd.s32 s3, s9;
	s6 =	sadd.s32 @!p0 $0x88, s6;
	s7 =	simm.s32 @p2 $0x1082  }
0x22: {  	[simem:s7], [sflag:s8] =	dma.local @!p0 [hbm:s6], $0xF7A  }
0x23: {  	s9 =	sor.u32 $0xD0000000, s2;
	s6 =	simm.s32 $0x108;
	_ =	swait.ge @!p0 [sflag:s8], $0x0  }
0x24: {  	s3 =	sadd.s32 $0x88, s3;
	s6 =	simm.s32 @!p1 $0x1082;
	[sflag:s4] =	ssyncset.s32 $0xFFFFF086  }
0x25: {  	[simem:s6], [sflag:s4] =	dma.local [hbm:s3], $0xF7A  }
0x26: {  	[smem:$0x3F9D] =	sst s1;
	(tag) =	ssettag s2;
	_ =	strace s9  }
0x27: {  	s1 =	sld [smem:$0x3FAD]  }
0x28: {  	s2 =	sld [smem:$0x3FAE]  }
0x29: {  	s4 =	sld [smem:$0x3FB0]  }
0x2a: {  	p0 =	seq.s32 s5, $0x0;
	s5 =	sld [smem:$0x3FB1]  }
0x2b: {  	s6 =	sld [smem:$0x3FB2]  }
0x2c: {  	s7 =	sld [smem:$0x3FB3]  }
0x2d: {  	s3 =	simm.s32 $0x108;
	s8 =	sld [smem:$0x3FB4]  }
0x2e: {  	s3 =	simm.s32 @!p0 $0x1082;
	s9 =	sld [smem:$0x3FB5]  }
0x2f: {  	lr =	sadd.s32 s0, s3;
	s0 =	sld [smem:$0x3FAC]  }
0x30: {  	s3 =	sld [smem:$0x3FAF]  }
0x31: {  	[smem:$0x3FB8] =	sst s10  }
0x32: {  	s10 =	sld [smem:$0x3FB6];
	_ =	sdelay $0x3  }
0x33: {  	p0 =	seq.s32 s10, $0x1;
	s10 =	sld [smem:$0x3FB8];
	_ =	sdelay $0x3  }
0x34: {  	[smem:$0x3FB8] =	sst s10  }
0x35: {  	s10 =	sld [smem:$0x3FB7];
	_ =	sdelay $0x3  }
0x36: {  	p1 =	seq.s32 s10, $0x1;
	s10 =	sld [smem:$0x3FB8];
	_ =	sdelay $0x3  }
0x37: {  	[smem:$0x3FB8] =	sst s10  }
0x38: {  	s10 =	sld [smem:$0x3FB9]  }
0x39: {  	_ = 	snop;
	(pc) =	sbr.ind lr, $3  }
0x3a: {  	_ = 	snop  }
0x3b: {  	_ = 	snop  }
0x3c: {  	p2 =	seq.s32 s10, $0x1;
	s10 =	sld [smem:$0x3FB8]  }
0x3d: {  	_ =	shalt  }
0x3e: {  	_ =	shalt  }
0x3f: {  	_ =	shalt  }
0x40: {  	_ =	shalt  }
0x41: {  	_ =	shalt  }
0x42: {  	_ =	shalt  }
0x43: {  	_ =	shalt  }
0x44: {  	_ =	shalt  }
0x45: {  	_ =	shalt  }
0x46: {  	_ =	shalt  }
0x47: {  	_ =	shalt  }
0x48: {  	_ =	shalt  }
0x49: {  	_ =	shalt  }
0x4a: {  	_ =	shalt  }
0x4b: {  	_ =	shalt  }
0x4c: {  	_ =	shalt  }
0x4d: {  	_ =	shalt  }
0x4e: {  	_ =	shalt  }
0x4f: {  	_ =	shalt  }
0x50: {  	_ =	shalt  }
0x51: {  	_ =	shalt  }
0x52: {  	_ =	shalt  }
0x53: {  	_ =	shalt  }
0x54: {  	_ =	shalt  }
0x55: {  	_ =	shalt  }
0x56: {  	_ =	shalt  }
0x57: {  	_ =	shalt  }
0x58: {  	_ =	shalt  }
0x59: {  	_ =	shalt  }
0x5a: {  	_ =	shalt  }
0x5b: {  	_ =	shalt  }
0x5c: {  	_ =	shalt  }
0x5d: {  	_ =	shalt  }
0x5e: {  	_ =	shalt  }
0x5f: {  	_ =	shalt  }
0x60: {  	_ =	shalt  }
0x61: {  	_ =	shalt  }
0x62: {  	_ =	shalt  }
0x63: {  	_ =	shalt  }
0x64: {  	_ =	shalt  }
0x65: {  	_ =	shalt  }
0x66: {  	_ =	shalt  }
0x67: {  	_ =	shalt  }
0x68: {  	_ =	shalt  }
0x69: {  	_ =	shalt  }
0x6a: {  	_ =	shalt  }
0x6b: {  	_ =	shalt  }
0x6c: {  	_ =	shalt  }
0x6d: {  	_ =	shalt  }
0x6e: {  	_ =	shalt  }
0x6f: {  	_ =	shalt  }
0x70: {  	_ =	shalt  }
0x71: {  	_ =	shalt  }
0x72: {  	_ =	shalt  }
0x73: {  	_ =	shalt  }
0x74: {  	_ =	shalt  }
0x75: {  	_ =	shalt  }
0x76: {  	_ =	shalt  }
0x77: {  	_ =	shalt  }
0x78: {  	_ =	shalt  }
0x79: {  	_ =	shalt  }
0x7a: {  	_ =	shalt  }
0x7b: {  	_ =	shalt  }
0x7c: {  	_ =	shalt  }
0x7d: {  	_ =	shalt  }
0x7e: {  	_ =	shalt  }
0x7f: {  	_ =	shalt  }
0x80: {  	_ =	shalt  }
0x81: {  	_ =	shalt  }
0x82: {  	_ =	shalt  }
0x83: {  	_ =	shalt  }
0x84: {  	_ =	shalt  }
0x85: {  	_ =	shalt  }
0x86: {  	_ =	shalt  }
0x87: {  	_ =	shalt  }
.Lfunc_end0:
.L_simem_size_0:
called_computation_lowered:
.L_overlay_start_0:
0x88: {  	s2 =	sld [smem:$0x3FD9]  }
0x89: {  	s3 =	sld [smem:$0x3FFE];
	_ =	sdelay $0x1  }
0x8a: {  	s1 =	srdreg.scid  }
0x8b: {  	s0 =	sand.u32 $0x1, s1  }
0x8c: {  	s14 =	sshll.u32 s0, $0xA;
	s2 =	sadd.s32 s3, s2  }
0x8d: {  	s2 =	sadd.s32 s2, s14  }
0x8e: {  	[smem:$0x3FC4] =	sst s2  }
0x8f: {  	_ = 	snop  }
0x90: {  	s2 =	sld [smem:$0x3FD0];
	_ =	sdelay $0x2  }
0x91: {  	s4 =	simm.s32 $0xA;
	s5 =	simm.s32 $0x10;
	s15 =	sld [smem:$0x3FC8]  }
0x92: {  	[smem:s5], [sflag:s4] =	dma.local [hbm:s2], $0x1  }
0x93: {  	_ =	swait.eq [sflag:s4], $0x1  }
0x94: {  	[sflag:s4] =	ssyncset.done $0x0  }
0x95: {  	[sflag:s4] =	ssyncadd.s32 $0xFFFFFFFF  }
0x96: {  	s16 =	sld [smem:$0x10];
	(tm) =	ssettm $0x1  }
0x97: {  	s17 =	sld [smem:$0x3FFB];
	_ =	sdelay $0x3  }
0x98: {  	_ =	strace s17  }
0x99: {  	s4 =	sld [smem:$0x3FFC];
	_ =	sdelay $0x3  }
0x9a: {  	_ =	strace s4  }
0x9b: {  	s4 =	sld [smem:$0x3FFD];
	_ =	sdelay $0x3  }
0x9c: {  	_ =	strace s4  }
0x9d: {  	_ =	strace $0x8FFFFFFF  }
0x9e: {  	s18 =	sld [smem:$0x3FDB];
	_ =	sdelay $0x1  }
0x9f: {  	s19 =	simm.s32 $_scs_section_size  }
0xa0: {  	s6 =	simm.s32 $_size__tile_overlayer_lowered;
	s7 =	simm.s32 $_tile_overlayer_lowered  }
0xa1: {  	s22 =	simm.s32 $0x1BFF;
	s21 =	sshll.u32 s7, $0x1;
	s4 =	sadd.s32 s19, s18  }
0xa2: {  	s8 =	simm.s32 $0x0;
	s20 =	sshll.u32 s6, $0x1;
	s6 =	sadd.s32 s21, s4  }
0xa3: {  	[timem:s8], [sflag:s22] =	dma.local [hbm:s6], s20  }
0xa4: {  	_ =	swait.ge [sflag:s22], s20  }
0xa5: {  	s5 =	ssub.s32 $0x0, s20;
	[sflag:s22] =	ssyncset.done $0x0  }
0xa6: {  	[sflag:s22] =	ssyncadd.s32 s5;
	_ =	sdelay $0x1  }
0xa7: {  	s23 =	simm.s32 $0x1B8B  }
0xa8: {  	_ =	swait.ge [sflag:s23], $0x1  }
0xa9: {  	[sflag:s23] =	ssyncset.done $0x0  }
0xaa: {  	s25 =	simm.s32 $0x1B8E;
	s24 =	sld [smem:$0x3FFE];
	[sflag:s23] =	ssyncadd.s32 $0xFFFFFFFF  }
0xab: {  	s26 =	simm.s32 $execute0_lowered;
	[smem:$0x3FD2] =	sst s25  }
0xac: {  	s6 =	sshll.u32 s26, $0x1;
	_ =	strace $0x80000046;
	[dreg:$0x1] =	wrdreg $0xFFFFFFFF  }
0xad: {  	s28 =	simm.s32 $_size_execute0_lowered;
	s4 =	sadd.s32 s4, s6;
	[dreg:$0x0] =	wrdreg $0x0  }
0xae: {  	s6 =	sshll.u32 s28, $0x1;
	[dreg:$0x2] =	wrdreg s4  }
0xaf: {  	[dreg:$0x3] =	wrdreg s6  }
0xb0: {  	[dreg:$0x4] =	wrdreg $0xC0  }
0xb1: {  	_ =	task [dreg:s8], $0x5FFFF  }
0xb2: {  	[dreg:$0x1] =	wrdreg $0xFFFFFFFF  }
0xb3: {  	[dreg:$0x0] =	wrdreg $0x60  }
0xb4: {  	[dreg:$0x2] =	wrdreg s15  }
0xb5: {  	[dreg:$0x3] =	wrdreg s16  }
0xb6: {  	[dreg:$0x4] =	wrdreg s24  }
0xb7: {  	[dreg:$0x5] =	wrdreg $0x9  }
0xb8: {  	_ =	task.clear_ibuf [dreg:s8], $0x6FFFF;
	_ =	strace $0x90000046  }
0xb9: {  	s29 =	simm.s32 $0x9;
	_ =	strace $0x80000048  }
0xba: {  	_ =	swait.ge [sflag:s29], $0x1  }
0xbb: {  	[sflag:s29] =	ssyncadd.s32 $0xFFFFFFFF  }
0xbc: {  	_ =	strace $0x90000048  }
0xbd: {  	_ =	sfence  }
0xbe: {  	s30 =	sld [smem:$0x0];
	_ =	sdelay $0x2  }
0xbf: {  	s31 =	sshll.u32 s1, $0xD;
	s1 =	sshrl.u32 s1, $0x2  }
0xc0: {  	s3 =	sand.u32 $0x4000, s31;
	s1 =	sadd.s32 s1, s30  }
0xc1: {  	s0 =	sor.u32 s3, s0;
	s1 =	sshll.u32 s1, $0x11  }
0xc2: {  	s0 =	sor.u32 s1, s0  }
0xc3: {  	s0 =	sadd.s32 $0x8F2B, s0  }
0xc4: {  	[sflag:s0] =	ssyncadd.remote.s32 $0x1  }
0xc5: {  	_ =	sfence.sel $0xFFFF  }
0xc6: {  	[dreg:$0x0] =	wrdreg $0xFFFFFFFF;
	(pc) =	sbr.abs _section_cstart, $3  }
0xc7: {  	[dreg:$0x1] =	wrdreg $0xFFFFFFFF  }
0xc8: {  	_ =	task.clear_ibuf [dreg:s8], $0x2FFFF;
	_ =	strace $0x9FFFFFFF  }
0xc9: {  	(tm) =	ssettm $0x7FFFFFFF  }
tec
execute0_lowered:
.L_overlay_start_1:
0x0: {  	(tag) =	ssettag $0x1  }
0x1: {  	s1 =	rddreg [dreg:$0x0]  }
0x2: {  	s0 =	srdreg.scid;
	s2 =	rddreg [dreg:$0x1]  }
0x3: {  	s3 =	stileid.u32;
	s4 =	rddreg [dreg:$0x2];
	s0 =	sand.u32 $0x1, s0  }
0x4: {  	s18 =	simm.s32 $0x2;
	s5 =	sshll.u32 s3, $0x9;
	s6 =	sshll.u32 s0, $0x8  }
0x5: {  	s19 =	simm.s32 $0x3;
	s20 =	simm.s32 $0x4;
	s5 =	sor.u32 s6, s5  }
0x6: {  	s3 =	simm.s32 $0x0;
	s6 =	sshll.u32 s5, $0x7;
	s5 =	sshrl.u32 s5, $0x3  }
0x7: {  	[smem:$0x7FF] =	sst s3;
	s7 =	sadd.s32 s6, s4;
	s2 =	sadd.s32 s2, s5  }
0x8: {  	_ =	strace $0x80000047;
	[dreg:$0x4] =	wrdreg s2;
	s22 =	sadd.s32 $0x600, s7  }
0x9: {  	s0 =	ssub.s32 $0x2, s0;
	s23 =	sadd.s32 $0x1600, s7;
	[dreg:$0x5] =	wrdreg s22  }
0xa: {  	s25 =	sshrl.u32 s0, $0x1;
	s24 =	sadd.s32 $0x2600, s7;
	[dreg:$0x6] =	wrdreg s23  }
0xb: {  	s0 =	ssub.s32 s0, s25;
	s26 =	sadd.s32 $0x3600, s7;
	[dreg:$0x7] =	wrdreg s24  }
0xc: {  	s25 =	simm.s32 $0x1;
	s28 =	sadd.s32 $0x4600, s7;
	[dreg:$0x8] =	wrdreg s26  }
0xd: {  	s4 =	sadd.s32 $0x100, s1;
	s29 =	sadd.s32 $0x5600, s7;
	[dreg:$0x9] =	wrdreg s28  }
0xe: {  	v2 =	vlaneseq.u32;
	s5 =	sadd.s32 $0x200, s1;
	s30 =	sadd.s32 $0x6600, s7;
	[dreg:$0xa] =	wrdreg s29  }
0xf: {  	vm0 =	vmmov $0xffff;
	v1 =	vshrl.u32 v2, $0x3;
	s6 =	sadd.s32 $0x300, s1;
	s31 =	sadd.s32 $0x7600, s7;
	[dreg:$0xb] =	wrdreg s30  }
0x10: {  	v0 =	vand.u32 $0x7, v2;
	v2 =	vor.u32 $0x8, v2;
	v1 =	vmul.u32 $0x8, v1;
	s7 =	smax.u32 s0, $0x1;
	s2 =	simm.s32 $0x8100;
	[dreg:$0xc] =	wrdreg s31  }
.LBB2_1:
0x11: {  	s21 =	rddreg [dreg:$0x4];
	s8 =	simm.s32 $0x5  }
0x12: {  	[tilespmem:s3], [sflag:$0x5] =	stream.linear.gather [hbm4b:s21+s3], $0x100, $0x38;
	[tilespmem:$0x10100] =	vst v63  }
0x13: {  	_ =	swait.ge [sflag:s8], $0x100  }
0x14: {  	[sflag:s8] =	ssyncset.done $0x0  }
0x15: {  	[sflag:s8] =	ssyncadd.s32 $0xFFFFFF00  }
0x16: {  	v3 =	vld [tilespmem:$0x0];
	_ =	sdelay $0x4  }
0x17: {  	v4 =	vshll.u32 v3, $0x3  }
0x18: {  	v3 =	vand.u32 $0x7, v3;
	v4 =	vand.u32 $0xFFFFFFC0, v4  }
0x19: {  	v3 =	vor.u32 v3, v4  }
0x1a: {  	v4 =	vperm.xlane v3, v0;
	_ =	sdelay $0x1  }
0x1b: {  	v4 =	vadd.s32 v1, v4;
	_ =	sdelay $0x3  }
0x1c: {  	s0 =	simm.s32 $0x100  }
0x1d: {  	[tilespmem:s0], [sflag:$0x1] =	stream.indirect_vreg.gather [hbm4b:s1+s3], $0x80, v4, vm0, $0xb8;
	[tilespmem:$0x10100] =	vst v63  }
0x1e: {  	s9 =	simm.s32 $0x900;
	v3 =	vperm.xlane v3, v2  }
0x1f: {  	[tilespmem:s9], [sflag:$0x1] =	stream.indirect_vreg.gather [hbm4b:s4+s3], $0x80, v4, vm0, $0xb8;
	[tilespmem:$0x10100] =	vst v63  }
0x20: {  	s10 =	simm.s32 $0x1100;
	v3 =	vadd.s32 v1, v3  }
0x21: {  	[tilespmem:s10], [sflag:$0x1] =	stream.indirect_vreg.gather [hbm4b:s5+s3], $0x80, v4, vm0, $0xb8;
	[tilespmem:$0x10100] =	vst v63  }
0x22: {  	s11 =	simm.s32 $0x1900  }
0x23: {  	[tilespmem:s11], [sflag:$0x1] =	stream.indirect_vreg.gather [hbm4b:s6+s3], $0x80, v4, vm0, $0xb8;
	[tilespmem:$0x10100] =	vst v63  }
0x24: {  	s12 =	simm.s32 $0x2100  }
0x25: {  	[tilespmem:s12], [sflag:$0x1] =	stream.indirect_vreg.gather [hbm4b:s1+s3], $0x80, v3, vm0, $0xb8;
	[tilespmem:$0x10100] =	vst v63  }
0x26: {  	s13 =	simm.s32 $0x2900  }
0x27: {  	[tilespmem:s13], [sflag:$0x1] =	stream.indirect_vreg.gather [hbm4b:s4+s3], $0x80, v3, vm0, $0xb8;
	[tilespmem:$0x10100] =	vst v63  }
0x28: {  	s15 =	simm.s32 $0x3100  }
0x29: {  	[tilespmem:s15], [sflag:$0x1] =	stream.indirect_vreg.gather [hbm4b:s5+s3], $0x80, v3, vm0, $0xb8;
	[tilespmem:$0x10100] =	vst v63  }
0x2a: {  	s16 =	simm.s32 $0x3900  }
0x2b: {  	[tilespmem:s16], [sflag:$0x1] =	stream.indirect_vreg.gather [hbm4b:s6+s3], $0x80, v3, vm0, $0xb8;
	[tilespmem:$0x10100] =	vst v63  }
0x2c: {  	v3 =	vld [tilespmem:$0x10];
	_ =	sdelay $0x4  }
0x2d: {  	v49 =	vshll.u32 v3, $0x3  }
0x2e: {  	v3 =	vand.u32 $0x7, v3;
	v4 =	vand.u32 $0xFFFFFFC0, v49  }
0x2f: {  	v3 =	vor.u32 v3, v4  }
0x30: {  	v4 =	vperm.xlane v3, v0;
	_ =	sdelay $0x1  }
0x31: {  	v4 =	vadd.s32 v1, v4;
	_ =	sdelay $0x3  }
0x32: {  	s17 =	simm.s32 $0x4100  }
0x33: {  	[tilespmem:s17], [sflag:$0x1] =	stream.indirect_vreg.gather [hbm4b:s1+s3], $0x80, v4, vm0, $0xb8;
	[tilespmem:$0x10100] =	vst v63  }
0x34: {  	s21 =	simm.s32 $0x4900;
	v3 =	vperm.xlane v3, v2  }
0x35: {  	[tilespmem:s21], [sflag:$0x1] =	stream.indirect_vreg.gather [hbm4b:s4+s3], $0x80, v4, vm0, $0xb8;
	[tilespmem:$0x10100] =	vst v63  }
0x36: {  	s23 =	simm.s32 $0x5100;
	v3 =	vadd.s32 v1, v3  }
0x37: {  	[tilespmem:s23], [sflag:$0x1] =	stream.indirect_vreg.gather [hbm4b:s5+s3], $0x80, v4, vm0, $0xb8;
	[tilespmem:$0x10100] =	vst v63  }
0x38: {  	s24 =	simm.s32 $0x5900  }
0x39: {  	[tilespmem:s24], [sflag:$0x1] =	stream.indirect_vreg.gather [hbm4b:s6+s3], $0x80, v4, vm0, $0xb8;
	[tilespmem:$0x10100] =	vst v63  }
0x3a: {  	s26 =	simm.s32 $0x6100  }
0x3b: {  	[tilespmem:s26], [sflag:$0x1] =	stream.indirect_vreg.gather [hbm4b:s1+s3], $0x80, v3, vm0, $0xb8;
	[tilespmem:$0x10100] =	vst v63  }
0x3c: {  	s28 =	simm.s32 $0x6900  }
0x3d: {  	[tilespmem:s28], [sflag:$0x1] =	stream.indirect_vreg.gather [hbm4b:s4+s3], $0x80, v3, vm0, $0xb8;
	[tilespmem:$0x10100] =	vst v63  }
0x3e: {  	s29 =	simm.s32 $0x7100  }
0x3f: {  	[tilespmem:s29], [sflag:$0x1] =	stream.indirect_vreg.gather [hbm4b:s5+s3], $0x80, v3, vm0, $0xb8;
	[tilespmem:$0x10100] =	vst v63  }
0x40: {  	s30 =	simm.s32 $0x7900  }
0x41: {  	[tilespmem:s30], [sflag:$0x1] =	stream.indirect_vreg.gather [hbm4b:s6+s3], $0x80, v3, vm0, $0xb8;
	[tilespmem:$0x10100] =	vst v63  }
0x42: {  	_ =	swait.ge [sflag:s25], $0x8000  }
0x43: {  	[sflag:s25] =	ssyncset.done $0x0  }
0x44: {  	[sflag:s25] =	ssyncadd.s32 $0xFFFF8000  }
0x45: {  	v3 =	vld [tilespmem:$0x20];
	_ =	sdelay $0x4  }
0x46: {  	v50 =	vshll.u32 v3, $0x3  }
0x47: {  	v3 =	vand.u32 $0x7, v3;
	v4 =	vand.u32 $0xFFFFFFC0, v50  }
0x48: {  	v3 =	vor.u32 v3, v4  }
0x49: {  	v4 =	vperm.xlane v3, v0;
	_ =	sdelay $0x1  }
0x4a: {  	v4 =	vadd.s32 v1, v4;
	_ =	sdelay $0x4  }
0x4b: {  	[tilespmem:s2], [sflag:$0x2] =	stream.indirect_vreg.gather [hbm4b:s1+s3], $0x80, v4, vm0, $0xb8;
	[tilespmem:$0x10100] =	vst v63  }
0x4c: {  	s15 =	simm.s32 $0x8900;
	v3 =	vperm.xlane v3, v2  }
0x4d: {  	[tilespmem:s15], [sflag:$0x2] =	stream.indirect_vreg.gather [hbm4b:s4+s3], $0x80, v4, vm0, $0xb8;
	[tilespmem:$0x10100] =	vst v63  }
0x4e: {  	s31 =	simm.s32 $0x9100;
	v3 =	vadd.s32 v1, v3  }
0x4f: {  	[tilespmem:s31], [sflag:$0x2] =	stream.indirect_vreg.gather [hbm4b:s5+s3], $0x80, v4, vm0, $0xb8;
	[tilespmem:$0x10100] =	vst v63  }
0x50: {  	s8 =	simm.s32 $0x9900  }
0x51: {  	[tilespmem:s8], [sflag:$0x2] =	stream.indirect_vreg.gather [hbm4b:s6+s3], $0x80, v4, vm0, $0xb8;
	[tilespmem:$0x10100] =	vst v63  }
0x52: {  	s9 =	simm.s32 $0xA100  }
0x53: {  	[tilespmem:s9], [sflag:$0x2] =	stream.indirect_vreg.gather [hbm4b:s1+s3], $0x80, v3, vm0, $0xb8;
	[tilespmem:$0x10100] =	vst v63  }
0x54: {  	s10 =	simm.s32 $0xA900  }
0x55: {  	[tilespmem:s10], [sflag:$0x2] =	stream.indirect_vreg.gather [hbm4b:s4+s3], $0x80, v3, vm0, $0xb8;
	[tilespmem:$0x10100] =	vst v63  }
0x56: {  	s15 =	simm.s32 $0xB100  }
0x57: {  	[tilespmem:s15], [sflag:$0x2] =	stream.indirect_vreg.gather [hbm4b:s5+s3], $0x80, v3, vm0, $0xb8;
	[tilespmem:$0x10100] =	vst v63  }
0x58: {  	s23 =	simm.s32 $0xB900  }
0x59: {  	[tilespmem:s23], [sflag:$0x2] =	stream.indirect_vreg.gather [hbm4b:s6+s3], $0x80, v3, vm0, $0xb8;
	[tilespmem:$0x10100] =	vst v63  }
0x5a: {  	v3 =	vld [tilespmem:$0x30];
	_ =	sdelay $0x4  }
0x5b: {  	v51 =	vshll.u32 v3, $0x3  }
0x5c: {  	v3 =	vand.u32 $0x7, v3;
	v4 =	vand.u32 $0xFFFFFFC0, v51  }
0x5d: {  	v3 =	vor.u32 v3, v4  }
0x5e: {  	v4 =	vperm.xlane v3, v0;
	_ =	sdelay $0x1  }
0x5f: {  	v4 =	vadd.s32 v1, v4;
	_ =	sdelay $0x3  }
0x60: {  	s24 =	simm.s32 $0xC100  }
0x61: {  	[tilespmem:s24], [sflag:$0x2] =	stream.indirect_vreg.gather [hbm4b:s1+s3], $0x80, v4, vm0, $0xb8;
	[tilespmem:$0x10100] =	vst v63  }
0x62: {  	s28 =	simm.s32 $0xC900;
	v3 =	vperm.xlane v3, v2  }
0x63: {  	[tilespmem:s28], [sflag:$0x2] =	stream.indirect_vreg.gather [hbm4b:s4+s3], $0x80, v4, vm0, $0xb8;
	[tilespmem:$0x10100] =	vst v63  }
0x64: {  	s29 =	simm.s32 $0xD100;
	v3 =	vadd.s32 v1, v3  }
0x65: {  	[tilespmem:s29], [sflag:$0x2] =	stream.indirect_vreg.gather [hbm4b:s5+s3], $0x80, v4, vm0, $0xb8;
	[tilespmem:$0x10100] =	vst v63  }
0x66: {  	s30 =	simm.s32 $0xD900  }
0x67: {  	[tilespmem:s30], [sflag:$0x2] =	stream.indirect_vreg.gather [hbm4b:s6+s3], $0x80, v4, vm0, $0xb8;
	[tilespmem:$0x10100] =	vst v63  }
0x68: {  	s31 =	simm.s32 $0xE100  }
0x69: {  	[tilespmem:s31], [sflag:$0x2] =	stream.indirect_vreg.gather [hbm4b:s1+s3], $0x80, v3, vm0, $0xb8;
	[tilespmem:$0x10100] =	vst v63  }
0x6a: {  	s15 =	simm.s32 $0xE900  }
0x6b: {  	[tilespmem:s15], [sflag:$0x2] =	stream.indirect_vreg.gather [hbm4b:s4+s3], $0x80, v3, vm0, $0xb8;
	[tilespmem:$0x10100] =	vst v63  }
0x6c: {  	s23 =	simm.s32 $0xF100  }
0x6d: {  	[tilespmem:s23], [sflag:$0x2] =	stream.indirect_vreg.gather [hbm4b:s5+s3], $0x80, v3, vm0, $0xb8;
	[tilespmem:$0x10100] =	vst v63  }
0x6e: {  	s28 =	simm.s32 $0xF900  }
0x6f: {  	[tilespmem:s28], [sflag:$0x2] =	stream.indirect_vreg.gather [hbm4b:s6+s3], $0x80, v3, vm0, $0xb8;
	[tilespmem:$0x10100] =	vst v63  }
0x70: {  	s22 =	simm.s32 $0x100;
	s24 =	rddreg [dreg:$0x5]  }
0x71: {  	[hbm4b:s24+s3] =	stream.linear.scatter [tilespmem:s22], [sflag:$0x3], $0x8000, $0x38;
	[tilespmem:$0x10100] =	vst v63  }
0x72: {  	_ =	swait.ge [sflag:s18], $0x8000  }
0x73: {  	[sflag:s18] =	ssyncset.done $0x0  }
0x74: {  	[sflag:s18] =	ssyncadd.s32 $0xFFFF8000  }
0x75: {  	_ =	swait.ge [sflag:s19], $0x8000  }
0x76: {  	[sflag:s19] =	ssyncset.done $0x0  }
0x77: {  	[sflag:s19] =	ssyncadd.s32 $0xFFFF8000  }
0x78: {  	v3 =	vld [tilespmem:$0x40];
	_ =	sdelay $0x4  }
0x79: {  	v52 =	vshll.u32 v3, $0x3  }
0x7a: {  	v3 =	vand.u32 $0x7, v3;
	v4 =	vand.u32 $0xFFFFFFC0, v52  }
0x7b: {  	v3 =	vor.u32 v3, v4  }
0x7c: {  	v4 =	vperm.xlane v3, v0;
	_ =	sdelay $0x1  }
0x7d: {  	v4 =	vadd.s32 v1, v4;
	_ =	sdelay $0x4  }
0x7e: {  	[tilespmem:s22], [sflag:$0x1] =	stream.indirect_vreg.gather [hbm4b:s1+s3], $0x80, v4, vm0, $0xb8;
	[tilespmem:$0x10100] =	vst v63  }
0x7f: {  	v3 =	vperm.xlane v3, v2;
	s22 =	simm.s32 $0x900  }
0x80: {  	[tilespmem:s22], [sflag:$0x1] =	stream.indirect_vreg.gather [hbm4b:s4+s3], $0x80, v4, vm0, $0xb8;
	[tilespmem:$0x10100] =	vst v63  }
0x81: {  	s14 =	simm.s32 $0x1100;
	v3 =	vadd.s32 v1, v3  }
0x82: {  	[tilespmem:s14], [sflag:$0x1] =	stream.indirect_vreg.gather [hbm4b:s5+s3], $0x80, v4, vm0, $0xb8;
	[tilespmem:$0x10100] =	vst v63  }
0x83: {  	s24 =	simm.s32 $0x1900  }
0x84: {  	[tilespmem:s24], [sflag:$0x1] =	stream.indirect_vreg.gather [hbm4b:s6+s3], $0x80, v4, vm0, $0xb8;
	[tilespmem:$0x10100] =	vst v63  }
0x85: {  	s23 =	simm.s32 $0x2100  }
0x86: {  	[tilespmem:s23], [sflag:$0x1] =	stream.indirect_vreg.gather [hbm4b:s1+s3], $0x80, v3, vm0, $0xb8;
	[tilespmem:$0x10100] =	vst v63  }
0x87: {  	s28 =	simm.s32 $0x2900  }
0x88: {  	[tilespmem:s28], [sflag:$0x1] =	stream.indirect_vreg.gather [hbm4b:s4+s3], $0x80, v3, vm0, $0xb8;
	[tilespmem:$0x10100] =	vst v63  }
0x89: {  	s30 =	simm.s32 $0x3100  }
0x8a: {  	[tilespmem:s30], [sflag:$0x1] =	stream.indirect_vreg.gather [hbm4b:s5+s3], $0x80, v3, vm0, $0xb8;
	[tilespmem:$0x10100] =	vst v63  }
0x8b: {  	s31 =	simm.s32 $0x3900  }
0x8c: {  	[tilespmem:s31], [sflag:$0x1] =	stream.indirect_vreg.gather [hbm4b:s6+s3], $0x80, v3, vm0, $0xb8;
	[tilespmem:$0x10100] =	vst v63  }
0x8d: {  	v3 =	vld [tilespmem:$0x50];
	_ =	sdelay $0x4  }
0x8e: {  	v53 =	vshll.u32 v3, $0x3  }
0x8f: {  	v3 =	vand.u32 $0x7, v3;
	v4 =	vand.u32 $0xFFFFFFC0, v53  }
0x90: {  	v3 =	vor.u32 v3, v4  }
0x91: {  	v4 =	vperm.xlane v3, v0;
	_ =	sdelay $0x1  }
0x92: {  	v4 =	vadd.s32 v1, v4;
	_ =	sdelay $0x3  }
0x93: {  	s17 =	simm.s32 $0x4100  }
0x94: {  	[tilespmem:s17], [sflag:$0x1] =	stream.indirect_vreg.gather [hbm4b:s1+s3], $0x80, v4, vm0, $0xb8;
	[tilespmem:$0x10100] =	vst v63  }
0x95: {  	s16 =	simm.s32 $0x4900;
	v3 =	vperm.xlane v3, v2  }
0x96: {  	[tilespmem:s16], [sflag:$0x1] =	stream.indirect_vreg.gather [hbm4b:s4+s3], $0x80, v4, vm0, $0xb8;
	[tilespmem:$0x10100] =	vst v63  }
0x97: {  	s13 =	simm.s32 $0x5100;
	v3 =	vadd.s32 v1, v3  }
0x98: {  	[tilespmem:s13], [sflag:$0x1] =	stream.indirect_vreg.gather [hbm4b:s5+s3], $0x80, v4, vm0, $0xb8;
	[tilespmem:$0x10100] =	vst v63  }
0x99: {  	s13 =	simm.s32 $0x5900  }
0x9a: {  	[tilespmem:s13], [sflag:$0x1] =	stream.indirect_vreg.gather [hbm4b:s6+s3], $0x80, v4, vm0, $0xb8;
	[tilespmem:$0x10100] =	vst v63  }
0x9b: {  	s14 =	simm.s32 $0x6100  }
0x9c: {  	[tilespmem:s14], [sflag:$0x1] =	stream.indirect_vreg.gather [hbm4b:s1+s3], $0x80, v3, vm0, $0xb8;
	[tilespmem:$0x10100] =	vst v63  }
0x9d: {  	s16 =	simm.s32 $0x6900  }
0x9e: {  	[tilespmem:s16], [sflag:$0x1] =	stream.indirect_vreg.gather [hbm4b:s4+s3], $0x80, v3, vm0, $0xb8;
	[tilespmem:$0x10100] =	vst v63  }
0x9f: {  	s17 =	simm.s32 $0x7100  }
0xa0: {  	[tilespmem:s17], [sflag:$0x1] =	stream.indirect_vreg.gather [hbm4b:s5+s3], $0x80, v3, vm0, $0xb8;
	[tilespmem:$0x10100] =	vst v63  }
0xa1: {  	s12 =	simm.s32 $0x7900  }
0xa2: {  	[tilespmem:s12], [sflag:$0x1] =	stream.indirect_vreg.gather [hbm4b:s6+s3], $0x80, v3, vm0, $0xb8;
	[tilespmem:$0x10100] =	vst v63  }
0xa3: {  	s29 =	rddreg [dreg:$0x6]  }
0xa4: {  	[hbm4b:s29+s3] =	stream.linear.scatter [tilespmem:s2], [sflag:$0x4], $0x8000, $0x38;
	[tilespmem:$0x10100] =	vst v63  }
0xa5: {  	_ =	swait.ge [sflag:s25], $0x8000  }
0xa6: {  	[sflag:s25] =	ssyncset.done $0x0  }
0xa7: {  	[sflag:s25] =	ssyncadd.s32 $0xFFFF8000  }
0xa8: {  	_ =	swait.ge [sflag:s20], $0x8000  }
0xa9: {  	[sflag:s20] =	ssyncset.done $0x0  }
0xaa: {  	[sflag:s20] =	ssyncadd.s32 $0xFFFF8000  }
0xab: {  	v3 =	vld [tilespmem:$0x60];
	_ =	sdelay $0x4  }
0xac: {  	v54 =	vshll.u32 v3, $0x3  }
0xad: {  	v3 =	vand.u32 $0x7, v3;
	v4 =	vand.u32 $0xFFFFFFC0, v54  }
0xae: {  	v3 =	vor.u32 v3, v4  }
0xaf: {  	v4 =	vperm.xlane v3, v0;
	_ =	sdelay $0x1  }
0xb0: {  	v4 =	vadd.s32 v1, v4;
	_ =	sdelay $0x4  }
0xb1: {  	[tilespmem:s2], [sflag:$0x2] =	stream.indirect_vreg.gather [hbm4b:s1+s3], $0x80, v4, vm0, $0xb8;
	[tilespmem:$0x10100] =	vst v63  }
0xb2: {  	s11 =	simm.s32 $0x8900;
	v3 =	vperm.xlane v3, v2  }
0xb3: {  	[tilespmem:s11], [sflag:$0x2] =	stream.indirect_vreg.gather [hbm4b:s4+s3], $0x80, v4, vm0, $0xb8;
	[tilespmem:$0x10100] =	vst v63  }
0xb4: {  	s26 =	simm.s32 $0x9100;
	v3 =	vadd.s32 v1, v3  }
0xb5: {  	[tilespmem:s26], [sflag:$0x2] =	stream.indirect_vreg.gather [hbm4b:s5+s3], $0x80, v4, vm0, $0xb8;
	[tilespmem:$0x10100] =	vst v63  }
0xb6: {  	s0 =	simm.s32 $0x9900  }
0xb7: {  	[tilespmem:s0], [sflag:$0x2] =	stream.indirect_vreg.gather [hbm4b:s6+s3], $0x80, v4, vm0, $0xb8;
	[tilespmem:$0x10100] =	vst v63  }
0xb8: {  	s15 =	simm.s32 $0xA100  }
0xb9: {  	[tilespmem:s15], [sflag:$0x2] =	stream.indirect_vreg.gather [hbm4b:s1+s3], $0x80, v3, vm0, $0xb8;
	[tilespmem:$0x10100] =	vst v63  }
0xba: {  	s0 =	simm.s32 $0xA900  }
0xbb: {  	[tilespmem:s0], [sflag:$0x2] =	stream.indirect_vreg.gather [hbm4b:s4+s3], $0x80, v3, vm0, $0xb8;
	[tilespmem:$0x10100] =	vst v63  }
0xbc: {  	s26 =	simm.s32 $0xB100  }
0xbd: {  	[tilespmem:s26], [sflag:$0x2] =	stream.indirect_vreg.gather [hbm4b:s5+s3], $0x80, v3, vm0, $0xb8;
	[tilespmem:$0x10100] =	vst v63  }
0xbe: {  	s8 =	simm.s32 $0xB900  }
0xbf: {  	[tilespmem:s8], [sflag:$0x2] =	stream.indirect_vreg.gather [hbm4b:s6+s3], $0x80, v3, vm0, $0xb8;
	[tilespmem:$0x10100] =	vst v63  }
0xc0: {  	v3 =	vld [tilespmem:$0x70];
	_ =	sdelay $0x4  }
0xc1: {  	v55 =	vshll.u32 v3, $0x3  }
0xc2: {  	v3 =	vand.u32 $0x7, v3;
	v4 =	vand.u32 $0xFFFFFFC0, v55  }
0xc3: {  	v3 =	vor.u32 v3, v4  }
0xc4: {  	v4 =	vperm.xlane v3, v0;
	_ =	sdelay $0x1  }
0xc5: {  	v4 =	vadd.s32 v1, v4;
	_ =	sdelay $0x3  }
0xc6: {  	s9 =	simm.s32 $0xC100  }
0xc7: {  	[tilespmem:s9], [sflag:$0x2] =	stream.indirect_vreg.gather [hbm4b:s1+s3], $0x80, v4, vm0, $0xb8;
	[tilespmem:$0x10100] =	vst v63  }
0xc8: {  	s10 =	simm.s32 $0xC900;
	v3 =	vperm.xlane v3, v2  }
0xc9: {  	[tilespmem:s10], [sflag:$0x2] =	stream.indirect_vreg.gather [hbm4b:s4+s3], $0x80, v4, vm0, $0xb8;
	[tilespmem:$0x10100] =	vst v63  }
0xca: {  	s8 =	simm.s32 $0xD100;
	v3 =	vadd.s32 v1, v3  }
0xcb: {  	[tilespmem:s8], [sflag:$0x2] =	stream.indirect_vreg.gather [hbm4b:s5+s3], $0x80, v4, vm0, $0xb8;
	[tilespmem:$0x10100] =	vst v63  }
0xcc: {  	s9 =	simm.s32 $0xD900  }
0xcd: {  	[tilespmem:s9], [sflag:$0x2] =	stream.indirect_vreg.gather [hbm4b:s6+s3], $0x80, v4, vm0, $0xb8;
	[tilespmem:$0x10100] =	vst v63  }
0xce: {  	s10 =	simm.s32 $0xE100  }
0xcf: {  	[tilespmem:s10], [sflag:$0x2] =	stream.indirect_vreg.gather [hbm4b:s1+s3], $0x80, v3, vm0, $0xb8;
	[tilespmem:$0x10100] =	vst v63  }
0xd0: {  	s11 =	simm.s32 $0xE900  }
0xd1: {  	[tilespmem:s11], [sflag:$0x2] =	stream.indirect_vreg.gather [hbm4b:s4+s3], $0x80, v3, vm0, $0xb8;
	[tilespmem:$0x10100] =	vst v63  }
0xd2: {  	s12 =	simm.s32 $0xF100  }
0xd3: {  	[tilespmem:s12], [sflag:$0x2] =	stream.indirect_vreg.gather [hbm4b:s5+s3], $0x80, v3, vm0, $0xb8;
	[tilespmem:$0x10100] =	vst v63  }
0xd4: {  	s29 =	simm.s32 $0xF900  }
0xd5: {  	[tilespmem:s29], [sflag:$0x2] =	stream.indirect_vreg.gather [hbm4b:s6+s3], $0x80, v3, vm0, $0xb8;
	[tilespmem:$0x10100] =	vst v63  }
0xd6: {  	s21 =	rddreg [dreg:$0x7];
	s29 =	simm.s32 $0x100  }
0xd7: {  	[hbm4b:s21+s3] =	stream.linear.scatter [tilespmem:s29], [sflag:$0x3], $0x8000, $0x38;
	[tilespmem:$0x10100] =	vst v63  }
0xd8: {  	_ =	swait.ge [sflag:s18], $0x8000  }
0xd9: {  	[sflag:s18] =	ssyncset.done $0x0  }
0xda: {  	[sflag:s18] =	ssyncadd.s32 $0xFFFF8000  }
0xdb: {  	_ =	swait.ge [sflag:s19], $0x8000  }
0xdc: {  	[sflag:s19] =	ssyncset.done $0x0  }
0xdd: {  	[sflag:s19] =	ssyncadd.s32 $0xFFFF8000  }
0xde: {  	v3 =	vld [tilespmem:$0x80];
	_ =	sdelay $0x4  }
0xdf: {  	v56 =	vshll.u32 v3, $0x3  }
0xe0: {  	v3 =	vand.u32 $0x7, v3;
	v4 =	vand.u32 $0xFFFFFFC0, v56  }
0xe1: {  	v3 =	vor.u32 v3, v4  }
0xe2: {  	v4 =	vperm.xlane v3, v0;
	_ =	sdelay $0x1  }
0xe3: {  	v4 =	vadd.s32 v1, v4;
	_ =	sdelay $0x4  }
0xe4: {  	[tilespmem:s29], [sflag:$0x1] =	stream.indirect_vreg.gather [hbm4b:s1+s3], $0x80, v4, vm0, $0xb8;
	[tilespmem:$0x10100] =	vst v63  }
0xe5: {  	v3 =	vperm.xlane v3, v2  }
0xe6: {  	[tilespmem:s22], [sflag:$0x1] =	stream.indirect_vreg.gather [hbm4b:s4+s3], $0x80, v4, vm0, $0xb8;
	[tilespmem:$0x10100] =	vst v63  }
0xe7: {  	s21 =	simm.s32 $0x1100;
	v3 =	vadd.s32 v1, v3  }
0xe8: {  	[tilespmem:s21], [sflag:$0x1] =	stream.indirect_vreg.gather [hbm4b:s5+s3], $0x80, v4, vm0, $0xb8;
	[tilespmem:$0x10100] =	vst v63  }
0xe9: {  	_ = 	snop  }
0xea: {  	[tilespmem:s24], [sflag:$0x1] =	stream.indirect_vreg.gather [hbm4b:s6+s3], $0x80, v4, vm0, $0xb8;
	[tilespmem:$0x10100] =	vst v63  }
0xeb: {  	_ = 	snop  }
0xec: {  	[tilespmem:s23], [sflag:$0x1] =	stream.indirect_vreg.gather [hbm4b:s1+s3], $0x80, v3, vm0, $0xb8;
	[tilespmem:$0x10100] =	vst v63  }
0xed: {  	_ = 	snop  }
0xee: {  	[tilespmem:s28], [sflag:$0x1] =	stream.indirect_vreg.gather [hbm4b:s4+s3], $0x80, v3, vm0, $0xb8;
	[tilespmem:$0x10100] =	vst v63  }
0xef: {  	_ = 	snop  }
0xf0: {  	[tilespmem:s30], [sflag:$0x1] =	stream.indirect_vreg.gather [hbm4b:s5+s3], $0x80, v3, vm0, $0xb8;
	[tilespmem:$0x10100] =	vst v63  }
0xf1: {  	_ = 	snop  }
0xf2: {  	[tilespmem:s31], [sflag:$0x1] =	stream.indirect_vreg.gather [hbm4b:s6+s3], $0x80, v3, vm0, $0xb8;
	[tilespmem:$0x10100] =	vst v63  }
0xf3: {  	v3 =	vld [tilespmem:$0x90];
	_ =	sdelay $0x4  }
0xf4: {  	v57 =	vshll.u32 v3, $0x3  }
0xf5: {  	v3 =	vand.u32 $0x7, v3;
	v4 =	vand.u32 $0xFFFFFFC0, v57  }
0xf6: {  	v3 =	vor.u32 v3, v4  }
0xf7: {  	v4 =	vperm.xlane v3, v0;
	_ =	sdelay $0x1  }
0xf8: {  	v4 =	vadd.s32 v1, v4;
	_ =	sdelay $0x3  }
0xf9: {  	s21 =	simm.s32 $0x4100  }
0xfa: {  	[tilespmem:s21], [sflag:$0x1] =	stream.indirect_vreg.gather [hbm4b:s1+s3], $0x80, v4, vm0, $0xb8;
	[tilespmem:$0x10100] =	vst v63  }
0xfb: {  	v3 =	vperm.xlane v3, v2;
	s21 =	simm.s32 $0x4900  }
0xfc: {  	[tilespmem:s21], [sflag:$0x1] =	stream.indirect_vreg.gather [hbm4b:s4+s3], $0x80, v4, vm0, $0xb8;
	[tilespmem:$0x10100] =	vst v63  }
0xfd: {  	v3 =	vadd.s32 v1, v3;
	s21 =	simm.s32 $0x5100  }
0xfe: {  	[tilespmem:s21], [sflag:$0x1] =	stream.indirect_vreg.gather [hbm4b:s5+s3], $0x80, v4, vm0, $0xb8;
	[tilespmem:$0x10100] =	vst v63  }
0xff: {  	_ = 	snop  }
0x100: {  	[tilespmem:s13], [sflag:$0x1] =	stream.indirect_vreg.gather [hbm4b:s6+s3], $0x80, v4, vm0, $0xb8;
	[tilespmem:$0x10100] =	vst v63  }
0x101: {  	_ = 	snop  }
0x102: {  	[tilespmem:s14], [sflag:$0x1] =	stream.indirect_vreg.gather [hbm4b:s1+s3], $0x80, v3, vm0, $0xb8;
	[tilespmem:$0x10100] =	vst v63  }
0x103: {  	_ = 	snop  }
0x104: {  	[tilespmem:s16], [sflag:$0x1] =	stream.indirect_vreg.gather [hbm4b:s4+s3], $0x80, v3, vm0, $0xb8;
	[tilespmem:$0x10100] =	vst v63  }
0x105: {  	_ = 	snop  }
0x106: {  	[tilespmem:s17], [sflag:$0x1] =	stream.indirect_vreg.gather [hbm4b:s5+s3], $0x80, v3, vm0, $0xb8;
	[tilespmem:$0x10100] =	vst v63  }
0x107: {  	s13 =	simm.s32 $0x7900  }
0x108: {  	[tilespmem:s13], [sflag:$0x1] =	stream.indirect_vreg.gather [hbm4b:s6+s3], $0x80, v3, vm0, $0xb8;
	[tilespmem:$0x10100] =	vst v63  }
0x109: {  	s21 =	rddreg [dreg:$0x8]  }
0x10a: {  	[hbm4b:s21+s3] =	stream.linear.scatter [tilespmem:s2], [sflag:$0x4], $0x8000, $0x38;
	[tilespmem:$0x10100] =	vst v63  }
0x10b: {  	_ =	swait.ge [sflag:s25], $0x8000  }
0x10c: {  	[sflag:s25] =	ssyncset.done $0x0  }
0x10d: {  	[sflag:s25] =	ssyncadd.s32 $0xFFFF8000  }
0x10e: {  	_ =	swait.ge [sflag:s20], $0x8000  }
0x10f: {  	[sflag:s20] =	ssyncset.done $0x0  }
0x110: {  	[sflag:s20] =	ssyncadd.s32 $0xFFFF8000  }
0x111: {  	v3 =	vld [tilespmem:$0xA0];
	_ =	sdelay $0x4  }
0x112: {  	v58 =	vshll.u32 v3, $0x3  }
0x113: {  	v3 =	vand.u32 $0x7, v3;
	v4 =	vand.u32 $0xFFFFFFC0, v58  }
0x114: {  	v3 =	vor.u32 v3, v4  }
0x115: {  	v4 =	vperm.xlane v3, v0;
	_ =	sdelay $0x1  }
0x116: {  	v4 =	vadd.s32 v1, v4;
	_ =	sdelay $0x4  }
0x117: {  	[tilespmem:s2], [sflag:$0x2] =	stream.indirect_vreg.gather [hbm4b:s1+s3], $0x80, v4, vm0, $0xb8;
	[tilespmem:$0x10100] =	vst v63  }
0x118: {  	s13 =	simm.s32 $0x8900;
	v3 =	vperm.xlane v3, v2  }
0x119: {  	[tilespmem:s13], [sflag:$0x2] =	stream.indirect_vreg.gather [hbm4b:s4+s3], $0x80, v4, vm0, $0xb8;
	[tilespmem:$0x10100] =	vst v63  }
0x11a: {  	v3 =	vadd.s32 v1, v3;
	s13 =	simm.s32 $0x9100  }
0x11b: {  	[tilespmem:s13], [sflag:$0x2] =	stream.indirect_vreg.gather [hbm4b:s5+s3], $0x80, v4, vm0, $0xb8;
	[tilespmem:$0x10100] =	vst v63  }
0x11c: {  	s21 =	simm.s32 $0x9900  }
0x11d: {  	[tilespmem:s21], [sflag:$0x2] =	stream.indirect_vreg.gather [hbm4b:s6+s3], $0x80, v4, vm0, $0xb8;
	[tilespmem:$0x10100] =	vst v63  }
0x11e: {  	_ = 	snop  }
0x11f: {  	[tilespmem:s15], [sflag:$0x2] =	stream.indirect_vreg.gather [hbm4b:s1+s3], $0x80, v3, vm0, $0xb8;
	[tilespmem:$0x10100] =	vst v63  }
0x120: {  	_ = 	snop  }
0x121: {  	[tilespmem:s0], [sflag:$0x2] =	stream.indirect_vreg.gather [hbm4b:s4+s3], $0x80, v3, vm0, $0xb8;
	[tilespmem:$0x10100] =	vst v63  }
0x122: {  	_ = 	snop  }
0x123: {  	[tilespmem:s26], [sflag:$0x2] =	stream.indirect_vreg.gather [hbm4b:s5+s3], $0x80, v3, vm0, $0xb8;
	[tilespmem:$0x10100] =	vst v63  }
0x124: {  	s0 =	simm.s32 $0xB900  }
0x125: {  	[tilespmem:s0], [sflag:$0x2] =	stream.indirect_vreg.gather [hbm4b:s6+s3], $0x80, v3, vm0, $0xb8;
	[tilespmem:$0x10100] =	vst v63  }
0x126: {  	v3 =	vld [tilespmem:$0xB0];
	_ =	sdelay $0x4  }
0x127: {  	v59 =	vshll.u32 v3, $0x3  }
0x128: {  	v3 =	vand.u32 $0x7, v3;
	v4 =	vand.u32 $0xFFFFFFC0, v59  }
0x129: {  	v3 =	vor.u32 v3, v4  }
0x12a: {  	v4 =	vperm.xlane v3, v0;
	_ =	sdelay $0x1  }
0x12b: {  	v4 =	vadd.s32 v1, v4;
	_ =	sdelay $0x3  }
0x12c: {  	s0 =	simm.s32 $0xC100  }
0x12d: {  	[tilespmem:s0], [sflag:$0x2] =	stream.indirect_vreg.gather [hbm4b:s1+s3], $0x80, v4, vm0, $0xb8;
	[tilespmem:$0x10100] =	vst v63  }
0x12e: {  	v3 =	vperm.xlane v3, v2;
	s0 =	simm.s32 $0xC900  }
0x12f: {  	[tilespmem:s0], [sflag:$0x2] =	stream.indirect_vreg.gather [hbm4b:s4+s3], $0x80, v4, vm0, $0xb8;
	[tilespmem:$0x10100] =	vst v63  }
0x130: {  	v3 =	vadd.s32 v1, v3  }
0x131: {  	[tilespmem:s8], [sflag:$0x2] =	stream.indirect_vreg.gather [hbm4b:s5+s3], $0x80, v4, vm0, $0xb8;
	[tilespmem:$0x10100] =	vst v63  }
0x132: {  	_ = 	snop  }
0x133: {  	[tilespmem:s9], [sflag:$0x2] =	stream.indirect_vreg.gather [hbm4b:s6+s3], $0x80, v4, vm0, $0xb8;
	[tilespmem:$0x10100] =	vst v63  }
0x134: {  	_ = 	snop  }
0x135: {  	[tilespmem:s10], [sflag:$0x2] =	stream.indirect_vreg.gather [hbm4b:s1+s3], $0x80, v3, vm0, $0xb8;
	[tilespmem:$0x10100] =	vst v63  }
0x136: {  	_ = 	snop  }
0x137: {  	[tilespmem:s11], [sflag:$0x2] =	stream.indirect_vreg.gather [hbm4b:s4+s3], $0x80, v3, vm0, $0xb8;
	[tilespmem:$0x10100] =	vst v63  }
0x138: {  	_ = 	snop  }
0x139: {  	[tilespmem:s12], [sflag:$0x2] =	stream.indirect_vreg.gather [hbm4b:s5+s3], $0x80, v3, vm0, $0xb8;
	[tilespmem:$0x10100] =	vst v63  }
0x13a: {  	s0 =	simm.s32 $0xF900  }
0x13b: {  	[tilespmem:s0], [sflag:$0x2] =	stream.indirect_vreg.gather [hbm4b:s6+s3], $0x80, v3, vm0, $0xb8;
	[tilespmem:$0x10100] =	vst v63  }
0x13c: {  	s29 =	simm.s32 $0x100;
	s21 =	rddreg [dreg:$0x9]  }
0x13d: {  	[hbm4b:s21+s3] =	stream.linear.scatter [tilespmem:s29], [sflag:$0x3], $0x8000, $0x38;
	[tilespmem:$0x10100] =	vst v63  }
0x13e: {  	_ =	swait.ge [sflag:s18], $0x8000  }
0x13f: {  	[sflag:s18] =	ssyncset.done $0x0  }
0x140: {  	[sflag:s18] =	ssyncadd.s32 $0xFFFF8000  }
0x141: {  	_ =	swait.ge [sflag:s19], $0x8000  }
0x142: {  	[sflag:s19] =	ssyncset.done $0x0  }
0x143: {  	[sflag:s19] =	ssyncadd.s32 $0xFFFF8000  }
0x144: {  	v3 =	vld [tilespmem:$0xC0];
	_ =	sdelay $0x4  }
0x145: {  	v60 =	vshll.u32 v3, $0x3  }
0x146: {  	v3 =	vand.u32 $0x7, v3;
	v4 =	vand.u32 $0xFFFFFFC0, v60  }
0x147: {  	v3 =	vor.u32 v3, v4  }
0x148: {  	v4 =	vperm.xlane v3, v0;
	_ =	sdelay $0x1  }
0x149: {  	v4 =	vadd.s32 v1, v4;
	_ =	sdelay $0x4  }
0x14a: {  	[tilespmem:s29], [sflag:$0x1] =	stream.indirect_vreg.gather [hbm4b:s1+s3], $0x80, v4, vm0, $0xb8;
	[tilespmem:$0x10100] =	vst v63  }
0x14b: {  	s22 =	simm.s32 $0x900;
	v3 =	vperm.xlane v3, v2  }
0x14c: {  	[tilespmem:s22], [sflag:$0x1] =	stream.indirect_vreg.gather [hbm4b:s4+s3], $0x80, v4, vm0, $0xb8;
	[tilespmem:$0x10100] =	vst v63  }
0x14d: {  	v3 =	vadd.s32 v1, v3;
	s22 =	simm.s32 $0x1100  }
0x14e: {  	[tilespmem:s22], [sflag:$0x1] =	stream.indirect_vreg.gather [hbm4b:s5+s3], $0x80, v4, vm0, $0xb8;
	[tilespmem:$0x10100] =	vst v63  }
0x14f: {  	s24 =	simm.s32 $0x1900  }
0x150: {  	[tilespmem:s24], [sflag:$0x1] =	stream.indirect_vreg.gather [hbm4b:s6+s3], $0x80, v4, vm0, $0xb8;
	[tilespmem:$0x10100] =	vst v63  }
0x151: {  	s23 =	simm.s32 $0x2100  }
0x152: {  	[tilespmem:s23], [sflag:$0x1] =	stream.indirect_vreg.gather [hbm4b:s1+s3], $0x80, v3, vm0, $0xb8;
	[tilespmem:$0x10100] =	vst v63  }
0x153: {  	s28 =	simm.s32 $0x2900  }
0x154: {  	[tilespmem:s28], [sflag:$0x1] =	stream.indirect_vreg.gather [hbm4b:s4+s3], $0x80, v3, vm0, $0xb8;
	[tilespmem:$0x10100] =	vst v63  }
0x155: {  	s30 =	simm.s32 $0x3100  }
0x156: {  	[tilespmem:s30], [sflag:$0x1] =	stream.indirect_vreg.gather [hbm4b:s5+s3], $0x80, v3, vm0, $0xb8;
	[tilespmem:$0x10100] =	vst v63  }
0x157: {  	s31 =	simm.s32 $0x3900  }
0x158: {  	[tilespmem:s31], [sflag:$0x1] =	stream.indirect_vreg.gather [hbm4b:s6+s3], $0x80, v3, vm0, $0xb8;
	[tilespmem:$0x10100] =	vst v63  }
0x159: {  	v3 =	vld [tilespmem:$0xD0];
	_ =	sdelay $0x4  }
0x15a: {  	v61 =	vshll.u32 v3, $0x3  }
0x15b: {  	v3 =	vand.u32 $0x7, v3;
	v4 =	vand.u32 $0xFFFFFFC0, v61  }
0x15c: {  	v3 =	vor.u32 v3, v4  }
0x15d: {  	v4 =	vperm.xlane v3, v0;
	_ =	sdelay $0x1  }
0x15e: {  	v4 =	vadd.s32 v1, v4;
	_ =	sdelay $0x3  }
0x15f: {  	s24 =	simm.s32 $0x4100  }
0x160: {  	[tilespmem:s24], [sflag:$0x1] =	stream.indirect_vreg.gather [hbm4b:s1+s3], $0x80, v4, vm0, $0xb8;
	[tilespmem:$0x10100] =	vst v63  }
0x161: {  	s28 =	simm.s32 $0x4900;
	v3 =	vperm.xlane v3, v2  }
0x162: {  	[tilespmem:s28], [sflag:$0x1] =	stream.indirect_vreg.gather [hbm4b:s4+s3], $0x80, v4, vm0, $0xb8;
	[tilespmem:$0x10100] =	vst v63  }
0x163: {  	s30 =	simm.s32 $0x5100;
	v3 =	vadd.s32 v1, v3  }
0x164: {  	[tilespmem:s30], [sflag:$0x1] =	stream.indirect_vreg.gather [hbm4b:s5+s3], $0x80, v4, vm0, $0xb8;
	[tilespmem:$0x10100] =	vst v63  }
0x165: {  	s31 =	simm.s32 $0x5900  }
0x166: {  	[tilespmem:s31], [sflag:$0x1] =	stream.indirect_vreg.gather [hbm4b:s6+s3], $0x80, v4, vm0, $0xb8;
	[tilespmem:$0x10100] =	vst v63  }
0x167: {  	s14 =	simm.s32 $0x6100  }
0x168: {  	[tilespmem:s14], [sflag:$0x1] =	stream.indirect_vreg.gather [hbm4b:s1+s3], $0x80, v3, vm0, $0xb8;
	[tilespmem:$0x10100] =	vst v63  }
0x169: {  	s16 =	simm.s32 $0x6900  }
0x16a: {  	[tilespmem:s16], [sflag:$0x1] =	stream.indirect_vreg.gather [hbm4b:s4+s3], $0x80, v3, vm0, $0xb8;
	[tilespmem:$0x10100] =	vst v63  }
0x16b: {  	s17 =	simm.s32 $0x7100  }
0x16c: {  	[tilespmem:s17], [sflag:$0x1] =	stream.indirect_vreg.gather [hbm4b:s5+s3], $0x80, v3, vm0, $0xb8;
	[tilespmem:$0x10100] =	vst v63  }
0x16d: {  	s16 =	simm.s32 $0x7900  }
0x16e: {  	[tilespmem:s16], [sflag:$0x1] =	stream.indirect_vreg.gather [hbm4b:s6+s3], $0x80, v3, vm0, $0xb8;
	[tilespmem:$0x10100] =	vst v63  }
0x16f: {  	s14 =	rddreg [dreg:$0xa]  }
0x170: {  	[hbm4b:s14+s3] =	stream.linear.scatter [tilespmem:s2], [sflag:$0x4], $0x8000, $0x38;
	[tilespmem:$0x10100] =	vst v63  }
0x171: {  	_ =	swait.ge [sflag:s25], $0x8000  }
0x172: {  	[sflag:s25] =	ssyncset.done $0x0  }
0x173: {  	[sflag:s25] =	ssyncadd.s32 $0xFFFF8000  }
0x174: {  	_ =	swait.ge [sflag:s20], $0x8000  }
0x175: {  	[sflag:s20] =	ssyncset.done $0x0  }
0x176: {  	[sflag:s20] =	ssyncadd.s32 $0xFFFF8000  }
0x177: {  	v3 =	vld [tilespmem:$0xE0];
	_ =	sdelay $0x4  }
0x178: {  	v62 =	vshll.u32 v3, $0x3  }
0x179: {  	v3 =	vand.u32 $0x7, v3;
	v4 =	vand.u32 $0xFFFFFFC0, v62  }
0x17a: {  	v3 =	vor.u32 v3, v4  }
0x17b: {  	v4 =	vperm.xlane v3, v0;
	_ =	sdelay $0x1  }
0x17c: {  	v4 =	vadd.s32 v1, v4;
	_ =	sdelay $0x4  }
0x17d: {  	[tilespmem:s2], [sflag:$0x2] =	stream.indirect_vreg.gather [hbm4b:s1+s3], $0x80, v4, vm0, $0xb8;
	[tilespmem:$0x10100] =	vst v63  }
0x17e: {  	s17 =	simm.s32 $0x8900;
	v3 =	vperm.xlane v3, v2  }
0x17f: {  	[tilespmem:s17], [sflag:$0x2] =	stream.indirect_vreg.gather [hbm4b:s4+s3], $0x80, v4, vm0, $0xb8;
	[tilespmem:$0x10100] =	vst v63  }
0x180: {  	s13 =	simm.s32 $0x9100;
	v3 =	vadd.s32 v1, v3  }
0x181: {  	[tilespmem:s13], [sflag:$0x2] =	stream.indirect_vreg.gather [hbm4b:s5+s3], $0x80, v4, vm0, $0xb8;
	[tilespmem:$0x10100] =	vst v63  }
0x182: {  	s21 =	simm.s32 $0x9900  }
0x183: {  	[tilespmem:s21], [sflag:$0x2] =	stream.indirect_vreg.gather [hbm4b:s6+s3], $0x80, v4, vm0, $0xb8;
	[tilespmem:$0x10100] =	vst v63  }
0x184: {  	s15 =	simm.s32 $0xA100  }
0x185: {  	[tilespmem:s15], [sflag:$0x2] =	stream.indirect_vreg.gather [hbm4b:s1+s3], $0x80, v3, vm0, $0xb8;
	[tilespmem:$0x10100] =	vst v63  }
0x186: {  	s22 =	simm.s32 $0xA900  }
0x187: {  	[tilespmem:s22], [sflag:$0x2] =	stream.indirect_vreg.gather [hbm4b:s4+s3], $0x80, v3, vm0, $0xb8;
	[tilespmem:$0x10100] =	vst v63  }
0x188: {  	s26 =	simm.s32 $0xB100  }
0x189: {  	[tilespmem:s26], [sflag:$0x2] =	stream.indirect_vreg.gather [hbm4b:s5+s3], $0x80, v3, vm0, $0xb8;
	[tilespmem:$0x10100] =	vst v63  }
0x18a: {  	s23 =	simm.s32 $0xB900  }
0x18b: {  	[tilespmem:s23], [sflag:$0x2] =	stream.indirect_vreg.gather [hbm4b:s6+s3], $0x80, v3, vm0, $0xb8;
	[tilespmem:$0x10100] =	vst v63  }
0x18c: {  	v3 =	vld [tilespmem:$0xF0];
	_ =	sdelay $0x4  }
0x18d: {  	v63 =	vshll.u32 v3, $0x3  }
0x18e: {  	v3 =	vand.u32 $0x7, v3;
	v4 =	vand.u32 $0xFFFFFFC0, v63  }
0x18f: {  	v3 =	vor.u32 v3, v4  }
0x190: {  	v4 =	vperm.xlane v3, v0;
	_ =	sdelay $0x1  }
0x191: {  	v4 =	vadd.s32 v1, v4;
	_ =	sdelay $0x3  }
0x192: {  	s24 =	simm.s32 $0xC100  }
0x193: {  	[tilespmem:s24], [sflag:$0x2] =	stream.indirect_vreg.gather [hbm4b:s1+s3], $0x80, v4, vm0, $0xb8;
	[tilespmem:$0x10100] =	vst v63  }
0x194: {  	s26 =	simm.s32 $0xC900;
	v3 =	vperm.xlane v3, v2  }
0x195: {  	[tilespmem:s26], [sflag:$0x2] =	stream.indirect_vreg.gather [hbm4b:s4+s3], $0x80, v4, vm0, $0xb8;
	[tilespmem:$0x10100] =	vst v63  }
0x196: {  	s8 =	simm.s32 $0xD100;
	v3 =	vadd.s32 v1, v3  }
0x197: {  	[tilespmem:s8], [sflag:$0x2] =	stream.indirect_vreg.gather [hbm4b:s5+s3], $0x80, v4, vm0, $0xb8;
	[tilespmem:$0x10100] =	vst v63  }
0x198: {  	s9 =	simm.s32 $0xD900  }
0x199: {  	[tilespmem:s9], [sflag:$0x2] =	stream.indirect_vreg.gather [hbm4b:s6+s3], $0x80, v4, vm0, $0xb8;
	[tilespmem:$0x10100] =	vst v63  }
0x19a: {  	s10 =	simm.s32 $0xE100  }
0x19b: {  	[tilespmem:s10], [sflag:$0x2] =	stream.indirect_vreg.gather [hbm4b:s1+s3], $0x80, v3, vm0, $0xb8;
	[tilespmem:$0x10100] =	vst v63  }
0x19c: {  	s11 =	simm.s32 $0xE900  }
0x19d: {  	[tilespmem:s11], [sflag:$0x2] =	stream.indirect_vreg.gather [hbm4b:s4+s3], $0x80, v3, vm0, $0xb8;
	[tilespmem:$0x10100] =	vst v63  }
0x19e: {  	s12 =	simm.s32 $0xF100  }
0x19f: {  	[tilespmem:s12], [sflag:$0x2] =	stream.indirect_vreg.gather [hbm4b:s5+s3], $0x80, v3, vm0, $0xb8;
	[tilespmem:$0x10100] =	vst v63  }
0x1a0: {  	s30 =	simm.s32 $0xF900  }
0x1a1: {  	[tilespmem:s30], [sflag:$0x2] =	stream.indirect_vreg.gather [hbm4b:s6+s3], $0x80, v3, vm0, $0xb8;
	[tilespmem:$0x10100] =	vst v63  }
0x1a2: {  	s28 =	rddreg [dreg:$0xb]  }
0x1a3: {  	[hbm4b:s28+s3] =	stream.linear.scatter [tilespmem:s29], [sflag:$0x3], $0x8000, $0x38;
	[tilespmem:$0x10100] =	vst v63  }
0x1a4: {  	_ =	swait.ge [sflag:s18], $0x8000  }
0x1a5: {  	[sflag:s18] =	ssyncset.done $0x0  }
0x1a6: {  	s31 =	rddreg [dreg:$0xc];
	[sflag:s18] =	ssyncadd.s32 $0xFFFF8000  }
0x1a7: {  	[hbm4b:s31+s3] =	stream.linear.scatter [tilespmem:s2], [sflag:$0x4], $0x8000, $0x38;
	[tilespmem:$0x10100] =	vst v63  }
0x1a8: {  	p0 =	sne.s32 s7, $0x1;
	_ =	swait.ge [sflag:s19], $0x8000  }
.Ltmp0:
0x1a9: {  	[sflag:s19] =	ssyncset.done $0x0;
	(pc) =	sbr.rel @p0 .LBB2_1-.Ltmp0, $4  }
0x1aa: {  	[sflag:s19] =	ssyncadd.s32 $0xFFFF8000  }
0x1ab: {  	_ =	swait.ge [sflag:s20], $0x8000  }
0x1ac: {  	[sflag:s20] =	ssyncset.done $0x0  }
0x1ad: {  	s7 =	sadd.s32 $0xFFFFFFFF, s7;
	[sflag:s20] =	ssyncadd.s32 $0xFFFF8000  }
0x1ae: {  	_ =	sfence.sel $0x180000  }
0x1af: {  	[bflag:$0x0] =	sbarrier.arrive $0xFFFF  }
0x1b0: {  	_ =	strace $0x90000047  }
0x1b1: {  	s0 =	stileid.u32;
	[bflag:$0x2] =	sbarrier.arrive $0xFFFF  }
0x1b2: {  	p0 =	sne.s32 s0, $0x0;
	s0 =	rddreg [dreg:$0x3]  }
0x1b3: {  	s0 =	sadd.s32 @!p0 $0x100000, s0  }
0x1b4: {  	[sflag:s0] =	ssyncadd.tile.s32 @!p0 $0x1;
	_ =	shalt  }
.Lfunc_end2:
_tile_overlayer_lowered:
.L_overlay_start_2:
0x1b5: {  	(tag) =	ssettag $0x2  }
0x1b6: {  	s0 =	rddreg [dreg:$0x0];
	s2 =	stileid.u32  }
0x1b7: {  	s1 =	rddreg [dreg:$0x1];
	p0 =	sne.s32 s2, $0x0  }
0x1b8: {  	s3 =	rddreg [dreg:$0x2];
	[bflag:$0x3] =	sbarrier.arrive $0xFFFF;
	s2 =	simm.s32 @!p0 $0x1C05  }
0x1b9: {  	[timem:s3], [sflag:s2] =	dma.local @!p0 [hbm:s0], s1  }
0x1ba: {  	s0 =	simm.s32 @!p0 $0x5  }
0x1bb: {  	_ =	swait.ge @!p0 [sflag:s0], s1  }
0x1bc: {  	s1 =	ssub.s32 @!p0 $0x0, s1;
	[sflag:s0] =	ssyncset.done @!p0 $0x0  }
0x1bd: {  	[sflag:s0] =	ssyncadd.s32 @!p0 s1  }
0x1be: {  	[bflag:$0x3] =	sbarrier.arrive $0xFFFF  }
0x1bf: {  	_ =	shalt  }

</sc_bundles>
